<compile_context>
chip_gen: v7x
topology: tpu7x:2x2x1
jax: 0.10.2.dev20260603
libtpu: 0.0.44.dev20260713+nightly
codegen_flags: <defaults>
</compile_context>

<pallas_src>
import functools

import jax
import jax.numpy as jnp
from jax import lax
from jax.experimental import pallas as pl
from jax.experimental.pallas import tpu as pltpu
from jax.experimental.pallas import tpu_sc as plsc

DST_NUM = 16
N_TOK = 8192
D_MODEL = 2048
CAPACITY = 2 * N_TOK // DST_NUM
N_SLOTS = DST_NUM * CAPACITY

NW = 32
TPW = N_TOK // NW
CHUNK = 16
NCHUNK = TPW // CHUNK


def _routing():
    skey = jax.random.key(42)
    score = jax.random.normal(skey, (N_TOK, DST_NUM), dtype=jnp.float32)
    _, top_idx = jax.lax.top_k(score, 1)
    dst = top_idx[:, 0]
    onehot = (dst[:, None] == jnp.arange(DST_NUM)[None, :]).astype(jnp.int32)
    pos = jnp.cumsum(onehot, axis=0) - 1
    pos_in_expert = jnp.take_along_axis(pos, dst[:, None], axis=1)[:, 0]
    flat_dst = (dst * CAPACITY + pos_in_expert).astype(jnp.int32)
    filled = jnp.zeros((N_SLOTS,), jnp.bool_).at[flat_dst].set(True)
    zero_slots = jnp.nonzero(~filled, size=N_SLOTS - N_TOK, fill_value=0)[0]
    return flat_dst, zero_slots.astype(jnp.int32)


@functools.partial(
    pl.kernel,
    out_type=jax.ShapeDtypeStruct((N_SLOTS, D_MODEL), jnp.float32),
    mesh=plsc.VectorSubcoreMesh(core_axis_name="c", subcore_axis_name="s"),
    scratch_types=[
        pltpu.VMEM((NCHUNK, CHUNK), jnp.int32),
        pltpu.VMEM((NCHUNK, CHUNK), jnp.int32),
        pltpu.VMEM((CHUNK, D_MODEL), jnp.float32),
        pltpu.VMEM((CHUNK, D_MODEL), jnp.float32),
        pltpu.SemaphoreType.DMA,
    ],
)
def _scatter_kernel(in_hbm, fd_hbm, zd_hbm, zsrc_hbm, out_hbm,
                    idx_v, zidx_v, buf, zbuf, sem):
    wid = lax.axis_index("s") * 2 + lax.axis_index("c")
    pltpu.sync_copy(fd_hbm.at[pl.ds(wid * NCHUNK, NCHUNK)], idx_v)
    pltpu.sync_copy(zd_hbm.at[pl.ds(wid * NCHUNK, NCHUNK)], zidx_v)
    pltpu.sync_copy(zsrc_hbm, zbuf)

    base = wid * TPW
    for j in range(NCHUNK):
        pltpu.sync_copy(in_hbm.at[pl.ds(base + j * CHUNK, CHUNK)], buf)
        pltpu.async_copy(buf, out_hbm.at[idx_v.at[j]], sem).wait()
    for j in range(NCHUNK):
        pltpu.async_copy(zbuf, out_hbm.at[zidx_v.at[j]], sem).wait()


def kernel(inputs):
    flat_dst, zero_slots = _routing()
    fd = flat_dst.reshape(NW * NCHUNK, CHUNK)
    zd = zero_slots.reshape(NW * NCHUNK, CHUNK)
    zsrc = jnp.zeros((CHUNK, D_MODEL), jnp.float32)
    out = _scatter_kernel(inputs, fd, zd, zsrc)
    return out.reshape(DST_NUM, CAPACITY, D_MODEL)

# --- scband reference (transcript-rebuilt; emitter-appended) ---
"""Pipeline reference for scband-rand-scatter-router-34737695490468 (READ-ONLY COPY).

The authoritative reference and input builder live on the scoring server;
editing this copy changes nothing except your own understanding.
"""

import jax, jax.numpy as jnp
import numpy as np

DST_NUM = 16
N_TOK = 8192
D_MODEL = 2048
CAPACITY = 2 * N_TOK // DST_NUM  # 1024


def setup_inputs(seed: int = 0) -> dict:
    key = jax.random.key(seed)
    inputs = jax.random.normal(key, (N_TOK, D_MODEL), dtype=jnp.float32)
    return {"inputs": inputs}


def reference(inputs):
    # RandomGate: random scores, independent of inputs (fixed key for determinism)
    n = inputs.shape[0]
    skey = jax.random.key(42)
    score = jax.random.normal(skey, (n, DST_NUM), dtype=jnp.float32)
    # ScatterRouter with gate_method='topk', k=1: each token routed to argmax expert
    _, top_idx = jax.lax.top_k(score, 1)
    dst = top_idx[:, 0]  # [N] int32, expert id per token
    # position of each token within its destination expert (running count)
    onehot = (dst[:, None] == jnp.arange(DST_NUM)[None, :]).astype(jnp.int32)  # [N, E]
    pos = jnp.cumsum(onehot, axis=0) - 1  # [N, E]
    pos_in_expert = jnp.take_along_axis(pos, dst[:, None], axis=1)[:, 0]  # [N]
    # scatter tokens into per-expert capacity-bounded buffers; overflow dropped
    buffers = jnp.zeros((DST_NUM, CAPACITY, D_MODEL), dtype=inputs.dtype)
    buffers = buffers.at[dst, pos_in_expert].set(inputs, mode='drop')
    return buffers

if __name__ == "__main__":
    import jax
    _d = setup_inputs()
    print(jax.jit(kernel)(*tuple(_d.values())))

</pallas_src>

<mosaic_0001>
#map = affine_map<(d0, d1) -> (0, 0)>
module attributes {stable_mosaic.version = 14 : i64} {
  func.func @_scatter_kernel(%arg0: i32, %arg1: i32, %arg2: memref<8192x2048xf32, #tpu.memory_space<hbm>>, %arg3: memref<512x16xi32, #tpu.memory_space<hbm>>, %arg4: memref<512x16xi32, #tpu.memory_space<hbm>>, %arg5: memref<16x2048xf32, #tpu.memory_space<hbm>>, %arg6: memref<16384x2048xf32, #tpu.memory_space<hbm>>, %arg7: memref<16x16xi32, #tpu.memory_space<vmem>>, %arg8: memref<16x16xi32, #tpu.memory_space<vmem>>, %arg9: memref<16x2048xf32, #tpu.memory_space<vmem>>, %arg10: memref<16x2048xf32, #tpu.memory_space<vmem>>, %arg11: memref<!tpu.dma_semaphore, #tpu.memory_space<semaphore_mem>>) attributes {dimension_semantics = [#tpu.dimension_semantics<core_parallel>, #tpu.dimension_semantics<subcore_parallel>], iteration_bounds = array<i64: 2, 16>, scalar_prefetch = 0 : i64, scratch_operands = 5 : i64, tpu.core_type = #tpu.core_type<sc_vector_subcore>, window_params = [{transform_indices = #map}, {transform_indices = #map}, {transform_indices = #map}, {transform_indices = #map}, {transform_indices = #map}]} {
    %mul3A = arith.constant 2 : i32
    %mul3A_0 = arith.muli %arg1, %mul3A : i32
    %add3A = arith.addi %mul3A_0, %arg0 : i32
    %mul3A_1 = arith.constant 16 : i32
    %mul3A_2 = arith.muli %add3A, %mul3A_1 : i32
    "tpu.region"() ({
      %run_scoped3A = tpu.sem_alloc : memref<!tpu.dma_semaphore, #tpu.memory_space<semaphore_mem>>
      %dma_start3A_485 = arith.constant 0 : i32
      %dma_start3A_486 = tpu.memref_slice %arg3[%mul3A_2, %dma_start3A_485] : memref<512x16xi32, #tpu.memory_space<hbm>> -> memref<16x16xi32, #tpu.memory_space<hbm>>
      %dma_start3A_487 = arith.constant 0 : i32
      %dma_start3A_488 = tpu.memref_slice %arg3[%mul3A_2, %dma_start3A_487] : memref<512x16xi32, #tpu.memory_space<hbm>> -> memref<16x16xi32, #tpu.memory_space<hbm>>
      tpu.enqueue_dma source(%dma_start3A_488 : memref<16x16xi32, #tpu.memory_space<hbm>>) target(%arg7 : memref<16x16xi32, #tpu.memory_space<vmem>>) target_semaphore(%run_scoped3A : memref<!tpu.dma_semaphore, #tpu.memory_space<semaphore_mem>>)
      %dma_wait3A_489 = arith.constant 0 : i32
      %dma_wait3A_490 = tpu.memref_slice %arg3[%mul3A_2, %dma_wait3A_489] : memref<512x16xi32, #tpu.memory_space<hbm>> -> memref<16x16xi32, #tpu.memory_space<hbm>>
      %dma_wait3A_491 = arith.constant 0 : i32
      %dma_wait3A_492 = tpu.memref_slice %arg3[%mul3A_2, %dma_wait3A_491] : memref<512x16xi32, #tpu.memory_space<hbm>> -> memref<16x16xi32, #tpu.memory_space<hbm>>
      tpu.wait_dma2 semaphore(%run_scoped3A : memref<!tpu.dma_semaphore, #tpu.memory_space<semaphore_mem>>) src(%dma_wait3A_492 : memref<16x16xi32, #tpu.memory_space<hbm>>) dst(%arg7 : memref<16x16xi32, #tpu.memory_space<vmem>>)
      tpu.yield
    }) : () -> ()
    %mul3A_3 = arith.constant 16 : i32
    %mul3A_4 = arith.muli %add3A, %mul3A_3 : i32
    "tpu.region"() ({
      %run_scoped3A = tpu.sem_alloc : memref<!tpu.dma_semaphore, #tpu.memory_space<semaphore_mem>>
      %dma_start3A_485 = arith.constant 0 : i32
      %dma_start3A_486 = tpu.memref_slice %arg4[%mul3A_4, %dma_start3A_485] : memref<512x16xi32, #tpu.memory_space<hbm>> -> memref<16x16xi32, #tpu.memory_space<hbm>>
      %dma_start3A_487 = arith.constant 0 : i32
      %dma_start3A_488 = tpu.memref_slice %arg4[%mul3A_4, %dma_start3A_487] : memref<512x16xi32, #tpu.memory_space<hbm>> -> memref<16x16xi32, #tpu.memory_space<hbm>>
      tpu.enqueue_dma source(%dma_start3A_488 : memref<16x16xi32, #tpu.memory_space<hbm>>) target(%arg8 : memref<16x16xi32, #tpu.memory_space<vmem>>) target_semaphore(%run_scoped3A : memref<!tpu.dma_semaphore, #tpu.memory_space<semaphore_mem>>)
      %dma_wait3A_489 = arith.constant 0 : i32
      %dma_wait3A_490 = tpu.memref_slice %arg4[%mul3A_4, %dma_wait3A_489] : memref<512x16xi32, #tpu.memory_space<hbm>> -> memref<16x16xi32, #tpu.memory_space<hbm>>
      %dma_wait3A_491 = arith.constant 0 : i32
      %dma_wait3A_492 = tpu.memref_slice %arg4[%mul3A_4, %dma_wait3A_491] : memref<512x16xi32, #tpu.memory_space<hbm>> -> memref<16x16xi32, #tpu.memory_space<hbm>>
      tpu.wait_dma2 semaphore(%run_scoped3A : memref<!tpu.dma_semaphore, #tpu.memory_space<semaphore_mem>>) src(%dma_wait3A_492 : memref<16x16xi32, #tpu.memory_space<hbm>>) dst(%arg8 : memref<16x16xi32, #tpu.memory_space<vmem>>)
      tpu.yield
    }) : () -> ()
    "tpu.region"() ({
      %run_scoped3A = tpu.sem_alloc : memref<!tpu.dma_semaphore, #tpu.memory_space<semaphore_mem>>
      tpu.enqueue_dma source(%arg5 : memref<16x2048xf32, #tpu.memory_space<hbm>>) target(%arg10 : memref<16x2048xf32, #tpu.memory_space<vmem>>) target_semaphore(%run_scoped3A : memref<!tpu.dma_semaphore, #tpu.memory_space<semaphore_mem>>)
      tpu.wait_dma2 semaphore(%run_scoped3A : memref<!tpu.dma_semaphore, #tpu.memory_space<semaphore_mem>>) src(%arg5 : memref<16x2048xf32, #tpu.memory_space<hbm>>) dst(%arg10 : memref<16x2048xf32, #tpu.memory_space<vmem>>)
      tpu.yield
    }) : () -> ()
    %mul3A_5 = arith.constant 256 : i32
    %mul3A_6 = arith.muli %add3A, %mul3A_5 : i32
    %add3A_7 = arith.constant 0 : i32
    %add3A_8 = arith.addi %mul3A_6, %add3A_7 : i32
    "tpu.region"() ({
      %run_scoped3A = tpu.sem_alloc : memref<!tpu.dma_semaphore, #tpu.memory_space<semaphore_mem>>
      %dma_start3A_485 = arith.constant 0 : i32
      %dma_start3A_486 = tpu.memref_slice %arg2[%add3A_8, %dma_start3A_485] : memref<8192x2048xf32, #tpu.memory_space<hbm>> -> memref<16x2048xf32, #tpu.memory_space<hbm>>
      %dma_start3A_487 = arith.constant 0 : i32
      %dma_start3A_488 = tpu.memref_slice %arg2[%add3A_8, %dma_start3A_487] : memref<8192x2048xf32, #tpu.memory_space<hbm>> -> memref<16x2048xf32, #tpu.memory_space<hbm>>
      tpu.enqueue_dma source(%dma_start3A_488 : memref<16x2048xf32, #tpu.memory_space<hbm>>) target(%arg9 : memref<16x2048xf32, #tpu.memory_space<vmem>>) target_semaphore(%run_scoped3A : memref<!tpu.dma_semaphore, #tpu.memory_space<semaphore_mem>>)
      %dma_wait3A_489 = arith.constant 0 : i32
      %dma_wait3A_490 = tpu.memref_slice %arg2[%add3A_8, %dma_wait3A_489] : memref<8192x2048xf32, #tpu.memory_space<hbm>> -> memref<16x2048xf32, #tpu.memory_space<hbm>>
      %dma_wait3A_491 = arith.constant 0 : i32
      %dma_wait3A_492 = tpu.memref_slice %arg2[%add3A_8, %dma_wait3A_491] : memref<8192x2048xf32, #tpu.memory_space<hbm>> -> memref<16x2048xf32, #tpu.memory_space<hbm>>
      tpu.wait_dma2 semaphore(%run_scoped3A : memref<!tpu.dma_semaphore, #tpu.memory_space<semaphore_mem>>) src(%dma_wait3A_492 : memref<16x2048xf32, #tpu.memory_space<hbm>>) dst(%arg9 : memref<16x2048xf32, #tpu.memory_space<vmem>>)
      tpu.yield
    }) : () -> ()
    %dma_start3A = arith.constant 0 : i32
    %dma_start3A_9 = arith.constant 0 : i32
    %dma_start3A_10 = tpu.memref_slice %arg7[%dma_start3A, %dma_start3A_9] : memref<16x16xi32, #tpu.memory_space<vmem>> -> memref<1x16xi32, #tpu.memory_space<vmem>>
    %dma_start3A_11 = tpu.memref_squeeze %dma_start3A_10 : memref<1x16xi32, #tpu.memory_space<vmem>> -> memref<16xi32, #tpu.memory_space<vmem>>
    %dma_start3A_12 = arith.constant 0 : i32
    %dma_start3A_13 = arith.constant 0 : i32
    %dma_start3A_14 = tpu.memref_slice %arg6[%dma_start3A_12, %dma_start3A_13] : memref<16384x2048xf32, #tpu.memory_space<hbm>> -> memref<16384x2048xf32, #tpu.memory_space<hbm>>
    tpu.enqueue_indirect_dma source(%arg9 : memref<16x2048xf32, #tpu.memory_space<vmem>>) target(%dma_start3A_14 : memref<16384x2048xf32, #tpu.memory_space<hbm>>) offsets(%dma_start3A_11 : memref<16xi32, #tpu.memory_space<vmem>>) semaphore(%arg11 : memref<!tpu.dma_semaphore, #tpu.memory_space<semaphore_mem>>)
    %dma_wait3A = arith.constant 0 : i32
    %dma_wait3A_15 = arith.constant 0 : i32
    %dma_wait3A_16 = tpu.memref_slice %arg7[%dma_wait3A, %dma_wait3A_15] : memref<16x16xi32, #tpu.memory_space<vmem>> -> memref<1x16xi32, #tpu.memory_space<vmem>>
    %dma_wait3A_17 = tpu.memref_squeeze %dma_wait3A_16 : memref<1x16xi32, #tpu.memory_space<vmem>> -> memref<16xi32, #tpu.memory_space<vmem>>
    %dma_wait3A_18 = arith.constant 0 : i32
    %dma_wait3A_19 = arith.constant 0 : i32
    %dma_wait3A_20 = tpu.memref_slice %arg6[%dma_wait3A_18, %dma_wait3A_19] : memref<16384x2048xf32, #tpu.memory_space<hbm>> -> memref<16384x2048xf32, #tpu.memory_space<hbm>>
    tpu.wait_indirect_dma semaphore(%arg11 : memref<!tpu.dma_semaphore, #tpu.memory_space<semaphore_mem>>) src(%arg9 : memref<16x2048xf32, #tpu.memory_space<vmem>>) dst(%dma_wait3A_20 : memref<16384x2048xf32, #tpu.memory_space<hbm>>)
    %add3A_21 = arith.constant 16 : i32
    %add3A_22 = arith.addi %mul3A_6, %add3A_21 : i32
    "tpu.region"() ({
      %run_scoped3A = tpu.sem_alloc : memref<!tpu.dma_semaphore, #tpu.memory_space<semaphore_mem>>
      %dma_start3A_485 = arith.constant 0 : i32
      %dma_start3A_486 = tpu.memref_slice %arg2[%add3A_22, %dma_start3A_485] : memref<8192x2048xf32, #tpu.memory_space<hbm>> -> memref<16x2048xf32, #tpu.memory_space<hbm>>
      %dma_start3A_487 = arith.constant 0 : i32
      %dma_start3A_488 = tpu.memref_slice %arg2[%add3A_22, %dma_start3A_487] : memref<8192x2048xf32, #tpu.memory_space<hbm>> -> memref<16x2048xf32, #tpu.memory_space<hbm>>
      tpu.enqueue_dma source(%dma_start3A_488 : memref<16x2048xf32, #tpu.memory_space<hbm>>) target(%arg9 : memref<16x2048xf32, #tpu.memory_space<vmem>>) target_semaphore(%run_scoped3A : memref<!tpu.dma_semaphore, #tpu.memory_space<semaphore_mem>>)
      %dma_wait3A_489 = arith.constant 0 : i32
      %dma_wait3A_490 = tpu.memref_slice %arg2[%add3A_22, %dma_wait3A_489] : memref<8192x2048xf32, #tpu.memory_space<hbm>> -> memref<16x2048xf32, #tpu.memory_space<hbm>>
      %dma_wait3A_491 = arith.constant 0 : i32
      %dma_wait3A_492 = tpu.memref_slice %arg2[%add3A_22, %dma_wait3A_491] : memref<8192x2048xf32, #tpu.memory_space<hbm>> -> memref<16x2048xf32, #tpu.memory_space<hbm>>
      tpu.wait_dma2 semaphore(%run_scoped3A : memref<!tpu.dma_semaphore, #tpu.memory_space<semaphore_mem>>) src(%dma_wait3A_492 : memref<16x2048xf32, #tpu.memory_space<hbm>>) dst(%arg9 : memref<16x2048xf32, #tpu.memory_space<vmem>>)
      tpu.yield
    }) : () -> ()
    %dma_start3A_23 = arith.constant 1 : i32
    %dma_start3A_24 = arith.constant 0 : i32
    %dma_start3A_25 = tpu.memref_slice %arg7[%dma_start3A_23, %dma_start3A_24] : memref<16x16xi32, #tpu.memory_space<vmem>> -> memref<1x16xi32, #tpu.memory_space<vmem>>
    %dma_start3A_26 = tpu.memref_squeeze %dma_start3A_25 : memref<1x16xi32, #tpu.memory_space<vmem>> -> memref<16xi32, #tpu.memory_space<vmem>>
    %dma_start3A_27 = arith.constant 0 : i32
    %dma_start3A_28 = arith.constant 0 : i32
    %dma_start3A_29 = tpu.memref_slice %arg6[%dma_start3A_27, %dma_start3A_28] : memref<16384x2048xf32, #tpu.memory_space<hbm>> -> memref<16384x2048xf32, #tpu.memory_space<hbm>>
    tpu.enqueue_indirect_dma source(%arg9 : memref<16x2048xf32, #tpu.memory_space<vmem>>) target(%dma_start3A_29 : memref<16384x2048xf32, #tpu.memory_space<hbm>>) offsets(%dma_start3A_26 : memref<16xi32, #tpu.memory_space<vmem>>) semaphore(%arg11 : memref<!tpu.dma_semaphore, #tpu.memory_space<semaphore_mem>>)
    %dma_wait3A_30 = arith.constant 1 : i32
    %dma_wait3A_31 = arith.constant 0 : i32
    %dma_wait3A_32 = tpu.memref_slice %arg7[%dma_wait3A_30, %dma_wait3A_31] : memref<16x16xi32, #tpu.memory_space<vmem>> -> memref<1x16xi32, #tpu.memory_space<vmem>>
    %dma_wait3A_33 = tpu.memref_squeeze %dma_wait3A_32 : memref<1x16xi32, #tpu.memory_space<vmem>> -> memref<16xi32, #tpu.memory_space<vmem>>
    %dma_wait3A_34 = arith.constant 0 : i32
    %dma_wait3A_35 = arith.constant 0 : i32
    %dma_wait3A_36 = tpu.memref_slice %arg6[%dma_wait3A_34, %dma_wait3A_35] : memref<16384x2048xf32, #tpu.memory_space<hbm>> -> memref<16384x2048xf32, #tpu.memory_space<hbm>>
    tpu.wait_indirect_dma semaphore(%arg11 : memref<!tpu.dma_semaphore, #tpu.memory_space<semaphore_mem>>) src(%arg9 : memref<16x2048xf32, #tpu.memory_space<vmem>>) dst(%dma_wait3A_36 : memref<16384x2048xf32, #tpu.memory_space<hbm>>)
    %add3A_37 = arith.constant 32 : i32
    %add3A_38 = arith.addi %mul3A_6, %add3A_37 : i32
    "tpu.region"() ({
      %run_scoped3A = tpu.sem_alloc : memref<!tpu.dma_semaphore, #tpu.memory_space<semaphore_mem>>
      %dma_start3A_485 = arith.constant 0 : i32
      %dma_start3A_486 = tpu.memref_slice %arg2[%add3A_38, %dma_start3A_485] : memref<8192x2048xf32, #tpu.memory_space<hbm>> -> memref<16x2048xf32, #tpu.memory_space<hbm>>
      %dma_start3A_487 = arith.constant 0 : i32
      %dma_start3A_488 = tpu.memref_slice %arg2[%add3A_38, %dma_start3A_487] : memref<8192x2048xf32, #tpu.memory_space<hbm>> -> memref<16x2048xf32, #tpu.memory_space<hbm>>
      tpu.enqueue_dma source(%dma_start3A_488 : memref<16x2048xf32, #tpu.memory_space<hbm>>) target(%arg9 : memref<16x2048xf32, #tpu.memory_space<vmem>>) target_semaphore(%run_scoped3A : memref<!tpu.dma_semaphore, #tpu.memory_space<semaphore_mem>>)
      %dma_wait3A_489 = arith.constant 0 : i32
      %dma_wait3A_490 = tpu.memref_slice %arg2[%add3A_38, %dma_wait3A_489] : memref<8192x2048xf32, #tpu.memory_space<hbm>> -> memref<16x2048xf32, #tpu.memory_space<hbm>>
      %dma_wait3A_491 = arith.constant 0 : i32
      %dma_wait3A_492 = tpu.memref_slice %arg2[%add3A_38, %dma_wait3A_491] : memref<8192x2048xf32, #tpu.memory_space<hbm>> -> memref<16x2048xf32, #tpu.memory_space<hbm>>
      tpu.wait_dma2 semaphore(%run_scoped3A : memref<!tpu.dma_semaphore, #tpu.memory_space<semaphore_mem>>) src(%dma_wait3A_492 : memref<16x2048xf32, #tpu.memory_space<hbm>>) dst(%arg9 : memref<16x2048xf32, #tpu.memory_space<vmem>>)
      tpu.yield
    }) : () -> ()
    %dma_start3A_39 = arith.constant 2 : i32
    %dma_start3A_40 = arith.constant 0 : i32
    %dma_start3A_41 = tpu.memref_slice %arg7[%dma_start3A_39, %dma_start3A_40] : memref<16x16xi32, #tpu.memory_space<vmem>> -> memref<1x16xi32, #tpu.memory_space<vmem>>
    %dma_start3A_42 = tpu.memref_squeeze %dma_start3A_41 : memref<1x16xi32, #tpu.memory_space<vmem>> -> memref<16xi32, #tpu.memory_space<vmem>>
    %dma_start3A_43 = arith.constant 0 : i32
    %dma_start3A_44 = arith.constant 0 : i32
    %dma_start3A_45 = tpu.memref_slice %arg6[%dma_start3A_43, %dma_start3A_44] : memref<16384x2048xf32, #tpu.memory_space<hbm>> -> memref<16384x2048xf32, #tpu.memory_space<hbm>>
    tpu.enqueue_indirect_dma source(%arg9 : memref<16x2048xf32, #tpu.memory_space<vmem>>) target(%dma_start3A_45 : memref<16384x2048xf32, #tpu.memory_space<hbm>>) offsets(%dma_start3A_42 : memref<16xi32, #tpu.memory_space<vmem>>) semaphore(%arg11 : memref<!tpu.dma_semaphore, #tpu.memory_space<semaphore_mem>>)
    %dma_wait3A_46 = arith.constant 2 : i32
    %dma_wait3A_47 = arith.constant 0 : i32
    %dma_wait3A_48 = tpu.memref_slice %arg7[%dma_wait3A_46, %dma_wait3A_47] : memref<16x16xi32, #tpu.memory_space<vmem>> -> memref<1x16xi32, #tpu.memory_space<vmem>>
    %dma_wait3A_49 = tpu.memref_squeeze %dma_wait3A_48 : memref<1x16xi32, #tpu.memory_space<vmem>> -> memref<16xi32, #tpu.memory_space<vmem>>
    %dma_wait3A_50 = arith.constant 0 : i32
    %dma_wait3A_51 = arith.constant 0 : i32
    %dma_wait3A_52 = tpu.memref_slice %arg6[%dma_wait3A_50, %dma_wait3A_51] : memref<16384x2048xf32, #tpu.memory_space<hbm>> -> memref<16384x2048xf32, #tpu.memory_space<hbm>>
    tpu.wait_indirect_dma semaphore(%arg11 : memref<!tpu.dma_semaphore, #tpu.memory_space<semaphore_mem>>) src(%arg9 : memref<16x2048xf32, #tpu.memory_space<vmem>>) dst(%dma_wait3A_52 : memref<16384x2048xf32, #tpu.memory_space<hbm>>)
    %add3A_53 = arith.constant 48 : i32
    %add3A_54 = arith.addi %mul3A_6, %add3A_53 : i32
    "tpu.region"() ({
      %run_scoped3A = tpu.sem_alloc : memref<!tpu.dma_semaphore, #tpu.memory_space<semaphore_mem>>
      %dma_start3A_485 = arith.constant 0 : i32
      %dma_start3A_486 = tpu.memref_slice %arg2[%add3A_54, %dma_start3A_485] : memref<8192x2048xf32, #tpu.memory_space<hbm>> -> memref<16x2048xf32, #tpu.memory_space<hbm>>
      %dma_start3A_487 = arith.constant 0 : i32
      %dma_start3A_488 = tpu.memref_slice %arg2[%add3A_54, %dma_start3A_487] : memref<8192x2048xf32, #tpu.memory_space<hbm>> -> memref<16x2048xf32, #tpu.memory_space<hbm>>
      tpu.enqueue_dma source(%dma_start3A_488 : memref<16x2048xf32, #tpu.memory_space<hbm>>) target(%arg9 : memref<16x2048xf32, #tpu.memory_space<vmem>>) target_semaphore(%run_scoped3A : memref<!tpu.dma_semaphore, #tpu.memory_space<semaphore_mem>>)
      %dma_wait3A_489 = arith.constant 0 : i32
      %dma_wait3A_490 = tpu.memref_slice %arg2[%add3A_54, %dma_wait3A_489] : memref<8192x2048xf32, #tpu.memory_space<hbm>> -> memref<16x2048xf32, #tpu.memory_space<hbm>>
      %dma_wait3A_491 = arith.constant 0 : i32
      %dma_wait3A_492 = tpu.memref_slice %arg2[%add3A_54, %dma_wait3A_491] : memref<8192x2048xf32, #tpu.memory_space<hbm>> -> memref<16x2048xf32, #tpu.memory_space<hbm>>
      tpu.wait_dma2 semaphore(%run_scoped3A : memref<!tpu.dma_semaphore, #tpu.memory_space<semaphore_mem>>) src(%dma_wait3A_492 : memref<16x2048xf32, #tpu.memory_space<hbm>>) dst(%arg9 : memref<16x2048xf32, #tpu.memory_space<vmem>>)
      tpu.yield
    }) : () -> ()
    %dma_start3A_55 = arith.constant 3 : i32
    %dma_start3A_56 = arith.constant 0 : i32
    %dma_start3A_57 = tpu.memref_slice %arg7[%dma_start3A_55, %dma_start3A_56] : memref<16x16xi32, #tpu.memory_space<vmem>> -> memref<1x16xi32, #tpu.memory_space<vmem>>
    %dma_start3A_58 = tpu.memref_squeeze %dma_start3A_57 : memref<1x16xi32, #tpu.memory_space<vmem>> -> memref<16xi32, #tpu.memory_space<vmem>>
    %dma_start3A_59 = arith.constant 0 : i32
    %dma_start3A_60 = arith.constant 0 : i32
    %dma_start3A_61 = tpu.memref_slice %arg6[%dma_start3A_59, %dma_start3A_60] : memref<16384x2048xf32, #tpu.memory_space<hbm>> -> memref<16384x2048xf32, #tpu.memory_space<hbm>>
    tpu.enqueue_indirect_dma source(%arg9 : memref<16x2048xf32, #tpu.memory_space<vmem>>) target(%dma_start3A_61 : memref<16384x2048xf32, #tpu.memory_space<hbm>>) offsets(%dma_start3A_58 : memref<16xi32, #tpu.memory_space<vmem>>) semaphore(%arg11 : memref<!tpu.dma_semaphore, #tpu.memory_space<semaphore_mem>>)
    %dma_wait3A_62 = arith.constant 3 : i32
    %dma_wait3A_63 = arith.constant 0 : i32
    %dma_wait3A_64 = tpu.memref_slice %arg7[%dma_wait3A_62, %dma_wait3A_63] : memref<16x16xi32, #tpu.memory_space<vmem>> -> memref<1x16xi32, #tpu.memory_space<vmem>>
    %dma_wait3A_65 = tpu.memref_squeeze %dma_wait3A_64 : memref<1x16xi32, #tpu.memory_space<vmem>> -> memref<16xi32, #tpu.memory_space<vmem>>
    %dma_wait3A_66 = arith.constant 0 : i32
    %dma_wait3A_67 = arith.constant 0 : i32
    %dma_wait3A_68 = tpu.memref_slice %arg6[%dma_wait3A_66, %dma_wait3A_67] : memref<16384x2048xf32, #tpu.memory_space<hbm>> -> memref<16384x2048xf32, #tpu.memory_space<hbm>>
    tpu.wait_indirect_dma semaphore(%arg11 : memref<!tpu.dma_semaphore, #tpu.memory_space<semaphore_mem>>) src(%arg9 : memref<16x2048xf32, #tpu.memory_space<vmem>>) dst(%dma_wait3A_68 : memref<16384x2048xf32, #tpu.memory_space<hbm>>)
    %add3A_69 = arith.constant 64 : i32
    %add3A_70 = arith.addi %mul3A_6, %add3A_69 : i32
    "tpu.region"() ({
      %run_scoped3A = tpu.sem_alloc : memref<!tpu.dma_semaphore, #tpu.memory_space<semaphore_mem>>
      %dma_start3A_485 = arith.constant 0 : i32
      %dma_start3A_486 = tpu.memref_slice %arg2[%add3A_70, %dma_start3A_485] : memref<8192x2048xf32, #tpu.memory_space<hbm>> -> memref<16x2048xf32, #tpu.memory_space<hbm>>
      %dma_start3A_487 = arith.constant 0 : i32
      %dma_start3A_488 = tpu.memref_slice %arg2[%add3A_70, %dma_start3A_487] : memref<8192x2048xf32, #tpu.memory_space<hbm>> -> memref<16x2048xf32, #tpu.memory_space<hbm>>
      tpu.enqueue_dma source(%dma_start3A_488 : memref<16x2048xf32, #tpu.memory_space<hbm>>) target(%arg9 : memref<16x2048xf32, #tpu.memory_space<vmem>>) target_semaphore(%run_scoped3A : memref<!tpu.dma_semaphore, #tpu.memory_space<semaphore_mem>>)
      %dma_wait3A_489 = arith.constant 0 : i32
      %dma_wait3A_490 = tpu.memref_slice %arg2[%add3A_70, %dma_wait3A_489] : memref<8192x2048xf32, #tpu.memory_space<hbm>> -> memref<16x2048xf32, #tpu.memory_space<hbm>>
      %dma_wait3A_491 = arith.constant 0 : i32
      %dma_wait3A_492 = tpu.memref_slice %arg2[%add3A_70, %dma_wait3A_491] : memref<8192x2048xf32, #tpu.memory_space<hbm>> -> memref<16x2048xf32, #tpu.memory_space<hbm>>
      tpu.wait_dma2 semaphore(%run_scoped3A : memref<!tpu.dma_semaphore, #tpu.memory_space<semaphore_mem>>) src(%dma_wait3A_492 : memref<16x2048xf32, #tpu.memory_space<hbm>>) dst(%arg9 : memref<16x2048xf32, #tpu.memory_space<vmem>>)
      tpu.yield
    }) : () -> ()
    %dma_start3A_71 = arith.constant 4 : i32
    %dma_start3A_72 = arith.constant 0 : i32
    %dma_start3A_73 = tpu.memref_slice %arg7[%dma_start3A_71, %dma_start3A_72] : memref<16x16xi32, #tpu.memory_space<vmem>> -> memref<1x16xi32, #tpu.memory_space<vmem>>
    %dma_start3A_74 = tpu.memref_squeeze %dma_start3A_73 : memref<1x16xi32, #tpu.memory_space<vmem>> -> memref<16xi32, #tpu.memory_space<vmem>>
    %dma_start3A_75 = arith.constant 0 : i32
    %dma_start3A_76 = arith.constant 0 : i32
    %dma_start3A_77 = tpu.memref_slice %arg6[%dma_start3A_75, %dma_start3A_76] : memref<16384x2048xf32, #tpu.memory_space<hbm>> -> memref<16384x2048xf32, #tpu.memory_space<hbm>>
    tpu.enqueue_indirect_dma source(%arg9 : memref<16x2048xf32, #tpu.memory_space<vmem>>) target(%dma_start3A_77 : memref<16384x2048xf32, #tpu.memory_space<hbm>>) offsets(%dma_start3A_74 : memref<16xi32, #tpu.memory_space<vmem>>) semaphore(%arg11 : memref<!tpu.dma_semaphore, #tpu.memory_space<semaphore_mem>>)
    %dma_wait3A_78 = arith.constant 4 : i32
    %dma_wait3A_79 = arith.constant 0 : i32
    %dma_wait3A_80 = tpu.memref_slice %arg7[%dma_wait3A_78, %dma_wait3A_79] : memref<16x16xi32, #tpu.memory_space<vmem>> -> memref<1x16xi32, #tpu.memory_space<vmem>>
    %dma_wait3A_81 = tpu.memref_squeeze %dma_wait3A_80 : memref<1x16xi32, #tpu.memory_space<vmem>> -> memref<16xi32, #tpu.memory_space<vmem>>
    %dma_wait3A_82 = arith.constant 0 : i32
    %dma_wait3A_83 = arith.constant 0 : i32
    %dma_wait3A_84 = tpu.memref_slice %arg6[%dma_wait3A_82, %dma_wait3A_83] : memref<16384x2048xf32, #tpu.memory_space<hbm>> -> memref<16384x2048xf32, #tpu.memory_space<hbm>>
    tpu.wait_indirect_dma semaphore(%arg11 : memref<!tpu.dma_semaphore, #tpu.memory_space<semaphore_mem>>) src(%arg9 : memref<16x2048xf32, #tpu.memory_space<vmem>>) dst(%dma_wait3A_84 : memref<16384x2048xf32, #tpu.memory_space<hbm>>)
    %add3A_85 = arith.constant 80 : i32
    %add3A_86 = arith.addi %mul3A_6, %add3A_85 : i32
    "tpu.region"() ({
      %run_scoped3A = tpu.sem_alloc : memref<!tpu.dma_semaphore, #tpu.memory_space<semaphore_mem>>
      %dma_start3A_485 = arith.constant 0 : i32
      %dma_start3A_486 = tpu.memref_slice %arg2[%add3A_86, %dma_start3A_485] : memref<8192x2048xf32, #tpu.memory_space<hbm>> -> memref<16x2048xf32, #tpu.memory_space<hbm>>
      %dma_start3A_487 = arith.constant 0 : i32
      %dma_start3A_488 = tpu.memref_slice %arg2[%add3A_86, %dma_start3A_487] : memref<8192x2048xf32, #tpu.memory_space<hbm>> -> memref<16x2048xf32, #tpu.memory_space<hbm>>
      tpu.enqueue_dma source(%dma_start3A_488 : memref<16x2048xf32, #tpu.memory_space<hbm>>) target(%arg9 : memref<16x2048xf32, #tpu.memory_space<vmem>>) target_semaphore(%run_scoped3A : memref<!tpu.dma_semaphore, #tpu.memory_space<semaphore_mem>>)
      %dma_wait3A_489 = arith.constant 0 : i32
      %dma_wait3A_490 = tpu.memref_slice %arg2[%add3A_86, %dma_wait3A_489] : memref<8192x2048xf32, #tpu.memory_space<hbm>> -> memref<16x2048xf32, #tpu.memory_space<hbm>>
      %dma_wait3A_491 = arith.constant 0 : i32
      %dma_wait3A_492 = tpu.memref_slice %arg2[%add3A_86, %dma_wait3A_491] : memref<8192x2048xf32, #tpu.memory_space<hbm>> -> memref<16x2048xf32, #tpu.memory_space<hbm>>
      tpu.wait_dma2 semaphore(%run_scoped3A : memref<!tpu.dma_semaphore, #tpu.memory_space<semaphore_mem>>) src(%dma_wait3A_492 : memref<16x2048xf32, #tpu.memory_space<hbm>>) dst(%arg9 : memref<16x2048xf32, #tpu.memory_space<vmem>>)
      tpu.yield
    }) : () -> ()
    %dma_start3A_87 = arith.constant 5 : i32
    %dma_start3A_88 = arith.constant 0 : i32
    %dma_start3A_89 = tpu.memref_slice %arg7[%dma_start3A_87, %dma_start3A_88] : memref<16x16xi32, #tpu.memory_space<vmem>> -> memref<1x16xi32, #tpu.memory_space<vmem>>
    %dma_start3A_90 = tpu.memref_squeeze %dma_start3A_89 : memref<1x16xi32, #tpu.memory_space<vmem>> -> memref<16xi32, #tpu.memory_space<vmem>>
    %dma_start3A_91 = arith.constant 0 : i32
    %dma_start3A_92 = arith.constant 0 : i32
    %dma_start3A_93 = tpu.memref_slice %arg6[%dma_start3A_91, %dma_start3A_92] : memref<16384x2048xf32, #tpu.memory_space<hbm>> -> memref<16384x2048xf32, #tpu.memory_space<hbm>>
    tpu.enqueue_indirect_dma source(%arg9 : memref<16x2048xf32, #tpu.memory_space<vmem>>) target(%dma_start3A_93 : memref<16384x2048xf32, #tpu.memory_space<hbm>>) offsets(%dma_start3A_90 : memref<16xi32, #tpu.memory_space<vmem>>) semaphore(%arg11 : memref<!tpu.dma_semaphore, #tpu.memory_space<semaphore_mem>>)
    %dma_wait3A_94 = arith.constant 5 : i32
    %dma_wait3A_95 = arith.constant 0 : i32
    %dma_wait3A_96 = tpu.memref_slice %arg7[%dma_wait3A_94, %dma_wait3A_95] : memref<16x16xi32, #tpu.memory_space<vmem>> -> memref<1x16xi32, #tpu.memory_space<vmem>>
    %dma_wait3A_97 = tpu.memref_squeeze %dma_wait3A_96 : memref<1x16xi32, #tpu.memory_space<vmem>> -> memref<16xi32, #tpu.memory_space<vmem>>
    %dma_wait3A_98 = arith.constant 0 : i32
    %dma_wait3A_99 = arith.constant 0 : i32
    %dma_wait3A_100 = tpu.memref_slice %arg6[%dma_wait3A_98, %dma_wait3A_99] : memref<16384x2048xf32, #tpu.memory_space<hbm>> -> memref<16384x2048xf32, #tpu.memory_space<hbm>>
    tpu.wait_indirect_dma semaphore(%arg11 : memref<!tpu.dma_semaphore, #tpu.memory_space<semaphore_mem>>) src(%arg9 : memref<16x2048xf32, #tpu.memory_space<vmem>>) dst(%dma_wait3A_100 : memref<16384x2048xf32, #tpu.memory_space<hbm>>)
    %add3A_101 = arith.constant 96 : i32
    %add3A_102 = arith.addi %mul3A_6, %add3A_101 : i32
    "tpu.region"() ({
      %run_scoped3A = tpu.sem_alloc : memref<!tpu.dma_semaphore, #tpu.memory_space<semaphore_mem>>
      %dma_start3A_485 = arith.constant 0 : i32
      %dma_start3A_486 = tpu.memref_slice %arg2[%add3A_102, %dma_start3A_485] : memref<8192x2048xf32, #tpu.memory_space<hbm>> -> memref<16x2048xf32, #tpu.memory_space<hbm>>
      %dma_start3A_487 = arith.constant 0 : i32
      %dma_start3A_488 = tpu.memref_slice %arg2[%add3A_102, %dma_start3A_487] : memref<8192x2048xf32, #tpu.memory_space<hbm>> -> memref<16x2048xf32, #tpu.memory_space<hbm>>
      tpu.enqueue_dma source(%dma_start3A_488 : memref<16x2048xf32, #tpu.memory_space<hbm>>) target(%arg9 : memref<16x2048xf32, #tpu.memory_space<vmem>>) target_semaphore(%run_scoped3A : memref<!tpu.dma_semaphore, #tpu.memory_space<semaphore_mem>>)
      %dma_wait3A_489 = arith.constant 0 : i32
      %dma_wait3A_490 = tpu.memref_slice %arg2[%add3A_102, %dma_wait3A_489] : memref<8192x2048xf32, #tpu.memory_space<hbm>> -> memref<16x2048xf32, #tpu.memory_space<hbm>>
      %dma_wait3A_491 = arith.constant 0 : i32
      %dma_wait3A_492 = tpu.memref_slice %arg2[%add3A_102, %dma_wait3A_491] : memref<8192x2048xf32, #tpu.memory_space<hbm>> -> memref<16x2048xf32, #tpu.memory_space<hbm>>
      tpu.wait_dma2 semaphore(%run_scoped3A : memref<!tpu.dma_semaphore, #tpu.memory_space<semaphore_mem>>) src(%dma_wait3A_492 : memref<16x2048xf32, #tpu.memory_space<hbm>>) dst(%arg9 : memref<16x2048xf32, #tpu.memory_space<vmem>>)
      tpu.yield
    }) : () -> ()
    %dma_start3A_103 = arith.constant 6 : i32
    %dma_start3A_104 = arith.constant 0 : i32
    %dma_start3A_105 = tpu.memref_slice %arg7[%dma_start3A_103, %dma_start3A_104] : memref<16x16xi32, #tpu.memory_space<vmem>> -> memref<1x16xi32, #tpu.memory_space<vmem>>
    %dma_start3A_106 = tpu.memref_squeeze %dma_start3A_105 : memref<1x16xi32, #tpu.memory_space<vmem>> -> memref<16xi32, #tpu.memory_space<vmem>>
    %dma_start3A_107 = arith.constant 0 : i32
    %dma_start3A_108 = arith.constant 0 : i32
    %dma_start3A_109 = tpu.memref_slice %arg6[%dma_start3A_107, %dma_start3A_108] : memref<16384x2048xf32, #tpu.memory_space<hbm>> -> memref<16384x2048xf32, #tpu.memory_space<hbm>>
    tpu.enqueue_indirect_dma source(%arg9 : memref<16x2048xf32, #tpu.memory_space<vmem>>) target(%dma_start3A_109 : memref<16384x2048xf32, #tpu.memory_space<hbm>>) offsets(%dma_start3A_106 : memref<16xi32, #tpu.memory_space<vmem>>) semaphore(%arg11 : memref<!tpu.dma_semaphore, #tpu.memory_space<semaphore_mem>>)
    %dma_wait3A_110 = arith.constant 6 : i32
    %dma_wait3A_111 = arith.constant 0 : i32
    %dma_wait3A_112 = tpu.memref_slice %arg7[%dma_wait3A_110, %dma_wait3A_111] : memref<16x16xi32, #tpu.memory_space<vmem>> -> memref<1x16xi32, #tpu.memory_space<vmem>>
    %dma_wait3A_113 = tpu.memref_squeeze %dma_wait3A_112 : memref<1x16xi32, #tpu.memory_space<vmem>> -> memref<16xi32, #tpu.memory_space<vmem>>
    %dma_wait3A_114 = arith.constant 0 : i32
    %dma_wait3A_115 = arith.constant 0 : i32
    %dma_wait3A_116 = tpu.memref_slice %arg6[%dma_wait3A_114, %dma_wait3A_115] : memref<16384x2048xf32, #tpu.memory_space<hbm>> -> memref<16384x2048xf32, #tpu.memory_space<hbm>>
    tpu.wait_indirect_dma semaphore(%arg11 : memref<!tpu.dma_semaphore, #tpu.memory_space<semaphore_mem>>) src(%arg9 : memref<16x2048xf32, #tpu.memory_space<vmem>>) dst(%dma_wait3A_116 : memref<16384x2048xf32, #tpu.memory_space<hbm>>)
    %add3A_117 = arith.constant 112 : i32
    %add3A_118 = arith.addi %mul3A_6, %add3A_117 : i32
    "tpu.region"() ({
      %run_scoped3A = tpu.sem_alloc : memref<!tpu.dma_semaphore, #tpu.memory_space<semaphore_mem>>
      %dma_start3A_485 = arith.constant 0 : i32
      %dma_start3A_486 = tpu.memref_slice %arg2[%add3A_118, %dma_start3A_485] : memref<8192x2048xf32, #tpu.memory_space<hbm>> -> memref<16x2048xf32, #tpu.memory_space<hbm>>
      %dma_start3A_487 = arith.constant 0 : i32
      %dma_start3A_488 = tpu.memref_slice %arg2[%add3A_118, %dma_start3A_487] : memref<8192x2048xf32, #tpu.memory_space<hbm>> -> memref<16x2048xf32, #tpu.memory_space<hbm>>
      tpu.enqueue_dma source(%dma_start3A_488 : memref<16x2048xf32, #tpu.memory_space<hbm>>) target(%arg9 : memref<16x2048xf32, #tpu.memory_space<vmem>>) target_semaphore(%run_scoped3A : memref<!tpu.dma_semaphore, #tpu.memory_space<semaphore_mem>>)
      %dma_wait3A_489 = arith.constant 0 : i32
      %dma_wait3A_490 = tpu.memref_slice %arg2[%add3A_118, %dma_wait3A_489] : memref<8192x2048xf32, #tpu.memory_space<hbm>> -> memref<16x2048xf32, #tpu.memory_space<hbm>>
      %dma_wait3A_491 = arith.constant 0 : i32
      %dma_wait3A_492 = tpu.memref_slice %arg2[%add3A_118, %dma_wait3A_491] : memref<8192x2048xf32, #tpu.memory_space<hbm>> -> memref<16x2048xf32, #tpu.memory_space<hbm>>
      tpu.wait_dma2 semaphore(%run_scoped3A : memref<!tpu.dma_semaphore, #tpu.memory_space<semaphore_mem>>) src(%dma_wait3A_492 : memref<16x2048xf32, #tpu.memory_space<hbm>>) dst(%arg9 : memref<16x2048xf32, #tpu.memory_space<vmem>>)
      tpu.yield
    }) : () -> ()
    %dma_start3A_119 = arith.constant 7 : i32
    %dma_start3A_120 = arith.constant 0 : i32
    %dma_start3A_121 = tpu.memref_slice %arg7[%dma_start3A_119, %dma_start3A_120] : memref<16x16xi32, #tpu.memory_space<vmem>> -> memref<1x16xi32, #tpu.memory_space<vmem>>
    %dma_start3A_122 = tpu.memref_squeeze %dma_start3A_121 : memref<1x16xi32, #tpu.memory_space<vmem>> -> memref<16xi32, #tpu.memory_space<vmem>>
    %dma_start3A_123 = arith.constant 0 : i32
    %dma_start3A_124 = arith.constant 0 : i32
    %dma_start3A_125 = tpu.memref_slice %arg6[%dma_start3A_123, %dma_start3A_124] : memref<16384x2048xf32, #tpu.memory_space<hbm>> -> memref<16384x2048xf32, #tpu.memory_space<hbm>>
    tpu.enqueue_indirect_dma source(%arg9 : memref<16x2048xf32, #tpu.memory_space<vmem>>) target(%dma_start3A_125 : memref<16384x2048xf32, #tpu.memory_space<hbm>>) offsets(%dma_start3A_122 : memref<16xi32, #tpu.memory_space<vmem>>) semaphore(%arg11 : memref<!tpu.dma_semaphore, #tpu.memory_space<semaphore_mem>>)
    %dma_wait3A_126 = arith.constant 7 : i32
    %dma_wait3A_127 = arith.constant 0 : i32
    %dma_wait3A_128 = tpu.memref_slice %arg7[%dma_wait3A_126, %dma_wait3A_127] : memref<16x16xi32, #tpu.memory_space<vmem>> -> memref<1x16xi32, #tpu.memory_space<vmem>>
    %dma_wait3A_129 = tpu.memref_squeeze %dma_wait3A_128 : memref<1x16xi32, #tpu.memory_space<vmem>> -> memref<16xi32, #tpu.memory_space<vmem>>
    %dma_wait3A_130 = arith.constant 0 : i32
    %dma_wait3A_131 = arith.constant 0 : i32
    %dma_wait3A_132 = tpu.memref_slice %arg6[%dma_wait3A_130, %dma_wait3A_131] : memref<16384x2048xf32, #tpu.memory_space<hbm>> -> memref<16384x2048xf32, #tpu.memory_space<hbm>>
    tpu.wait_indirect_dma semaphore(%arg11 : memref<!tpu.dma_semaphore, #tpu.memory_space<semaphore_mem>>) src(%arg9 : memref<16x2048xf32, #tpu.memory_space<vmem>>) dst(%dma_wait3A_132 : memref<16384x2048xf32, #tpu.memory_space<hbm>>)
    %add3A_133 = arith.constant 128 : i32
    %add3A_134 = arith.addi %mul3A_6, %add3A_133 : i32
    "tpu.region"() ({
      %run_scoped3A = tpu.sem_alloc : memref<!tpu.dma_semaphore, #tpu.memory_space<semaphore_mem>>
      %dma_start3A_485 = arith.constant 0 : i32
      %dma_start3A_486 = tpu.memref_slice %arg2[%add3A_134, %dma_start3A_485] : memref<8192x2048xf32, #tpu.memory_space<hbm>> -> memref<16x2048xf32, #tpu.memory_space<hbm>>
      %dma_start3A_487 = arith.constant 0 : i32
      %dma_start3A_488 = tpu.memref_slice %arg2[%add3A_134, %dma_start3A_487] : memref<8192x2048xf32, #tpu.memory_space<hbm>> -> memref<16x2048xf32, #tpu.memory_space<hbm>>
      tpu.enqueue_dma source(%dma_start3A_488 : memref<16x2048xf32, #tpu.memory_space<hbm>>) target(%arg9 : memref<16x2048xf32, #tpu.memory_space<vmem>>) target_semaphore(%run_scoped3A : memref<!tpu.dma_semaphore, #tpu.memory_space<semaphore_mem>>)
      %dma_wait3A_489 = arith.constant 0 : i32
      %dma_wait3A_490 = tpu.memref_slice %arg2[%add3A_134, %dma_wait3A_489] : memref<8192x2048xf32, #tpu.memory_space<hbm>> -> memref<16x2048xf32, #tpu.memory_space<hbm>>
      %dma_wait3A_491 = arith.constant 0 : i32
      %dma_wait3A_492 = tpu.memref_slice %arg2[%add3A_134, %dma_wait3A_491] : memref<8192x2048xf32, #tpu.memory_space<hbm>> -> memref<16x2048xf32, #tpu.memory_space<hbm>>
      tpu.wait_dma2 semaphore(%run_scoped3A : memref<!tpu.dma_semaphore, #tpu.memory_space<semaphore_mem>>) src(%dma_wait3A_492 : memref<16x2048xf32, #tpu.memory_space<hbm>>) dst(%arg9 : memref<16x2048xf32, #tpu.memory_space<vmem>>)
      tpu.yield
    }) : () -> ()
    %dma_start3A_135 = arith.constant 8 : i32
    %dma_start3A_136 = arith.constant 0 : i32
    %dma_start3A_137 = tpu.memref_slice %arg7[%dma_start3A_135, %dma_start3A_136] : memref<16x16xi32, #tpu.memory_space<vmem>> -> memref<1x16xi32, #tpu.memory_space<vmem>>
    %dma_start3A_138 = tpu.memref_squeeze %dma_start3A_137 : memref<1x16xi32, #tpu.memory_space<vmem>> -> memref<16xi32, #tpu.memory_space<vmem>>
    %dma_start3A_139 = arith.constant 0 : i32
    %dma_start3A_140 = arith.constant 0 : i32
    %dma_start3A_141 = tpu.memref_slice %arg6[%dma_start3A_139, %dma_start3A_140] : memref<16384x2048xf32, #tpu.memory_space<hbm>> -> memref<16384x2048xf32, #tpu.memory_space<hbm>>
    tpu.enqueue_indirect_dma source(%arg9 : memref<16x2048xf32, #tpu.memory_space<vmem>>) target(%dma_start3A_141 : memref<16384x2048xf32, #tpu.memory_space<hbm>>) offsets(%dma_start3A_138 : memref<16xi32, #tpu.memory_space<vmem>>) semaphore(%arg11 : memref<!tpu.dma_semaphore, #tpu.memory_space<semaphore_mem>>)
    %dma_wait3A_142 = arith.constant 8 : i32
    %dma_wait3A_143 = arith.constant 0 : i32
    %dma_wait3A_144 = tpu.memref_slice %arg7[%dma_wait3A_142, %dma_wait3A_143] : memref<16x16xi32, #tpu.memory_space<vmem>> -> memref<1x16xi32, #tpu.memory_space<vmem>>
    %dma_wait3A_145 = tpu.memref_squeeze %dma_wait3A_144 : memref<1x16xi32, #tpu.memory_space<vmem>> -> memref<16xi32, #tpu.memory_space<vmem>>
    %dma_wait3A_146 = arith.constant 0 : i32
    %dma_wait3A_147 = arith.constant 0 : i32
    %dma_wait3A_148 = tpu.memref_slice %arg6[%dma_wait3A_146, %dma_wait3A_147] : memref<16384x2048xf32, #tpu.memory_space<hbm>> -> memref<16384x2048xf32, #tpu.memory_space<hbm>>
    tpu.wait_indirect_dma semaphore(%arg11 : memref<!tpu.dma_semaphore, #tpu.memory_space<semaphore_mem>>) src(%arg9 : memref<16x2048xf32, #tpu.memory_space<vmem>>) dst(%dma_wait3A_148 : memref<16384x2048xf32, #tpu.memory_space<hbm>>)
    %add3A_149 = arith.constant 144 : i32
    %add3A_150 = arith.addi %mul3A_6, %add3A_149 : i32
    "tpu.region"() ({
      %run_scoped3A = tpu.sem_alloc : memref<!tpu.dma_semaphore, #tpu.memory_space<semaphore_mem>>
      %dma_start3A_485 = arith.constant 0 : i32
      %dma_start3A_486 = tpu.memref_slice %arg2[%add3A_150, %dma_start3A_485] : memref<8192x2048xf32, #tpu.memory_space<hbm>> -> memref<16x2048xf32, #tpu.memory_space<hbm>>
      %dma_start3A_487 = arith.constant 0 : i32
      %dma_start3A_488 = tpu.memref_slice %arg2[%add3A_150, %dma_start3A_487] : memref<8192x2048xf32, #tpu.memory_space<hbm>> -> memref<16x2048xf32, #tpu.memory_space<hbm>>
      tpu.enqueue_dma source(%dma_start3A_488 : memref<16x2048xf32, #tpu.memory_space<hbm>>) target(%arg9 : memref<16x2048xf32, #tpu.memory_space<vmem>>) target_semaphore(%run_scoped3A : memref<!tpu.dma_semaphore, #tpu.memory_space<semaphore_mem>>)
      %dma_wait3A_489 = arith.constant 0 : i32
      %dma_wait3A_490 = tpu.memref_slice %arg2[%add3A_150, %dma_wait3A_489] : memref<8192x2048xf32, #tpu.memory_space<hbm>> -> memref<16x2048xf32, #tpu.memory_space<hbm>>
      %dma_wait3A_491 = arith.constant 0 : i32
      %dma_wait3A_492 = tpu.memref_slice %arg2[%add3A_150, %dma_wait3A_491] : memref<8192x2048xf32, #tpu.memory_space<hbm>> -> memref<16x2048xf32, #tpu.memory_space<hbm>>
      tpu.wait_dma2 semaphore(%run_scoped3A : memref<!tpu.dma_semaphore, #tpu.memory_space<semaphore_mem>>) src(%dma_wait3A_492 : memref<16x2048xf32, #tpu.memory_space<hbm>>) dst(%arg9 : memref<16x2048xf32, #tpu.memory_space<vmem>>)
      tpu.yield
    }) : () -> ()
    %dma_start3A_151 = arith.constant 9 : i32
    %dma_start3A_152 = arith.constant 0 : i32
    %dma_start3A_153 = tpu.memref_slice %arg7[%dma_start3A_151, %dma_start3A_152] : memref<16x16xi32, #tpu.memory_space<vmem>> -> memref<1x16xi32, #tpu.memory_space<vmem>>
    %dma_start3A_154 = tpu.memref_squeeze %dma_start3A_153 : memref<1x16xi32, #tpu.memory_space<vmem>> -> memref<16xi32, #tpu.memory_space<vmem>>
    %dma_start3A_155 = arith.constant 0 : i32
    %dma_start3A_156 = arith.constant 0 : i32
    %dma_start3A_157 = tpu.memref_slice %arg6[%dma_start3A_155, %dma_start3A_156] : memref<16384x2048xf32, #tpu.memory_space<hbm>> -> memref<16384x2048xf32, #tpu.memory_space<hbm>>
    tpu.enqueue_indirect_dma source(%arg9 : memref<16x2048xf32, #tpu.memory_space<vmem>>) target(%dma_start3A_157 : memref<16384x2048xf32, #tpu.memory_space<hbm>>) offsets(%dma_start3A_154 : memref<16xi32, #tpu.memory_space<vmem>>) semaphore(%arg11 : memref<!tpu.dma_semaphore, #tpu.memory_space<semaphore_mem>>)
    %dma_wait3A_158 = arith.constant 9 : i32
    %dma_wait3A_159 = arith.constant 0 : i32
    %dma_wait3A_160 = tpu.memref_slice %arg7[%dma_wait3A_158, %dma_wait3A_159] : memref<16x16xi32, #tpu.memory_space<vmem>> -> memref<1x16xi32, #tpu.memory_space<vmem>>
    %dma_wait3A_161 = tpu.memref_squeeze %dma_wait3A_160 : memref<1x16xi32, #tpu.memory_space<vmem>> -> memref<16xi32, #tpu.memory_space<vmem>>
    %dma_wait3A_162 = arith.constant 0 : i32
    %dma_wait3A_163 = arith.constant 0 : i32
    %dma_wait3A_164 = tpu.memref_slice %arg6[%dma_wait3A_162, %dma_wait3A_163] : memref<16384x2048xf32, #tpu.memory_space<hbm>> -> memref<16384x2048xf32, #tpu.memory_space<hbm>>
    tpu.wait_indirect_dma semaphore(%arg11 : memref<!tpu.dma_semaphore, #tpu.memory_space<semaphore_mem>>) src(%arg9 : memref<16x2048xf32, #tpu.memory_space<vmem>>) dst(%dma_wait3A_164 : memref<16384x2048xf32, #tpu.memory_space<hbm>>)
    %add3A_165 = arith.constant 160 : i32
    %add3A_166 = arith.addi %mul3A_6, %add3A_165 : i32
    "tpu.region"() ({
      %run_scoped3A = tpu.sem_alloc : memref<!tpu.dma_semaphore, #tpu.memory_space<semaphore_mem>>
      %dma_start3A_485 = arith.constant 0 : i32
      %dma_start3A_486 = tpu.memref_slice %arg2[%add3A_166, %dma_start3A_485] : memref<8192x2048xf32, #tpu.memory_space<hbm>> -> memref<16x2048xf32, #tpu.memory_space<hbm>>
      %dma_start3A_487 = arith.constant 0 : i32
      %dma_start3A_488 = tpu.memref_slice %arg2[%add3A_166, %dma_start3A_487] : memref<8192x2048xf32, #tpu.memory_space<hbm>> -> memref<16x2048xf32, #tpu.memory_space<hbm>>
      tpu.enqueue_dma source(%dma_start3A_488 : memref<16x2048xf32, #tpu.memory_space<hbm>>) target(%arg9 : memref<16x2048xf32, #tpu.memory_space<vmem>>) target_semaphore(%run_scoped3A : memref<!tpu.dma_semaphore, #tpu.memory_space<semaphore_mem>>)
      %dma_wait3A_489 = arith.constant 0 : i32
      %dma_wait3A_490 = tpu.memref_slice %arg2[%add3A_166, %dma_wait3A_489] : memref<8192x2048xf32, #tpu.memory_space<hbm>> -> memref<16x2048xf32, #tpu.memory_space<hbm>>
      %dma_wait3A_491 = arith.constant 0 : i32
      %dma_wait3A_492 = tpu.memref_slice %arg2[%add3A_166, %dma_wait3A_491] : memref<8192x2048xf32, #tpu.memory_space<hbm>> -> memref<16x2048xf32, #tpu.memory_space<hbm>>
      tpu.wait_dma2 semaphore(%run_scoped3A : memref<!tpu.dma_semaphore, #tpu.memory_space<semaphore_mem>>) src(%dma_wait3A_492 : memref<16x2048xf32, #tpu.memory_space<hbm>>) dst(%arg9 : memref<16x2048xf32, #tpu.memory_space<vmem>>)
      tpu.yield
    }) : () -> ()
    %dma_start3A_167 = arith.constant 10 : i32
    %dma_start3A_168 = arith.constant 0 : i32
    %dma_start3A_169 = tpu.memref_slice %arg7[%dma_start3A_167, %dma_start3A_168] : memref<16x16xi32, #tpu.memory_space<vmem>> -> memref<1x16xi32, #tpu.memory_space<vmem>>
    %dma_start3A_170 = tpu.memref_squeeze %dma_start3A_169 : memref<1x16xi32, #tpu.memory_space<vmem>> -> memref<16xi32, #tpu.memory_space<vmem>>
    %dma_start3A_171 = arith.constant 0 : i32
    %dma_start3A_172 = arith.constant 0 : i32
    %dma_start3A_173 = tpu.memref_slice %arg6[%dma_start3A_171, %dma_start3A_172] : memref<16384x2048xf32, #tpu.memory_space<hbm>> -> memref<16384x2048xf32, #tpu.memory_space<hbm>>
    tpu.enqueue_indirect_dma source(%arg9 : memref<16x2048xf32, #tpu.memory_space<vmem>>) target(%dma_start3A_173 : memref<16384x2048xf32, #tpu.memory_space<hbm>>) offsets(%dma_start3A_170 : memref<16xi32, #tpu.memory_space<vmem>>) semaphore(%arg11 : memref<!tpu.dma_semaphore, #tpu.memory_space<semaphore_mem>>)
    %dma_wait3A_174 = arith.constant 10 : i32
    %dma_wait3A_175 = arith.constant 0 : i32
    %dma_wait3A_176 = tpu.memref_slice %arg7[%dma_wait3A_174, %dma_wait3A_175] : memref<16x16xi32, #tpu.memory_space<vmem>> -> memref<1x16xi32, #tpu.memory_space<vmem>>
    %dma_wait3A_177 = tpu.memref_squeeze %dma_wait3A_176 : memref<1x16xi32, #tpu.memory_space<vmem>> -> memref<16xi32, #tpu.memory_space<vmem>>
    %dma_wait3A_178 = arith.constant 0 : i32
    %dma_wait3A_179 = arith.constant 0 : i32
    %dma_wait3A_180 = tpu.memref_slice %arg6[%dma_wait3A_178, %dma_wait3A_179] : memref<16384x2048xf32, #tpu.memory_space<hbm>> -> memref<16384x2048xf32, #tpu.memory_space<hbm>>
    tpu.wait_indirect_dma semaphore(%arg11 : memref<!tpu.dma_semaphore, #tpu.memory_space<semaphore_mem>>) src(%arg9 : memref<16x2048xf32, #tpu.memory_space<vmem>>) dst(%dma_wait3A_180 : memref<16384x2048xf32, #tpu.memory_space<hbm>>)
    %add3A_181 = arith.constant 176 : i32
    %add3A_182 = arith.addi %mul3A_6, %add3A_181 : i32
    "tpu.region"() ({
      %run_scoped3A = tpu.sem_alloc : memref<!tpu.dma_semaphore, #tpu.memory_space<semaphore_mem>>
      %dma_start3A_485 = arith.constant 0 : i32
      %dma_start3A_486 = tpu.memref_slice %arg2[%add3A_182, %dma_start3A_485] : memref<8192x2048xf32, #tpu.memory_space<hbm>> -> memref<16x2048xf32, #tpu.memory_space<hbm>>
      %dma_start3A_487 = arith.constant 0 : i32
      %dma_start3A_488 = tpu.memref_slice %arg2[%add3A_182, %dma_start3A_487] : memref<8192x2048xf32, #tpu.memory_space<hbm>> -> memref<16x2048xf32, #tpu.memory_space<hbm>>
      tpu.enqueue_dma source(%dma_start3A_488 : memref<16x2048xf32, #tpu.memory_space<hbm>>) target(%arg9 : memref<16x2048xf32, #tpu.memory_space<vmem>>) target_semaphore(%run_scoped3A : memref<!tpu.dma_semaphore, #tpu.memory_space<semaphore_mem>>)
      %dma_wait3A_489 = arith.constant 0 : i32
      %dma_wait3A_490 = tpu.memref_slice %arg2[%add3A_182, %dma_wait3A_489] : memref<8192x2048xf32, #tpu.memory_space<hbm>> -> memref<16x2048xf32, #tpu.memory_space<hbm>>
      %dma_wait3A_491 = arith.constant 0 : i32
      %dma_wait3A_492 = tpu.memref_slice %arg2[%add3A_182, %dma_wait3A_491] : memref<8192x2048xf32, #tpu.memory_space<hbm>> -> memref<16x2048xf32, #tpu.memory_space<hbm>>
      tpu.wait_dma2 semaphore(%run_scoped3A : memref<!tpu.dma_semaphore, #tpu.memory_space<semaphore_mem>>) src(%dma_wait3A_492 : memref<16x2048xf32, #tpu.memory_space<hbm>>) dst(%arg9 : memref<16x2048xf32, #tpu.memory_space<vmem>>)
      tpu.yield
    }) : () -> ()
    %dma_start3A_183 = arith.constant 11 : i32
    %dma_start3A_184 = arith.constant 0 : i32
    %dma_start3A_185 = tpu.memref_slice %arg7[%dma_start3A_183, %dma_start3A_184] : memref<16x16xi32, #tpu.memory_space<vmem>> -> memref<1x16xi32, #tpu.memory_space<vmem>>
    %dma_start3A_186 = tpu.memref_squeeze %dma_start3A_185 : memref<1x16xi32, #tpu.memory_space<vmem>> -> memref<16xi32, #tpu.memory_space<vmem>>
    %dma_start3A_187 = arith.constant 0 : i32
    %dma_start3A_188 = arith.constant 0 : i32
    %dma_start3A_189 = tpu.memref_slice %arg6[%dma_start3A_187, %dma_start3A_188] : memref<16384x2048xf32, #tpu.memory_space<hbm>> -> memref<16384x2048xf32, #tpu.memory_space<hbm>>
    tpu.enqueue_indirect_dma source(%arg9 : memref<16x2048xf32, #tpu.memory_space<vmem>>) target(%dma_start3A_189 : memref<16384x2048xf32, #tpu.memory_space<hbm>>) offsets(%dma_start3A_186 : memref<16xi32, #tpu.memory_space<vmem>>) semaphore(%arg11 : memref<!tpu.dma_semaphore, #tpu.memory_space<semaphore_mem>>)
    %dma_wait3A_190 = arith.constant 11 : i32
    %dma_wait3A_191 = arith.constant 0 : i32
    %dma_wait3A_192 = tpu.memref_slice %arg7[%dma_wait3A_190, %dma_wait3A_191] : memref<16x16xi32, #tpu.memory_space<vmem>> -> memref<1x16xi32, #tpu.memory_space<vmem>>
    %dma_wait3A_193 = tpu.memref_squeeze %dma_wait3A_192 : memref<1x16xi32, #tpu.memory_space<vmem>> -> memref<16xi32, #tpu.memory_space<vmem>>
    %dma_wait3A_194 = arith.constant 0 : i32
    %dma_wait3A_195 = arith.constant 0 : i32
    %dma_wait3A_196 = tpu.memref_slice %arg6[%dma_wait3A_194, %dma_wait3A_195] : memref<16384x2048xf32, #tpu.memory_space<hbm>> -> memref<16384x2048xf32, #tpu.memory_space<hbm>>
    tpu.wait_indirect_dma semaphore(%arg11 : memref<!tpu.dma_semaphore, #tpu.memory_space<semaphore_mem>>) src(%arg9 : memref<16x2048xf32, #tpu.memory_space<vmem>>) dst(%dma_wait3A_196 : memref<16384x2048xf32, #tpu.memory_space<hbm>>)
    %add3A_197 = arith.constant 192 : i32
    %add3A_198 = arith.addi %mul3A_6, %add3A_197 : i32
    "tpu.region"() ({
      %run_scoped3A = tpu.sem_alloc : memref<!tpu.dma_semaphore, #tpu.memory_space<semaphore_mem>>
      %dma_start3A_485 = arith.constant 0 : i32
      %dma_start3A_486 = tpu.memref_slice %arg2[%add3A_198, %dma_start3A_485] : memref<8192x2048xf32, #tpu.memory_space<hbm>> -> memref<16x2048xf32, #tpu.memory_space<hbm>>
      %dma_start3A_487 = arith.constant 0 : i32
      %dma_start3A_488 = tpu.memref_slice %arg2[%add3A_198, %dma_start3A_487] : memref<8192x2048xf32, #tpu.memory_space<hbm>> -> memref<16x2048xf32, #tpu.memory_space<hbm>>
      tpu.enqueue_dma source(%dma_start3A_488 : memref<16x2048xf32, #tpu.memory_space<hbm>>) target(%arg9 : memref<16x2048xf32, #tpu.memory_space<vmem>>) target_semaphore(%run_scoped3A : memref<!tpu.dma_semaphore, #tpu.memory_space<semaphore_mem>>)
      %dma_wait3A_489 = arith.constant 0 : i32
      %dma_wait3A_490 = tpu.memref_slice %arg2[%add3A_198, %dma_wait3A_489] : memref<8192x2048xf32, #tpu.memory_space<hbm>> -> memref<16x2048xf32, #tpu.memory_space<hbm>>
      %dma_wait3A_491 = arith.constant 0 : i32
      %dma_wait3A_492 = tpu.memref_slice %arg2[%add3A_198, %dma_wait3A_491] : memref<8192x2048xf32, #tpu.memory_space<hbm>> -> memref<16x2048xf32, #tpu.memory_space<hbm>>
      tpu.wait_dma2 semaphore(%run_scoped3A : memref<!tpu.dma_semaphore, #tpu.memory_space<semaphore_mem>>) src(%dma_wait3A_492 : memref<16x2048xf32, #tpu.memory_space<hbm>>) dst(%arg9 : memref<16x2048xf32, #tpu.memory_space<vmem>>)
      tpu.yield
    }) : () -> ()
    %dma_start3A_199 = arith.constant 12 : i32
    %dma_start3A_200 = arith.constant 0 : i32
    %dma_start3A_201 = tpu.memref_slice %arg7[%dma_start3A_199, %dma_start3A_200] : memref<16x16xi32, #tpu.memory_space<vmem>> -> memref<1x16xi32, #tpu.memory_space<vmem>>
    %dma_start3A_202 = tpu.memref_squeeze %dma_start3A_201 : memref<1x16xi32, #tpu.memory_space<vmem>> -> memref<16xi32, #tpu.memory_space<vmem>>
    %dma_start3A_203 = arith.constant 0 : i32
    %dma_start3A_204 = arith.constant 0 : i32
    %dma_start3A_205 = tpu.memref_slice %arg6[%dma_start3A_203, %dma_start3A_204] : memref<16384x2048xf32, #tpu.memory_space<hbm>> -> memref<16384x2048xf32, #tpu.memory_space<hbm>>
    tpu.enqueue_indirect_dma source(%arg9 : memref<16x2048xf32, #tpu.memory_space<vmem>>) target(%dma_start3A_205 : memref<16384x2048xf32, #tpu.memory_space<hbm>>) offsets(%dma_start3A_202 : memref<16xi32, #tpu.memory_space<vmem>>) semaphore(%arg11 : memref<!tpu.dma_semaphore, #tpu.memory_space<semaphore_mem>>)
    %dma_wait3A_206 = arith.constant 12 : i32
    %dma_wait3A_207 = arith.constant 0 : i32
    %dma_wait3A_208 = tpu.memref_slice %arg7[%dma_wait3A_206, %dma_wait3A_207] : memref<16x16xi32, #tpu.memory_space<vmem>> -> memref<1x16xi32, #tpu.memory_space<vmem>>
    %dma_wait3A_209 = tpu.memref_squeeze %dma_wait3A_208 : memref<1x16xi32, #tpu.memory_space<vmem>> -> memref<16xi32, #tpu.memory_space<vmem>>
    %dma_wait3A_210 = arith.constant 0 : i32
    %dma_wait3A_211 = arith.constant 0 : i32
    %dma_wait3A_212 = tpu.memref_slice %arg6[%dma_wait3A_210, %dma_wait3A_211] : memref<16384x2048xf32, #tpu.memory_space<hbm>> -> memref<16384x2048xf32, #tpu.memory_space<hbm>>
    tpu.wait_indirect_dma semaphore(%arg11 : memref<!tpu.dma_semaphore, #tpu.memory_space<semaphore_mem>>) src(%arg9 : memref<16x2048xf32, #tpu.memory_space<vmem>>) dst(%dma_wait3A_212 : memref<16384x2048xf32, #tpu.memory_space<hbm>>)
    %add3A_213 = arith.constant 208 : i32
    %add3A_214 = arith.addi %mul3A_6, %add3A_213 : i32
    "tpu.region"() ({
      %run_scoped3A = tpu.sem_alloc : memref<!tpu.dma_semaphore, #tpu.memory_space<semaphore_mem>>
      %dma_start3A_485 = arith.constant 0 : i32
      %dma_start3A_486 = tpu.memref_slice %arg2[%add3A_214, %dma_start3A_485] : memref<8192x2048xf32, #tpu.memory_space<hbm>> -> memref<16x2048xf32, #tpu.memory_space<hbm>>
      %dma_start3A_487 = arith.constant 0 : i32
      %dma_start3A_488 = tpu.memref_slice %arg2[%add3A_214, %dma_start3A_487] : memref<8192x2048xf32, #tpu.memory_space<hbm>> -> memref<16x2048xf32, #tpu.memory_space<hbm>>
      tpu.enqueue_dma source(%dma_start3A_488 : memref<16x2048xf32, #tpu.memory_space<hbm>>) target(%arg9 : memref<16x2048xf32, #tpu.memory_space<vmem>>) target_semaphore(%run_scoped3A : memref<!tpu.dma_semaphore, #tpu.memory_space<semaphore_mem>>)
      %dma_wait3A_489 = arith.constant 0 : i32
      %dma_wait3A_490 = tpu.memref_slice %arg2[%add3A_214, %dma_wait3A_489] : memref<8192x2048xf32, #tpu.memory_space<hbm>> -> memref<16x2048xf32, #tpu.memory_space<hbm>>
      %dma_wait3A_491 = arith.constant 0 : i32
      %dma_wait3A_492 = tpu.memref_slice %arg2[%add3A_214, %dma_wait3A_491] : memref<8192x2048xf32, #tpu.memory_space<hbm>> -> memref<16x2048xf32, #tpu.memory_space<hbm>>
      tpu.wait_dma2 semaphore(%run_scoped3A : memref<!tpu.dma_semaphore, #tpu.memory_space<semaphore_mem>>) src(%dma_wait3A_492 : memref<16x2048xf32, #tpu.memory_space<hbm>>) dst(%arg9 : memref<16x2048xf32, #tpu.memory_space<vmem>>)
      tpu.yield
    }) : () -> ()
    %dma_start3A_215 = arith.constant 13 : i32
    %dma_start3A_216 = arith.constant 0 : i32
    %dma_start3A_217 = tpu.memref_slice %arg7[%dma_start3A_215, %dma_start3A_216] : memref<16x16xi32, #tpu.memory_space<vmem>> -> memref<1x16xi32, #tpu.memory_space<vmem>>
    %dma_start3A_218 = tpu.memref_squeeze %dma_start3A_217 : memref<1x16xi32, #tpu.memory_space<vmem>> -> memref<16xi32, #tpu.memory_space<vmem>>
    %dma_start3A_219 = arith.constant 0 : i32
    %dma_start3A_220 = arith.constant 0 : i32
    %dma_start3A_221 = tpu.memref_slice %arg6[%dma_start3A_219, %dma_start3A_220] : memref<16384x2048xf32, #tpu.memory_space<hbm>> -> memref<16384x2048xf32, #tpu.memory_space<hbm>>
    tpu.enqueue_indirect_dma source(%arg9 : memref<16x2048xf32, #tpu.memory_space<vmem>>) target(%dma_start3A_221 : memref<16384x2048xf32, #tpu.memory_space<hbm>>) offsets(%dma_start3A_218 : memref<16xi32, #tpu.memory_space<vmem>>) semaphore(%arg11 : memref<!tpu.dma_semaphore, #tpu.memory_space<semaphore_mem>>)
    %dma_wait3A_222 = arith.constant 13 : i32
    %dma_wait3A_223 = arith.constant 0 : i32
    %dma_wait3A_224 = tpu.memref_slice %arg7[%dma_wait3A_222, %dma_wait3A_223] : memref<16x16xi32, #tpu.memory_space<vmem>> -> memref<1x16xi32, #tpu.memory_space<vmem>>
    %dma_wait3A_225 = tpu.memref_squeeze %dma_wait3A_224 : memref<1x16xi32, #tpu.memory_space<vmem>> -> memref<16xi32, #tpu.memory_space<vmem>>
    %dma_wait3A_226 = arith.constant 0 : i32
    %dma_wait3A_227 = arith.constant 0 : i32
    %dma_wait3A_228 = tpu.memref_slice %arg6[%dma_wait3A_226, %dma_wait3A_227] : memref<16384x2048xf32, #tpu.memory_space<hbm>> -> memref<16384x2048xf32, #tpu.memory_space<hbm>>
    tpu.wait_indirect_dma semaphore(%arg11 : memref<!tpu.dma_semaphore, #tpu.memory_space<semaphore_mem>>) src(%arg9 : memref<16x2048xf32, #tpu.memory_space<vmem>>) dst(%dma_wait3A_228 : memref<16384x2048xf32, #tpu.memory_space<hbm>>)
    %add3A_229 = arith.constant 224 : i32
    %add3A_230 = arith.addi %mul3A_6, %add3A_229 : i32
    "tpu.region"() ({
      %run_scoped3A = tpu.sem_alloc : memref<!tpu.dma_semaphore, #tpu.memory_space<semaphore_mem>>
      %dma_start3A_485 = arith.constant 0 : i32
      %dma_start3A_486 = tpu.memref_slice %arg2[%add3A_230, %dma_start3A_485] : memref<8192x2048xf32, #tpu.memory_space<hbm>> -> memref<16x2048xf32, #tpu.memory_space<hbm>>
      %dma_start3A_487 = arith.constant 0 : i32
      %dma_start3A_488 = tpu.memref_slice %arg2[%add3A_230, %dma_start3A_487] : memref<8192x2048xf32, #tpu.memory_space<hbm>> -> memref<16x2048xf32, #tpu.memory_space<hbm>>
      tpu.enqueue_dma source(%dma_start3A_488 : memref<16x2048xf32, #tpu.memory_space<hbm>>) target(%arg9 : memref<16x2048xf32, #tpu.memory_space<vmem>>) target_semaphore(%run_scoped3A : memref<!tpu.dma_semaphore, #tpu.memory_space<semaphore_mem>>)
      %dma_wait3A_489 = arith.constant 0 : i32
      %dma_wait3A_490 = tpu.memref_slice %arg2[%add3A_230, %dma_wait3A_489] : memref<8192x2048xf32, #tpu.memory_space<hbm>> -> memref<16x2048xf32, #tpu.memory_space<hbm>>
      %dma_wait3A_491 = arith.constant 0 : i32
      %dma_wait3A_492 = tpu.memref_slice %arg2[%add3A_230, %dma_wait3A_491] : memref<8192x2048xf32, #tpu.memory_space<hbm>> -> memref<16x2048xf32, #tpu.memory_space<hbm>>
      tpu.wait_dma2 semaphore(%run_scoped3A : memref<!tpu.dma_semaphore, #tpu.memory_space<semaphore_mem>>) src(%dma_wait3A_492 : memref<16x2048xf32, #tpu.memory_space<hbm>>) dst(%arg9 : memref<16x2048xf32, #tpu.memory_space<vmem>>)
      tpu.yield
    }) : () -> ()
    %dma_start3A_231 = arith.constant 14 : i32
    %dma_start3A_232 = arith.constant 0 : i32
    %dma_start3A_233 = tpu.memref_slice %arg7[%dma_start3A_231, %dma_start3A_232] : memref<16x16xi32, #tpu.memory_space<vmem>> -> memref<1x16xi32, #tpu.memory_space<vmem>>
    %dma_start3A_234 = tpu.memref_squeeze %dma_start3A_233 : memref<1x16xi32, #tpu.memory_space<vmem>> -> memref<16xi32, #tpu.memory_space<vmem>>
    %dma_start3A_235 = arith.constant 0 : i32
    %dma_start3A_236 = arith.constant 0 : i32
    %dma_start3A_237 = tpu.memref_slice %arg6[%dma_start3A_235, %dma_start3A_236] : memref<16384x2048xf32, #tpu.memory_space<hbm>> -> memref<16384x2048xf32, #tpu.memory_space<hbm>>
    tpu.enqueue_indirect_dma source(%arg9 : memref<16x2048xf32, #tpu.memory_space<vmem>>) target(%dma_start3A_237 : memref<16384x2048xf32, #tpu.memory_space<hbm>>) offsets(%dma_start3A_234 : memref<16xi32, #tpu.memory_space<vmem>>) semaphore(%arg11 : memref<!tpu.dma_semaphore, #tpu.memory_space<semaphore_mem>>)
    %dma_wait3A_238 = arith.constant 14 : i32
    %dma_wait3A_239 = arith.constant 0 : i32
    %dma_wait3A_240 = tpu.memref_slice %arg7[%dma_wait3A_238, %dma_wait3A_239] : memref<16x16xi32, #tpu.memory_space<vmem>> -> memref<1x16xi32, #tpu.memory_space<vmem>>
    %dma_wait3A_241 = tpu.memref_squeeze %dma_wait3A_240 : memref<1x16xi32, #tpu.memory_space<vmem>> -> memref<16xi32, #tpu.memory_space<vmem>>
    %dma_wait3A_242 = arith.constant 0 : i32
    %dma_wait3A_243 = arith.constant 0 : i32
    %dma_wait3A_244 = tpu.memref_slice %arg6[%dma_wait3A_242, %dma_wait3A_243] : memref<16384x2048xf32, #tpu.memory_space<hbm>> -> memref<16384x2048xf32, #tpu.memory_space<hbm>>
    tpu.wait_indirect_dma semaphore(%arg11 : memref<!tpu.dma_semaphore, #tpu.memory_space<semaphore_mem>>) src(%arg9 : memref<16x2048xf32, #tpu.memory_space<vmem>>) dst(%dma_wait3A_244 : memref<16384x2048xf32, #tpu.memory_space<hbm>>)
    %add3A_245 = arith.constant 240 : i32
    %add3A_246 = arith.addi %mul3A_6, %add3A_245 : i32
    "tpu.region"() ({
      %run_scoped3A = tpu.sem_alloc : memref<!tpu.dma_semaphore, #tpu.memory_space<semaphore_mem>>
      %dma_start3A_485 = arith.constant 0 : i32
      %dma_start3A_486 = tpu.memref_slice %arg2[%add3A_246, %dma_start3A_485] : memref<8192x2048xf32, #tpu.memory_space<hbm>> -> memref<16x2048xf32, #tpu.memory_space<hbm>>
      %dma_start3A_487 = arith.constant 0 : i32
      %dma_start3A_488 = tpu.memref_slice %arg2[%add3A_246, %dma_start3A_487] : memref<8192x2048xf32, #tpu.memory_space<hbm>> -> memref<16x2048xf32, #tpu.memory_space<hbm>>
      tpu.enqueue_dma source(%dma_start3A_488 : memref<16x2048xf32, #tpu.memory_space<hbm>>) target(%arg9 : memref<16x2048xf32, #tpu.memory_space<vmem>>) target_semaphore(%run_scoped3A : memref<!tpu.dma_semaphore, #tpu.memory_space<semaphore_mem>>)
      %dma_wait3A_489 = arith.constant 0 : i32
      %dma_wait3A_490 = tpu.memref_slice %arg2[%add3A_246, %dma_wait3A_489] : memref<8192x2048xf32, #tpu.memory_space<hbm>> -> memref<16x2048xf32, #tpu.memory_space<hbm>>
      %dma_wait3A_491 = arith.constant 0 : i32
      %dma_wait3A_492 = tpu.memref_slice %arg2[%add3A_246, %dma_wait3A_491] : memref<8192x2048xf32, #tpu.memory_space<hbm>> -> memref<16x2048xf32, #tpu.memory_space<hbm>>
      tpu.wait_dma2 semaphore(%run_scoped3A : memref<!tpu.dma_semaphore, #tpu.memory_space<semaphore_mem>>) src(%dma_wait3A_492 : memref<16x2048xf32, #tpu.memory_space<hbm>>) dst(%arg9 : memref<16x2048xf32, #tpu.memory_space<vmem>>)
      tpu.yield
    }) : () -> ()
    %dma_start3A_247 = arith.constant 15 : i32
    %dma_start3A_248 = arith.constant 0 : i32
    %dma_start3A_249 = tpu.memref_slice %arg7[%dma_start3A_247, %dma_start3A_248] : memref<16x16xi32, #tpu.memory_space<vmem>> -> memref<1x16xi32, #tpu.memory_space<vmem>>
    %dma_start3A_250 = tpu.memref_squeeze %dma_start3A_249 : memref<1x16xi32, #tpu.memory_space<vmem>> -> memref<16xi32, #tpu.memory_space<vmem>>
    %dma_start3A_251 = arith.constant 0 : i32
    %dma_start3A_252 = arith.constant 0 : i32
    %dma_start3A_253 = tpu.memref_slice %arg6[%dma_start3A_251, %dma_start3A_252] : memref<16384x2048xf32, #tpu.memory_space<hbm>> -> memref<16384x2048xf32, #tpu.memory_space<hbm>>
    tpu.enqueue_indirect_dma source(%arg9 : memref<16x2048xf32, #tpu.memory_space<vmem>>) target(%dma_start3A_253 : memref<16384x2048xf32, #tpu.memory_space<hbm>>) offsets(%dma_start3A_250 : memref<16xi32, #tpu.memory_space<vmem>>) semaphore(%arg11 : memref<!tpu.dma_semaphore, #tpu.memory_space<semaphore_mem>>)
    %dma_wait3A_254 = arith.constant 15 : i32
    %dma_wait3A_255 = arith.constant 0 : i32
    %dma_wait3A_256 = tpu.memref_slice %arg7[%dma_wait3A_254, %dma_wait3A_255] : memref<16x16xi32, #tpu.memory_space<vmem>> -> memref<1x16xi32, #tpu.memory_space<vmem>>
    %dma_wait3A_257 = tpu.memref_squeeze %dma_wait3A_256 : memref<1x16xi32, #tpu.memory_space<vmem>> -> memref<16xi32, #tpu.memory_space<vmem>>
    %dma_wait3A_258 = arith.constant 0 : i32
    %dma_wait3A_259 = arith.constant 0 : i32
    %dma_wait3A_260 = tpu.memref_slice %arg6[%dma_wait3A_258, %dma_wait3A_259] : memref<16384x2048xf32, #tpu.memory_space<hbm>> -> memref<16384x2048xf32, #tpu.memory_space<hbm>>
    tpu.wait_indirect_dma semaphore(%arg11 : memref<!tpu.dma_semaphore, #tpu.memory_space<semaphore_mem>>) src(%arg9 : memref<16x2048xf32, #tpu.memory_space<vmem>>) dst(%dma_wait3A_260 : memref<16384x2048xf32, #tpu.memory_space<hbm>>)
    %dma_start3A_261 = arith.constant 0 : i32
    %dma_start3A_262 = arith.constant 0 : i32
    %dma_start3A_263 = tpu.memref_slice %arg8[%dma_start3A_261, %dma_start3A_262] : memref<16x16xi32, #tpu.memory_space<vmem>> -> memref<1x16xi32, #tpu.memory_space<vmem>>
    %dma_start3A_264 = tpu.memref_squeeze %dma_start3A_263 : memref<1x16xi32, #tpu.memory_space<vmem>> -> memref<16xi32, #tpu.memory_space<vmem>>
    %dma_start3A_265 = arith.constant 0 : i32
    %dma_start3A_266 = arith.constant 0 : i32
    %dma_start3A_267 = tpu.memref_slice %arg6[%dma_start3A_265, %dma_start3A_266] : memref<16384x2048xf32, #tpu.memory_space<hbm>> -> memref<16384x2048xf32, #tpu.memory_space<hbm>>
    tpu.enqueue_indirect_dma source(%arg10 : memref<16x2048xf32, #tpu.memory_space<vmem>>) target(%dma_start3A_267 : memref<16384x2048xf32, #tpu.memory_space<hbm>>) offsets(%dma_start3A_264 : memref<16xi32, #tpu.memory_space<vmem>>) semaphore(%arg11 : memref<!tpu.dma_semaphore, #tpu.memory_space<semaphore_mem>>)
    %dma_wait3A_268 = arith.constant 0 : i32
    %dma_wait3A_269 = arith.constant 0 : i32
    %dma_wait3A_270 = tpu.memref_slice %arg8[%dma_wait3A_268, %dma_wait3A_269] : memref<16x16xi32, #tpu.memory_space<vmem>> -> memref<1x16xi32, #tpu.memory_space<vmem>>
    %dma_wait3A_271 = tpu.memref_squeeze %dma_wait3A_270 : memref<1x16xi32, #tpu.memory_space<vmem>> -> memref<16xi32, #tpu.memory_space<vmem>>
    %dma_wait3A_272 = arith.constant 0 : i32
    %dma_wait3A_273 = arith.constant 0 : i32
    %dma_wait3A_274 = tpu.memref_slice %arg6[%dma_wait3A_272, %dma_wait3A_273] : memref<16384x2048xf32, #tpu.memory_space<hbm>> -> memref<16384x2048xf32, #tpu.memory_space<hbm>>
    tpu.wait_indirect_dma semaphore(%arg11 : memref<!tpu.dma_semaphore, #tpu.memory_space<semaphore_mem>>) src(%arg10 : memref<16x2048xf32, #tpu.memory_space<vmem>>) dst(%dma_wait3A_274 : memref<16384x2048xf32, #tpu.memory_space<hbm>>)
    %dma_start3A_275 = arith.constant 1 : i32
    %dma_start3A_276 = arith.constant 0 : i32
    %dma_start3A_277 = tpu.memref_slice %arg8[%dma_start3A_275, %dma_start3A_276] : memref<16x16xi32, #tpu.memory_space<vmem>> -> memref<1x16xi32, #tpu.memory_space<vmem>>
    %dma_start3A_278 = tpu.memref_squeeze %dma_start3A_277 : memref<1x16xi32, #tpu.memory_space<vmem>> -> memref<16xi32, #tpu.memory_space<vmem>>
    %dma_start3A_279 = arith.constant 0 : i32
    %dma_start3A_280 = arith.constant 0 : i32
    %dma_start3A_281 = tpu.memref_slice %arg6[%dma_start3A_279, %dma_start3A_280] : memref<16384x2048xf32, #tpu.memory_space<hbm>> -> memref<16384x2048xf32, #tpu.memory_space<hbm>>
    tpu.enqueue_indirect_dma source(%arg10 : memref<16x2048xf32, #tpu.memory_space<vmem>>) target(%dma_start3A_281 : memref<16384x2048xf32, #tpu.memory_space<hbm>>) offsets(%dma_start3A_278 : memref<16xi32, #tpu.memory_space<vmem>>) semaphore(%arg11 : memref<!tpu.dma_semaphore, #tpu.memory_space<semaphore_mem>>)
    %dma_wait3A_282 = arith.constant 1 : i32
    %dma_wait3A_283 = arith.constant 0 : i32
    %dma_wait3A_284 = tpu.memref_slice %arg8[%dma_wait3A_282, %dma_wait3A_283] : memref<16x16xi32, #tpu.memory_space<vmem>> -> memref<1x16xi32, #tpu.memory_space<vmem>>
    %dma_wait3A_285 = tpu.memref_squeeze %dma_wait3A_284 : memref<1x16xi32, #tpu.memory_space<vmem>> -> memref<16xi32, #tpu.memory_space<vmem>>
    %dma_wait3A_286 = arith.constant 0 : i32
    %dma_wait3A_287 = arith.constant 0 : i32
    %dma_wait3A_288 = tpu.memref_slice %arg6[%dma_wait3A_286, %dma_wait3A_287] : memref<16384x2048xf32, #tpu.memory_space<hbm>> -> memref<16384x2048xf32, #tpu.memory_space<hbm>>
    tpu.wait_indirect_dma semaphore(%arg11 : memref<!tpu.dma_semaphore, #tpu.memory_space<semaphore_mem>>) src(%arg10 : memref<16x2048xf32, #tpu.memory_space<vmem>>) dst(%dma_wait3A_288 : memref<16384x2048xf32, #tpu.memory_space<hbm>>)
    %dma_start3A_289 = arith.constant 2 : i32
    %dma_start3A_290 = arith.constant 0 : i32
    %dma_start3A_291 = tpu.memref_slice %arg8[%dma_start3A_289, %dma_start3A_290] : memref<16x16xi32, #tpu.memory_space<vmem>> -> memref<1x16xi32, #tpu.memory_space<vmem>>
    %dma_start3A_292 = tpu.memref_squeeze %dma_start3A_291 : memref<1x16xi32, #tpu.memory_space<vmem>> -> memref<16xi32, #tpu.memory_space<vmem>>
    %dma_start3A_293 = arith.constant 0 : i32
    %dma_start3A_294 = arith.constant 0 : i32
    %dma_start3A_295 = tpu.memref_slice %arg6[%dma_start3A_293, %dma_start3A_294] : memref<16384x2048xf32, #tpu.memory_space<hbm>> -> memref<16384x2048xf32, #tpu.memory_space<hbm>>
    tpu.enqueue_indirect_dma source(%arg10 : memref<16x2048xf32, #tpu.memory_space<vmem>>) target(%dma_start3A_295 : memref<16384x2048xf32, #tpu.memory_space<hbm>>) offsets(%dma_start3A_292 : memref<16xi32, #tpu.memory_space<vmem>>) semaphore(%arg11 : memref<!tpu.dma_semaphore, #tpu.memory_space<semaphore_mem>>)
    %dma_wait3A_296 = arith.constant 2 : i32
    %dma_wait3A_297 = arith.constant 0 : i32
    %dma_wait3A_298 = tpu.memref_slice %arg8[%dma_wait3A_296, %dma_wait3A_297] : memref<16x16xi32, #tpu.memory_space<vmem>> -> memref<1x16xi32, #tpu.memory_space<vmem>>
    %dma_wait3A_299 = tpu.memref_squeeze %dma_wait3A_298 : memref<1x16xi32, #tpu.memory_space<vmem>> -> memref<16xi32, #tpu.memory_space<vmem>>
    %dma_wait3A_300 = arith.constant 0 : i32
    %dma_wait3A_301 = arith.constant 0 : i32
    %dma_wait3A_302 = tpu.memref_slice %arg6[%dma_wait3A_300, %dma_wait3A_301] : memref<16384x2048xf32, #tpu.memory_space<hbm>> -> memref<16384x2048xf32, #tpu.memory_space<hbm>>
    tpu.wait_indirect_dma semaphore(%arg11 : memref<!tpu.dma_semaphore, #tpu.memory_space<semaphore_mem>>) src(%arg10 : memref<16x2048xf32, #tpu.memory_space<vmem>>) dst(%dma_wait3A_302 : memref<16384x2048xf32, #tpu.memory_space<hbm>>)
    %dma_start3A_303 = arith.constant 3 : i32
    %dma_start3A_304 = arith.constant 0 : i32
    %dma_start3A_305 = tpu.memref_slice %arg8[%dma_start3A_303, %dma_start3A_304] : memref<16x16xi32, #tpu.memory_space<vmem>> -> memref<1x16xi32, #tpu.memory_space<vmem>>
    %dma_start3A_306 = tpu.memref_squeeze %dma_start3A_305 : memref<1x16xi32, #tpu.memory_space<vmem>> -> memref<16xi32, #tpu.memory_space<vmem>>
    %dma_start3A_307 = arith.constant 0 : i32
    %dma_start3A_308 = arith.constant 0 : i32
    %dma_start3A_309 = tpu.memref_slice %arg6[%dma_start3A_307, %dma_start3A_308] : memref<16384x2048xf32, #tpu.memory_space<hbm>> -> memref<16384x2048xf32, #tpu.memory_space<hbm>>
    tpu.enqueue_indirect_dma source(%arg10 : memref<16x2048xf32, #tpu.memory_space<vmem>>) target(%dma_start3A_309 : memref<16384x2048xf32, #tpu.memory_space<hbm>>) offsets(%dma_start3A_306 : memref<16xi32, #tpu.memory_space<vmem>>) semaphore(%arg11 : memref<!tpu.dma_semaphore, #tpu.memory_space<semaphore_mem>>)
    %dma_wait3A_310 = arith.constant 3 : i32
    %dma_wait3A_311 = arith.constant 0 : i32
    %dma_wait3A_312 = tpu.memref_slice %arg8[%dma_wait3A_310, %dma_wait3A_311] : memref<16x16xi32, #tpu.memory_space<vmem>> -> memref<1x16xi32, #tpu.memory_space<vmem>>
    %dma_wait3A_313 = tpu.memref_squeeze %dma_wait3A_312 : memref<1x16xi32, #tpu.memory_space<vmem>> -> memref<16xi32, #tpu.memory_space<vmem>>
    %dma_wait3A_314 = arith.constant 0 : i32
    %dma_wait3A_315 = arith.constant 0 : i32
    %dma_wait3A_316 = tpu.memref_slice %arg6[%dma_wait3A_314, %dma_wait3A_315] : memref<16384x2048xf32, #tpu.memory_space<hbm>> -> memref<16384x2048xf32, #tpu.memory_space<hbm>>
    tpu.wait_indirect_dma semaphore(%arg11 : memref<!tpu.dma_semaphore, #tpu.memory_space<semaphore_mem>>) src(%arg10 : memref<16x2048xf32, #tpu.memory_space<vmem>>) dst(%dma_wait3A_316 : memref<16384x2048xf32, #tpu.memory_space<hbm>>)
    %dma_start3A_317 = arith.constant 4 : i32
    %dma_start3A_318 = arith.constant 0 : i32
    %dma_start3A_319 = tpu.memref_slice %arg8[%dma_start3A_317, %dma_start3A_318] : memref<16x16xi32, #tpu.memory_space<vmem>> -> memref<1x16xi32, #tpu.memory_space<vmem>>
    %dma_start3A_320 = tpu.memref_squeeze %dma_start3A_319 : memref<1x16xi32, #tpu.memory_space<vmem>> -> memref<16xi32, #tpu.memory_space<vmem>>
    %dma_start3A_321 = arith.constant 0 : i32
    %dma_start3A_322 = arith.constant 0 : i32
    %dma_start3A_323 = tpu.memref_slice %arg6[%dma_start3A_321, %dma_start3A_322] : memref<16384x2048xf32, #tpu.memory_space<hbm>> -> memref<16384x2048xf32, #tpu.memory_space<hbm>>
    tpu.enqueue_indirect_dma source(%arg10 : memref<16x2048xf32, #tpu.memory_space<vmem>>) target(%dma_start3A_323 : memref<16384x2048xf32, #tpu.memory_space<hbm>>) offsets(%dma_start3A_320 : memref<16xi32, #tpu.memory_space<vmem>>) semaphore(%arg11 : memref<!tpu.dma_semaphore, #tpu.memory_space<semaphore_mem>>)
    %dma_wait3A_324 = arith.constant 4 : i32
    %dma_wait3A_325 = arith.constant 0 : i32
    %dma_wait3A_326 = tpu.memref_slice %arg8[%dma_wait3A_324, %dma_wait3A_325] : memref<16x16xi32, #tpu.memory_space<vmem>> -> memref<1x16xi32, #tpu.memory_space<vmem>>
    %dma_wait3A_327 = tpu.memref_squeeze %dma_wait3A_326 : memref<1x16xi32, #tpu.memory_space<vmem>> -> memref<16xi32, #tpu.memory_space<vmem>>
    %dma_wait3A_328 = arith.constant 0 : i32
    %dma_wait3A_329 = arith.constant 0 : i32
    %dma_wait3A_330 = tpu.memref_slice %arg6[%dma_wait3A_328, %dma_wait3A_329] : memref<16384x2048xf32, #tpu.memory_space<hbm>> -> memref<16384x2048xf32, #tpu.memory_space<hbm>>
    tpu.wait_indirect_dma semaphore(%arg11 : memref<!tpu.dma_semaphore, #tpu.memory_space<semaphore_mem>>) src(%arg10 : memref<16x2048xf32, #tpu.memory_space<vmem>>) dst(%dma_wait3A_330 : memref<16384x2048xf32, #tpu.memory_space<hbm>>)
    %dma_start3A_331 = arith.constant 5 : i32
    %dma_start3A_332 = arith.constant 0 : i32
    %dma_start3A_333 = tpu.memref_slice %arg8[%dma_start3A_331, %dma_start3A_332] : memref<16x16xi32, #tpu.memory_space<vmem>> -> memref<1x16xi32, #tpu.memory_space<vmem>>
    %dma_start3A_334 = tpu.memref_squeeze %dma_start3A_333 : memref<1x16xi32, #tpu.memory_space<vmem>> -> memref<16xi32, #tpu.memory_space<vmem>>
    %dma_start3A_335 = arith.constant 0 : i32
    %dma_start3A_336 = arith.constant 0 : i32
    %dma_start3A_337 = tpu.memref_slice %arg6[%dma_start3A_335, %dma_start3A_336] : memref<16384x2048xf32, #tpu.memory_space<hbm>> -> memref<16384x2048xf32, #tpu.memory_space<hbm>>
    tpu.enqueue_indirect_dma source(%arg10 : memref<16x2048xf32, #tpu.memory_space<vmem>>) target(%dma_start3A_337 : memref<16384x2048xf32, #tpu.memory_space<hbm>>) offsets(%dma_start3A_334 : memref<16xi32, #tpu.memory_space<vmem>>) semaphore(%arg11 : memref<!tpu.dma_semaphore, #tpu.memory_space<semaphore_mem>>)
    %dma_wait3A_338 = arith.constant 5 : i32
    %dma_wait3A_339 = arith.constant 0 : i32
    %dma_wait3A_340 = tpu.memref_slice %arg8[%dma_wait3A_338, %dma_wait3A_339] : memref<16x16xi32, #tpu.memory_space<vmem>> -> memref<1x16xi32, #tpu.memory_space<vmem>>
    %dma_wait3A_341 = tpu.memref_squeeze %dma_wait3A_340 : memref<1x16xi32, #tpu.memory_space<vmem>> -> memref<16xi32, #tpu.memory_space<vmem>>
    %dma_wait3A_342 = arith.constant 0 : i32
    %dma_wait3A_343 = arith.constant 0 : i32
    %dma_wait3A_344 = tpu.memref_slice %arg6[%dma_wait3A_342, %dma_wait3A_343] : memref<16384x2048xf32, #tpu.memory_space<hbm>> -> memref<16384x2048xf32, #tpu.memory_space<hbm>>
    tpu.wait_indirect_dma semaphore(%arg11 : memref<!tpu.dma_semaphore, #tpu.memory_space<semaphore_mem>>) src(%arg10 : memref<16x2048xf32, #tpu.memory_space<vmem>>) dst(%dma_wait3A_344 : memref<16384x2048xf32, #tpu.memory_space<hbm>>)
    %dma_start3A_345 = arith.constant 6 : i32
    %dma_start3A_346 = arith.constant 0 : i32
    %dma_start3A_347 = tpu.memref_slice %arg8[%dma_start3A_345, %dma_start3A_346] : memref<16x16xi32, #tpu.memory_space<vmem>> -> memref<1x16xi32, #tpu.memory_space<vmem>>
    %dma_start3A_348 = tpu.memref_squeeze %dma_start3A_347 : memref<1x16xi32, #tpu.memory_space<vmem>> -> memref<16xi32, #tpu.memory_space<vmem>>
    %dma_start3A_349 = arith.constant 0 : i32
    %dma_start3A_350 = arith.constant 0 : i32
    %dma_start3A_351 = tpu.memref_slice %arg6[%dma_start3A_349, %dma_start3A_350] : memref<16384x2048xf32, #tpu.memory_space<hbm>> -> memref<16384x2048xf32, #tpu.memory_space<hbm>>
    tpu.enqueue_indirect_dma source(%arg10 : memref<16x2048xf32, #tpu.memory_space<vmem>>) target(%dma_start3A_351 : memref<16384x2048xf32, #tpu.memory_space<hbm>>) offsets(%dma_start3A_348 : memref<16xi32, #tpu.memory_space<vmem>>) semaphore(%arg11 : memref<!tpu.dma_semaphore, #tpu.memory_space<semaphore_mem>>)
    %dma_wait3A_352 = arith.constant 6 : i32
    %dma_wait3A_353 = arith.constant 0 : i32
    %dma_wait3A_354 = tpu.memref_slice %arg8[%dma_wait3A_352, %dma_wait3A_353] : memref<16x16xi32, #tpu.memory_space<vmem>> -> memref<1x16xi32, #tpu.memory_space<vmem>>
    %dma_wait3A_355 = tpu.memref_squeeze %dma_wait3A_354 : memref<1x16xi32, #tpu.memory_space<vmem>> -> memref<16xi32, #tpu.memory_space<vmem>>
    %dma_wait3A_356 = arith.constant 0 : i32
    %dma_wait3A_357 = arith.constant 0 : i32
    %dma_wait3A_358 = tpu.memref_slice %arg6[%dma_wait3A_356, %dma_wait3A_357] : memref<16384x2048xf32, #tpu.memory_space<hbm>> -> memref<16384x2048xf32, #tpu.memory_space<hbm>>
    tpu.wait_indirect_dma semaphore(%arg11 : memref<!tpu.dma_semaphore, #tpu.memory_space<semaphore_mem>>) src(%arg10 : memref<16x2048xf32, #tpu.memory_space<vmem>>) dst(%dma_wait3A_358 : memref<16384x2048xf32, #tpu.memory_space<hbm>>)
    %dma_start3A_359 = arith.constant 7 : i32
    %dma_start3A_360 = arith.constant 0 : i32
    %dma_start3A_361 = tpu.memref_slice %arg8[%dma_start3A_359, %dma_start3A_360] : memref<16x16xi32, #tpu.memory_space<vmem>> -> memref<1x16xi32, #tpu.memory_space<vmem>>
    %dma_start3A_362 = tpu.memref_squeeze %dma_start3A_361 : memref<1x16xi32, #tpu.memory_space<vmem>> -> memref<16xi32, #tpu.memory_space<vmem>>
    %dma_start3A_363 = arith.constant 0 : i32
    %dma_start3A_364 = arith.constant 0 : i32
    %dma_start3A_365 = tpu.memref_slice %arg6[%dma_start3A_363, %dma_start3A_364] : memref<16384x2048xf32, #tpu.memory_space<hbm>> -> memref<16384x2048xf32, #tpu.memory_space<hbm>>
    tpu.enqueue_indirect_dma source(%arg10 : memref<16x2048xf32, #tpu.memory_space<vmem>>) target(%dma_start3A_365 : memref<16384x2048xf32, #tpu.memory_space<hbm>>) offsets(%dma_start3A_362 : memref<16xi32, #tpu.memory_space<vmem>>) semaphore(%arg11 : memref<!tpu.dma_semaphore, #tpu.memory_space<semaphore_mem>>)
    %dma_wait3A_366 = arith.constant 7 : i32
    %dma_wait3A_367 = arith.constant 0 : i32
    %dma_wait3A_368 = tpu.memref_slice %arg8[%dma_wait3A_366, %dma_wait3A_367] : memref<16x16xi32, #tpu.memory_space<vmem>> -> memref<1x16xi32, #tpu.memory_space<vmem>>
    %dma_wait3A_369 = tpu.memref_squeeze %dma_wait3A_368 : memref<1x16xi32, #tpu.memory_space<vmem>> -> memref<16xi32, #tpu.memory_space<vmem>>
    %dma_wait3A_370 = arith.constant 0 : i32
    %dma_wait3A_371 = arith.constant 0 : i32
    %dma_wait3A_372 = tpu.memref_slice %arg6[%dma_wait3A_370, %dma_wait3A_371] : memref<16384x2048xf32, #tpu.memory_space<hbm>> -> memref<16384x2048xf32, #tpu.memory_space<hbm>>
    tpu.wait_indirect_dma semaphore(%arg11 : memref<!tpu.dma_semaphore, #tpu.memory_space<semaphore_mem>>) src(%arg10 : memref<16x2048xf32, #tpu.memory_space<vmem>>) dst(%dma_wait3A_372 : memref<16384x2048xf32, #tpu.memory_space<hbm>>)
    %dma_start3A_373 = arith.constant 8 : i32
    %dma_start3A_374 = arith.constant 0 : i32
    %dma_start3A_375 = tpu.memref_slice %arg8[%dma_start3A_373, %dma_start3A_374] : memref<16x16xi32, #tpu.memory_space<vmem>> -> memref<1x16xi32, #tpu.memory_space<vmem>>
    %dma_start3A_376 = tpu.memref_squeeze %dma_start3A_375 : memref<1x16xi32, #tpu.memory_space<vmem>> -> memref<16xi32, #tpu.memory_space<vmem>>
    %dma_start3A_377 = arith.constant 0 : i32
    %dma_start3A_378 = arith.constant 0 : i32
    %dma_start3A_379 = tpu.memref_slice %arg6[%dma_start3A_377, %dma_start3A_378] : memref<16384x2048xf32, #tpu.memory_space<hbm>> -> memref<16384x2048xf32, #tpu.memory_space<hbm>>
    tpu.enqueue_indirect_dma source(%arg10 : memref<16x2048xf32, #tpu.memory_space<vmem>>) target(%dma_start3A_379 : memref<16384x2048xf32, #tpu.memory_space<hbm>>) offsets(%dma_start3A_376 : memref<16xi32, #tpu.memory_space<vmem>>) semaphore(%arg11 : memref<!tpu.dma_semaphore, #tpu.memory_space<semaphore_mem>>)
    %dma_wait3A_380 = arith.constant 8 : i32
    %dma_wait3A_381 = arith.constant 0 : i32
    %dma_wait3A_382 = tpu.memref_slice %arg8[%dma_wait3A_380, %dma_wait3A_381] : memref<16x16xi32, #tpu.memory_space<vmem>> -> memref<1x16xi32, #tpu.memory_space<vmem>>
    %dma_wait3A_383 = tpu.memref_squeeze %dma_wait3A_382 : memref<1x16xi32, #tpu.memory_space<vmem>> -> memref<16xi32, #tpu.memory_space<vmem>>
    %dma_wait3A_384 = arith.constant 0 : i32
    %dma_wait3A_385 = arith.constant 0 : i32
    %dma_wait3A_386 = tpu.memref_slice %arg6[%dma_wait3A_384, %dma_wait3A_385] : memref<16384x2048xf32, #tpu.memory_space<hbm>> -> memref<16384x2048xf32, #tpu.memory_space<hbm>>
    tpu.wait_indirect_dma semaphore(%arg11 : memref<!tpu.dma_semaphore, #tpu.memory_space<semaphore_mem>>) src(%arg10 : memref<16x2048xf32, #tpu.memory_space<vmem>>) dst(%dma_wait3A_386 : memref<16384x2048xf32, #tpu.memory_space<hbm>>)
    %dma_start3A_387 = arith.constant 9 : i32
    %dma_start3A_388 = arith.constant 0 : i32
    %dma_start3A_389 = tpu.memref_slice %arg8[%dma_start3A_387, %dma_start3A_388] : memref<16x16xi32, #tpu.memory_space<vmem>> -> memref<1x16xi32, #tpu.memory_space<vmem>>
    %dma_start3A_390 = tpu.memref_squeeze %dma_start3A_389 : memref<1x16xi32, #tpu.memory_space<vmem>> -> memref<16xi32, #tpu.memory_space<vmem>>
    %dma_start3A_391 = arith.constant 0 : i32
    %dma_start3A_392 = arith.constant 0 : i32
    %dma_start3A_393 = tpu.memref_slice %arg6[%dma_start3A_391, %dma_start3A_392] : memref<16384x2048xf32, #tpu.memory_space<hbm>> -> memref<16384x2048xf32, #tpu.memory_space<hbm>>
    tpu.enqueue_indirect_dma source(%arg10 : memref<16x2048xf32, #tpu.memory_space<vmem>>) target(%dma_start3A_393 : memref<16384x2048xf32, #tpu.memory_space<hbm>>) offsets(%dma_start3A_390 : memref<16xi32, #tpu.memory_space<vmem>>) semaphore(%arg11 : memref<!tpu.dma_semaphore, #tpu.memory_space<semaphore_mem>>)
    %dma_wait3A_394 = arith.constant 9 : i32
    %dma_wait3A_395 = arith.constant 0 : i32
    %dma_wait3A_396 = tpu.memref_slice %arg8[%dma_wait3A_394, %dma_wait3A_395] : memref<16x16xi32, #tpu.memory_space<vmem>> -> memref<1x16xi32, #tpu.memory_space<vmem>>
    %dma_wait3A_397 = tpu.memref_squeeze %dma_wait3A_396 : memref<1x16xi32, #tpu.memory_space<vmem>> -> memref<16xi32, #tpu.memory_space<vmem>>
    %dma_wait3A_398 = arith.constant 0 : i32
    %dma_wait3A_399 = arith.constant 0 : i32
    %dma_wait3A_400 = tpu.memref_slice %arg6[%dma_wait3A_398, %dma_wait3A_399] : memref<16384x2048xf32, #tpu.memory_space<hbm>> -> memref<16384x2048xf32, #tpu.memory_space<hbm>>
    tpu.wait_indirect_dma semaphore(%arg11 : memref<!tpu.dma_semaphore, #tpu.memory_space<semaphore_mem>>) src(%arg10 : memref<16x2048xf32, #tpu.memory_space<vmem>>) dst(%dma_wait3A_400 : memref<16384x2048xf32, #tpu.memory_space<hbm>>)
    %dma_start3A_401 = arith.constant 10 : i32
    %dma_start3A_402 = arith.constant 0 : i32
    %dma_start3A_403 = tpu.memref_slice %arg8[%dma_start3A_401, %dma_start3A_402] : memref<16x16xi32, #tpu.memory_space<vmem>> -> memref<1x16xi32, #tpu.memory_space<vmem>>
    %dma_start3A_404 = tpu.memref_squeeze %dma_start3A_403 : memref<1x16xi32, #tpu.memory_space<vmem>> -> memref<16xi32, #tpu.memory_space<vmem>>
    %dma_start3A_405 = arith.constant 0 : i32
    %dma_start3A_406 = arith.constant 0 : i32
    %dma_start3A_407 = tpu.memref_slice %arg6[%dma_start3A_405, %dma_start3A_406] : memref<16384x2048xf32, #tpu.memory_space<hbm>> -> memref<16384x2048xf32, #tpu.memory_space<hbm>>
    tpu.enqueue_indirect_dma source(%arg10 : memref<16x2048xf32, #tpu.memory_space<vmem>>) target(%dma_start3A_407 : memref<16384x2048xf32, #tpu.memory_space<hbm>>) offsets(%dma_start3A_404 : memref<16xi32, #tpu.memory_space<vmem>>) semaphore(%arg11 : memref<!tpu.dma_semaphore, #tpu.memory_space<semaphore_mem>>)
    %dma_wait3A_408 = arith.constant 10 : i32
    %dma_wait3A_409 = arith.constant 0 : i32
    %dma_wait3A_410 = tpu.memref_slice %arg8[%dma_wait3A_408, %dma_wait3A_409] : memref<16x16xi32, #tpu.memory_space<vmem>> -> memref<1x16xi32, #tpu.memory_space<vmem>>
    %dma_wait3A_411 = tpu.memref_squeeze %dma_wait3A_410 : memref<1x16xi32, #tpu.memory_space<vmem>> -> memref<16xi32, #tpu.memory_space<vmem>>
    %dma_wait3A_412 = arith.constant 0 : i32
    %dma_wait3A_413 = arith.constant 0 : i32
    %dma_wait3A_414 = tpu.memref_slice %arg6[%dma_wait3A_412, %dma_wait3A_413] : memref<16384x2048xf32, #tpu.memory_space<hbm>> -> memref<16384x2048xf32, #tpu.memory_space<hbm>>
    tpu.wait_indirect_dma semaphore(%arg11 : memref<!tpu.dma_semaphore, #tpu.memory_space<semaphore_mem>>) src(%arg10 : memref<16x2048xf32, #tpu.memory_space<vmem>>) dst(%dma_wait3A_414 : memref<16384x2048xf32, #tpu.memory_space<hbm>>)
    %dma_start3A_415 = arith.constant 11 : i32
    %dma_start3A_416 = arith.constant 0 : i32
    %dma_start3A_417 = tpu.memref_slice %arg8[%dma_start3A_415, %dma_start3A_416] : memref<16x16xi32, #tpu.memory_space<vmem>> -> memref<1x16xi32, #tpu.memory_space<vmem>>
    %dma_start3A_418 = tpu.memref_squeeze %dma_start3A_417 : memref<1x16xi32, #tpu.memory_space<vmem>> -> memref<16xi32, #tpu.memory_space<vmem>>
    %dma_start3A_419 = arith.constant 0 : i32
    %dma_start3A_420 = arith.constant 0 : i32
    %dma_start3A_421 = tpu.memref_slice %arg6[%dma_start3A_419, %dma_start3A_420] : memref<16384x2048xf32, #tpu.memory_space<hbm>> -> memref<16384x2048xf32, #tpu.memory_space<hbm>>
    tpu.enqueue_indirect_dma source(%arg10 : memref<16x2048xf32, #tpu.memory_space<vmem>>) target(%dma_start3A_421 : memref<16384x2048xf32, #tpu.memory_space<hbm>>) offsets(%dma_start3A_418 : memref<16xi32, #tpu.memory_space<vmem>>) semaphore(%arg11 : memref<!tpu.dma_semaphore, #tpu.memory_space<semaphore_mem>>)
    %dma_wait3A_422 = arith.constant 11 : i32
    %dma_wait3A_423 = arith.constant 0 : i32
    %dma_wait3A_424 = tpu.memref_slice %arg8[%dma_wait3A_422, %dma_wait3A_423] : memref<16x16xi32, #tpu.memory_space<vmem>> -> memref<1x16xi32, #tpu.memory_space<vmem>>
    %dma_wait3A_425 = tpu.memref_squeeze %dma_wait3A_424 : memref<1x16xi32, #tpu.memory_space<vmem>> -> memref<16xi32, #tpu.memory_space<vmem>>
    %dma_wait3A_426 = arith.constant 0 : i32
    %dma_wait3A_427 = arith.constant 0 : i32
    %dma_wait3A_428 = tpu.memref_slice %arg6[%dma_wait3A_426, %dma_wait3A_427] : memref<16384x2048xf32, #tpu.memory_space<hbm>> -> memref<16384x2048xf32, #tpu.memory_space<hbm>>
    tpu.wait_indirect_dma semaphore(%arg11 : memref<!tpu.dma_semaphore, #tpu.memory_space<semaphore_mem>>) src(%arg10 : memref<16x2048xf32, #tpu.memory_space<vmem>>) dst(%dma_wait3A_428 : memref<16384x2048xf32, #tpu.memory_space<hbm>>)
    %dma_start3A_429 = arith.constant 12 : i32
    %dma_start3A_430 = arith.constant 0 : i32
    %dma_start3A_431 = tpu.memref_slice %arg8[%dma_start3A_429, %dma_start3A_430] : memref<16x16xi32, #tpu.memory_space<vmem>> -> memref<1x16xi32, #tpu.memory_space<vmem>>
    %dma_start3A_432 = tpu.memref_squeeze %dma_start3A_431 : memref<1x16xi32, #tpu.memory_space<vmem>> -> memref<16xi32, #tpu.memory_space<vmem>>
    %dma_start3A_433 = arith.constant 0 : i32
    %dma_start3A_434 = arith.constant 0 : i32
    %dma_start3A_435 = tpu.memref_slice %arg6[%dma_start3A_433, %dma_start3A_434] : memref<16384x2048xf32, #tpu.memory_space<hbm>> -> memref<16384x2048xf32, #tpu.memory_space<hbm>>
    tpu.enqueue_indirect_dma source(%arg10 : memref<16x2048xf32, #tpu.memory_space<vmem>>) target(%dma_start3A_435 : memref<16384x2048xf32, #tpu.memory_space<hbm>>) offsets(%dma_start3A_432 : memref<16xi32, #tpu.memory_space<vmem>>) semaphore(%arg11 : memref<!tpu.dma_semaphore, #tpu.memory_space<semaphore_mem>>)
    %dma_wait3A_436 = arith.constant 12 : i32
    %dma_wait3A_437 = arith.constant 0 : i32
    %dma_wait3A_438 = tpu.memref_slice %arg8[%dma_wait3A_436, %dma_wait3A_437] : memref<16x16xi32, #tpu.memory_space<vmem>> -> memref<1x16xi32, #tpu.memory_space<vmem>>
    %dma_wait3A_439 = tpu.memref_squeeze %dma_wait3A_438 : memref<1x16xi32, #tpu.memory_space<vmem>> -> memref<16xi32, #tpu.memory_space<vmem>>
    %dma_wait3A_440 = arith.constant 0 : i32
    %dma_wait3A_441 = arith.constant 0 : i32
    %dma_wait3A_442 = tpu.memref_slice %arg6[%dma_wait3A_440, %dma_wait3A_441] : memref<16384x2048xf32, #tpu.memory_space<hbm>> -> memref<16384x2048xf32, #tpu.memory_space<hbm>>
    tpu.wait_indirect_dma semaphore(%arg11 : memref<!tpu.dma_semaphore, #tpu.memory_space<semaphore_mem>>) src(%arg10 : memref<16x2048xf32, #tpu.memory_space<vmem>>) dst(%dma_wait3A_442 : memref<16384x2048xf32, #tpu.memory_space<hbm>>)
    %dma_start3A_443 = arith.constant 13 : i32
    %dma_start3A_444 = arith.constant 0 : i32
    %dma_start3A_445 = tpu.memref_slice %arg8[%dma_start3A_443, %dma_start3A_444] : memref<16x16xi32, #tpu.memory_space<vmem>> -> memref<1x16xi32, #tpu.memory_space<vmem>>
    %dma_start3A_446 = tpu.memref_squeeze %dma_start3A_445 : memref<1x16xi32, #tpu.memory_space<vmem>> -> memref<16xi32, #tpu.memory_space<vmem>>
    %dma_start3A_447 = arith.constant 0 : i32
    %dma_start3A_448 = arith.constant 0 : i32
    %dma_start3A_449 = tpu.memref_slice %arg6[%dma_start3A_447, %dma_start3A_448] : memref<16384x2048xf32, #tpu.memory_space<hbm>> -> memref<16384x2048xf32, #tpu.memory_space<hbm>>
    tpu.enqueue_indirect_dma source(%arg10 : memref<16x2048xf32, #tpu.memory_space<vmem>>) target(%dma_start3A_449 : memref<16384x2048xf32, #tpu.memory_space<hbm>>) offsets(%dma_start3A_446 : memref<16xi32, #tpu.memory_space<vmem>>) semaphore(%arg11 : memref<!tpu.dma_semaphore, #tpu.memory_space<semaphore_mem>>)
    %dma_wait3A_450 = arith.constant 13 : i32
    %dma_wait3A_451 = arith.constant 0 : i32
    %dma_wait3A_452 = tpu.memref_slice %arg8[%dma_wait3A_450, %dma_wait3A_451] : memref<16x16xi32, #tpu.memory_space<vmem>> -> memref<1x16xi32, #tpu.memory_space<vmem>>
    %dma_wait3A_453 = tpu.memref_squeeze %dma_wait3A_452 : memref<1x16xi32, #tpu.memory_space<vmem>> -> memref<16xi32, #tpu.memory_space<vmem>>
    %dma_wait3A_454 = arith.constant 0 : i32
    %dma_wait3A_455 = arith.constant 0 : i32
    %dma_wait3A_456 = tpu.memref_slice %arg6[%dma_wait3A_454, %dma_wait3A_455] : memref<16384x2048xf32, #tpu.memory_space<hbm>> -> memref<16384x2048xf32, #tpu.memory_space<hbm>>
    tpu.wait_indirect_dma semaphore(%arg11 : memref<!tpu.dma_semaphore, #tpu.memory_space<semaphore_mem>>) src(%arg10 : memref<16x2048xf32, #tpu.memory_space<vmem>>) dst(%dma_wait3A_456 : memref<16384x2048xf32, #tpu.memory_space<hbm>>)
    %dma_start3A_457 = arith.constant 14 : i32
    %dma_start3A_458 = arith.constant 0 : i32
    %dma_start3A_459 = tpu.memref_slice %arg8[%dma_start3A_457, %dma_start3A_458] : memref<16x16xi32, #tpu.memory_space<vmem>> -> memref<1x16xi32, #tpu.memory_space<vmem>>
    %dma_start3A_460 = tpu.memref_squeeze %dma_start3A_459 : memref<1x16xi32, #tpu.memory_space<vmem>> -> memref<16xi32, #tpu.memory_space<vmem>>
    %dma_start3A_461 = arith.constant 0 : i32
    %dma_start3A_462 = arith.constant 0 : i32
    %dma_start3A_463 = tpu.memref_slice %arg6[%dma_start3A_461, %dma_start3A_462] : memref<16384x2048xf32, #tpu.memory_space<hbm>> -> memref<16384x2048xf32, #tpu.memory_space<hbm>>
    tpu.enqueue_indirect_dma source(%arg10 : memref<16x2048xf32, #tpu.memory_space<vmem>>) target(%dma_start3A_463 : memref<16384x2048xf32, #tpu.memory_space<hbm>>) offsets(%dma_start3A_460 : memref<16xi32, #tpu.memory_space<vmem>>) semaphore(%arg11 : memref<!tpu.dma_semaphore, #tpu.memory_space<semaphore_mem>>)
    %dma_wait3A_464 = arith.constant 14 : i32
    %dma_wait3A_465 = arith.constant 0 : i32
    %dma_wait3A_466 = tpu.memref_slice %arg8[%dma_wait3A_464, %dma_wait3A_465] : memref<16x16xi32, #tpu.memory_space<vmem>> -> memref<1x16xi32, #tpu.memory_space<vmem>>
    %dma_wait3A_467 = tpu.memref_squeeze %dma_wait3A_466 : memref<1x16xi32, #tpu.memory_space<vmem>> -> memref<16xi32, #tpu.memory_space<vmem>>
    %dma_wait3A_468 = arith.constant 0 : i32
    %dma_wait3A_469 = arith.constant 0 : i32
    %dma_wait3A_470 = tpu.memref_slice %arg6[%dma_wait3A_468, %dma_wait3A_469] : memref<16384x2048xf32, #tpu.memory_space<hbm>> -> memref<16384x2048xf32, #tpu.memory_space<hbm>>
    tpu.wait_indirect_dma semaphore(%arg11 : memref<!tpu.dma_semaphore, #tpu.memory_space<semaphore_mem>>) src(%arg10 : memref<16x2048xf32, #tpu.memory_space<vmem>>) dst(%dma_wait3A_470 : memref<16384x2048xf32, #tpu.memory_space<hbm>>)
    %dma_start3A_471 = arith.constant 15 : i32
    %dma_start3A_472 = arith.constant 0 : i32
    %dma_start3A_473 = tpu.memref_slice %arg8[%dma_start3A_471, %dma_start3A_472] : memref<16x16xi32, #tpu.memory_space<vmem>> -> memref<1x16xi32, #tpu.memory_space<vmem>>
    %dma_start3A_474 = tpu.memref_squeeze %dma_start3A_473 : memref<1x16xi32, #tpu.memory_space<vmem>> -> memref<16xi32, #tpu.memory_space<vmem>>
    %dma_start3A_475 = arith.constant 0 : i32
    %dma_start3A_476 = arith.constant 0 : i32
    %dma_start3A_477 = tpu.memref_slice %arg6[%dma_start3A_475, %dma_start3A_476] : memref<16384x2048xf32, #tpu.memory_space<hbm>> -> memref<16384x2048xf32, #tpu.memory_space<hbm>>
    tpu.enqueue_indirect_dma source(%arg10 : memref<16x2048xf32, #tpu.memory_space<vmem>>) target(%dma_start3A_477 : memref<16384x2048xf32, #tpu.memory_space<hbm>>) offsets(%dma_start3A_474 : memref<16xi32, #tpu.memory_space<vmem>>) semaphore(%arg11 : memref<!tpu.dma_semaphore, #tpu.memory_space<semaphore_mem>>)
    %dma_wait3A_478 = arith.constant 15 : i32
    %dma_wait3A_479 = arith.constant 0 : i32
    %dma_wait3A_480 = tpu.memref_slice %arg8[%dma_wait3A_478, %dma_wait3A_479] : memref<16x16xi32, #tpu.memory_space<vmem>> -> memref<1x16xi32, #tpu.memory_space<vmem>>
    %dma_wait3A_481 = tpu.memref_squeeze %dma_wait3A_480 : memref<1x16xi32, #tpu.memory_space<vmem>> -> memref<16xi32, #tpu.memory_space<vmem>>
    %dma_wait3A_482 = arith.constant 0 : i32
    %dma_wait3A_483 = arith.constant 0 : i32
    %dma_wait3A_484 = tpu.memref_slice %arg6[%dma_wait3A_482, %dma_wait3A_483] : memref<16384x2048xf32, #tpu.memory_space<hbm>> -> memref<16384x2048xf32, #tpu.memory_space<hbm>>
    tpu.wait_indirect_dma semaphore(%arg11 : memref<!tpu.dma_semaphore, #tpu.memory_space<semaphore_mem>>) src(%arg10 : memref<16x2048xf32, #tpu.memory_space<vmem>>) dst(%dma_wait3A_484 : memref<16384x2048xf32, #tpu.memory_space<hbm>>)
    return
  }
}

</mosaic_0001>

<sc_bundles>
// kernel: gather_offload_async_start
scs
__scs_entry_jumppad:
0x0: {  	(pc) =	sbr.rel $0x88, $3  }
0x1: {  	(tag) =	ssettag $0x0;
	lr =	simm.s32 $0x1  }
0x2: {  	[smem:$0x3FA0] =	sst lr;
	_ =	strace $0xD0000000  }
0x3: {  	_ = 	snop  }
0x4: {  	_ = 	snop  }
0x5: {  	_ = 	snop  }
0x6: {  	_ = 	snop  }
0x7: {  	_ = 	snop  }
__scs_overlays_trampoline_lowered:
0x8: {  	[smem:$0x3FAF] =	sst s0  }
0x9: {  	[smem:$0x3FB0] =	sst s1  }
0xa: {  	[smem:$0x3FB1] =	sst s2  }
0xb: {  	[smem:$0x3FB2] =	sst s3  }
0xc: {  	[smem:$0x3FB3] =	sst s4  }
0xd: {  	[smem:$0x3FB4] =	sst s5  }
0xe: {  	[smem:$0x3FB5] =	sst s6  }
0xf: {  	[smem:$0x3FB6] =	sst s7  }
0x10: {  	[smem:$0x3FB7] =	sst s8  }
0x11: {  	[smem:$0x3FB8] =	sst s9;
	s0 =	simm.s32 @!p0 $0x0  }
0x12: {  	s1 =	sld [smem:$0x3F9E];
	s0 =	simm.s32 @p0 $0x1  }
0x13: {  	[smem:$0x3FB9] =	sst s0;
	s0 =	simm.s32 @!p1 $0x0  }
0x14: {  	s2 =	sld [smem:$0x3F9D];
	s0 =	simm.s32 @p1 $0x1  }
0x15: {  	[smem:$0x3FBA] =	sst s0;
	s0 =	simm.s32 @!p2 $0x0  }
0x16: {  	s3 =	sld [smem:$0x3FDB];
	s0 =	simm.s32 @p2 $0x1  }
0x17: {  	s4 =	simm.s32 $0x1BF5;
	[smem:$0x3FBC] =	sst s0  }
0x18: {  	s0 =	sld [smem:$0x3F9F];
	_ =	swait.ge [sflag:s4], $0x0  }
0x19: {  	s7 =	sld [smem:$0x3FA0]  }
0x1a: {  	s8 =	sadd.s32 $0xFFFFE003, lr  }
0x1b: {  	s9 =	sadd.s32 $0xFFFFFEF7, lr;
	s5 =	simm.s32 $0xFFFFFFFF;
	p2 =	slt.u32 s8, $0xFFFFF086  }
0x1c: {  	p1 =	slt.u32 s9, $0xF7A;
	s5 =	simm.s32 @!p2 $0x0  }
0x1d: {  	s5 =	simm.s32 @p1 $0x1;
	p0 =	seq.s32 s7, s2  }
0x1e: {  	s7 =	smul.u32 @!p0 $0xF7A, s2;
	p2 =	seq.s32 @!p0 s5, $0x0  }
0x1f: {  	s9 =	smul.u32 $0xF7A, s1;
	s8 =	simm.s32 @!p0 $0x1BF5;
	p2 =	por !p2, p0  }
0x20: {  	[sflag:s8] =	ssyncset.s32 @!p0 $0xFFFFF086;
	s6 =	sadd.s32 @!p0 s3, s7;
	s7 =	simm.s32 @!p0 $0x108  }
0x21: {  	s3 =	sadd.s32 s3, s9;
	s6 =	sadd.s32 @!p0 $0x88, s6;
	s7 =	simm.s32 @p2 $0x1082  }
0x22: {  	[simem:s7], [sflag:s8] =	dma.local @!p0 [hbm:s6], $0xF7A  }
0x23: {  	s9 =	sor.u32 $0xD0000000, s2;
	s6 =	simm.s32 $0x108;
	_ =	swait.ge @!p0 [sflag:s8], $0x0  }
0x24: {  	s3 =	sadd.s32 $0x88, s3;
	s6 =	simm.s32 @!p1 $0x1082;
	[sflag:s4] =	ssyncset.s32 $0xFFFFF086  }
0x25: {  	[simem:s6], [sflag:s4] =	dma.local [hbm:s3], $0xF7A  }
0x26: {  	[smem:$0x3FA0] =	sst s1;
	(tag) =	ssettag s2;
	_ =	strace s9  }
0x27: {  	s1 =	sld [smem:$0x3FB0]  }
0x28: {  	s2 =	sld [smem:$0x3FB1]  }
0x29: {  	s4 =	sld [smem:$0x3FB3]  }
0x2a: {  	p0 =	seq.s32 s5, $0x0;
	s5 =	sld [smem:$0x3FB4]  }
0x2b: {  	s6 =	sld [smem:$0x3FB5]  }
0x2c: {  	s7 =	sld [smem:$0x3FB6]  }
0x2d: {  	s3 =	simm.s32 $0x108;
	s8 =	sld [smem:$0x3FB7]  }
0x2e: {  	s3 =	simm.s32 @!p0 $0x1082;
	s9 =	sld [smem:$0x3FB8]  }
0x2f: {  	lr =	sadd.s32 s0, s3;
	s0 =	sld [smem:$0x3FAF]  }
0x30: {  	s3 =	sld [smem:$0x3FB2]  }
0x31: {  	[smem:$0x3FBB] =	sst s10  }
0x32: {  	s10 =	sld [smem:$0x3FB9];
	_ =	sdelay $0x3  }
0x33: {  	p0 =	seq.s32 s10, $0x1;
	s10 =	sld [smem:$0x3FBB];
	_ =	sdelay $0x3  }
0x34: {  	[smem:$0x3FBB] =	sst s10  }
0x35: {  	s10 =	sld [smem:$0x3FBA];
	_ =	sdelay $0x3  }
0x36: {  	p1 =	seq.s32 s10, $0x1;
	s10 =	sld [smem:$0x3FBB];
	_ =	sdelay $0x3  }
0x37: {  	[smem:$0x3FBB] =	sst s10  }
0x38: {  	s10 =	sld [smem:$0x3FBC]  }
0x39: {  	_ = 	snop;
	(pc) =	sbr.ind lr, $3  }
0x3a: {  	_ = 	snop  }
0x3b: {  	_ = 	snop  }
0x3c: {  	p2 =	seq.s32 s10, $0x1;
	s10 =	sld [smem:$0x3FBB]  }
0x3d: {  	_ =	shalt  }
0x3e: {  	_ =	shalt  }
0x3f: {  	_ =	shalt  }
0x40: {  	_ =	shalt  }
0x41: {  	_ =	shalt  }
0x42: {  	_ =	shalt  }
0x43: {  	_ =	shalt  }
0x44: {  	_ =	shalt  }
0x45: {  	_ =	shalt  }
0x46: {  	_ =	shalt  }
0x47: {  	_ =	shalt  }
0x48: {  	_ =	shalt  }
0x49: {  	_ =	shalt  }
0x4a: {  	_ =	shalt  }
0x4b: {  	_ =	shalt  }
0x4c: {  	_ =	shalt  }
0x4d: {  	_ =	shalt  }
0x4e: {  	_ =	shalt  }
0x4f: {  	_ =	shalt  }
0x50: {  	_ =	shalt  }
0x51: {  	_ =	shalt  }
0x52: {  	_ =	shalt  }
0x53: {  	_ =	shalt  }
0x54: {  	_ =	shalt  }
0x55: {  	_ =	shalt  }
0x56: {  	_ =	shalt  }
0x57: {  	_ =	shalt  }
0x58: {  	_ =	shalt  }
0x59: {  	_ =	shalt  }
0x5a: {  	_ =	shalt  }
0x5b: {  	_ =	shalt  }
0x5c: {  	_ =	shalt  }
0x5d: {  	_ =	shalt  }
0x5e: {  	_ =	shalt  }
0x5f: {  	_ =	shalt  }
0x60: {  	_ =	shalt  }
0x61: {  	_ =	shalt  }
0x62: {  	_ =	shalt  }
0x63: {  	_ =	shalt  }
0x64: {  	_ =	shalt  }
0x65: {  	_ =	shalt  }
0x66: {  	_ =	shalt  }
0x67: {  	_ =	shalt  }
0x68: {  	_ =	shalt  }
0x69: {  	_ =	shalt  }
0x6a: {  	_ =	shalt  }
0x6b: {  	_ =	shalt  }
0x6c: {  	_ =	shalt  }
0x6d: {  	_ =	shalt  }
0x6e: {  	_ =	shalt  }
0x6f: {  	_ =	shalt  }
0x70: {  	_ =	shalt  }
0x71: {  	_ =	shalt  }
0x72: {  	_ =	shalt  }
0x73: {  	_ =	shalt  }
0x74: {  	_ =	shalt  }
0x75: {  	_ =	shalt  }
0x76: {  	_ =	shalt  }
0x77: {  	_ =	shalt  }
0x78: {  	_ =	shalt  }
0x79: {  	_ =	shalt  }
0x7a: {  	_ =	shalt  }
0x7b: {  	_ =	shalt  }
0x7c: {  	_ =	shalt  }
0x7d: {  	_ =	shalt  }
0x7e: {  	_ =	shalt  }
0x7f: {  	_ =	shalt  }
0x80: {  	_ =	shalt  }
0x81: {  	_ =	shalt  }
0x82: {  	_ =	shalt  }
0x83: {  	_ =	shalt  }
0x84: {  	_ =	shalt  }
0x85: {  	_ =	shalt  }
0x86: {  	_ =	shalt  }
0x87: {  	_ =	shalt  }
.Lfunc_end0:
.L_simem_size_0:
called_computation.1_lowered:
.L_overlay_start_0:
0x88: {  	s2 =	sld [smem:$0x3FD9]  }
0x89: {  	s3 =	sld [smem:$0x3FFE];
	_ =	sdelay $0x1  }
0x8a: {  	s1 =	srdreg.scid  }
0x8b: {  	s0 =	sand.u32 $0x1, s1  }
0x8c: {  	s17 =	sshll.u32 s0, $0xA;
	s2 =	sadd.s32 s3, s2  }
0x8d: {  	s2 =	sadd.s32 s2, s17  }
0x8e: {  	[smem:$0x3FC7] =	sst s2  }
0x8f: {  	_ = 	snop  }
0x90: {  	s2 =	sld [smem:$0x3FD0];
	(tm) =	ssettm $0x1  }
0x91: {  	s18 =	sld [smem:$0x3FFB];
	_ =	sdelay $0x3  }
0x92: {  	_ =	strace s18  }
0x93: {  	s3 =	sld [smem:$0x3FFC];
	_ =	sdelay $0x3  }
0x94: {  	_ =	strace s3  }
0x95: {  	s3 =	sld [smem:$0x3FFD];
	_ =	sdelay $0x3  }
0x96: {  	_ =	strace s3  }
0x97: {  	_ =	strace $0x8FFFFFFF  }
0x98: {  	s19 =	sld [smem:$0x3FDB];
	_ =	sdelay $0x1  }
0x99: {  	s4 =	simm.s32 $_scs_section_size  }
0x9a: {  	s5 =	simm.s32 $_size__tile_overlayer_lowered;
	s6 =	simm.s32 $_tile_overlayer_lowered  }
0x9b: {  	s22 =	simm.s32 $0x1BFF;
	s21 =	sshll.u32 s6, $0x1;
	s3 =	sadd.s32 s4, s19  }
0x9c: {  	s7 =	simm.s32 $0x0;
	s20 =	sshll.u32 s5, $0x1;
	s5 =	sadd.s32 s21, s3  }
0x9d: {  	[timem:s7], [sflag:s22] =	dma.local [hbm:s5], s20  }
0x9e: {  	_ =	swait.ge [sflag:s22], s20  }
0x9f: {  	s4 =	ssub.s32 $0x0, s20;
	[sflag:s22] =	ssyncset.done $0x0  }
0xa0: {  	[sflag:s22] =	ssyncadd.s32 s4;
	_ =	sdelay $0x1  }
0xa1: {  	s23 =	simm.s32 $0x1B8B  }
0xa2: {  	_ =	swait.ge [sflag:s23], $0x1  }
0xa3: {  	[sflag:s23] =	ssyncset.done $0x0  }
0xa4: {  	s25 =	simm.s32 $0x1B8E;
	s24 =	sld [smem:$0x3FFE];
	[sflag:s23] =	ssyncadd.s32 $0xFFFFFFFF  }
0xa5: {  	s26 =	simm.s32 $execute0_lowered;
	[smem:$0x3FD2] =	sst s25  }
0xa6: {  	s5 =	sshll.u32 s26, $0x1;
	_ =	strace $0x80000046;
	[dreg:$0x1] =	wrdreg $0xFFFFFFFF  }
0xa7: {  	s28 =	simm.s32 $_size_execute0_lowered;
	s3 =	sadd.s32 s3, s5;
	[dreg:$0x0] =	wrdreg $0x0  }
0xa8: {  	s5 =	sshll.u32 s28, $0x1;
	[dreg:$0x2] =	wrdreg s3  }
0xa9: {  	[dreg:$0x3] =	wrdreg s5  }
0xaa: {  	[dreg:$0x4] =	wrdreg $0xC0  }
0xab: {  	_ =	task [dreg:s7], $0x5FFFF  }
0xac: {  	[dreg:$0x1] =	wrdreg $0xFFFFFFFF  }
0xad: {  	[dreg:$0x0] =	wrdreg $0x60  }
0xae: {  	[dreg:$0x2] =	wrdreg s2  }
0xaf: {  	[dreg:$0x3] =	wrdreg s24  }
0xb0: {  	[dreg:$0x4] =	wrdreg $0x9  }
0xb1: {  	_ =	task.clear_ibuf [dreg:s7], $0x5FFFF;
	_ =	strace $0x90000046  }
0xb2: {  	s29 =	simm.s32 $0x9;
	_ =	strace $0x80000048  }
0xb3: {  	_ =	swait.ge [sflag:s29], $0x1  }
0xb4: {  	[sflag:s29] =	ssyncadd.s32 $0xFFFFFFFF  }
0xb5: {  	_ =	strace $0x90000048  }
0xb6: {  	_ =	sfence  }
0xb7: {  	s30 =	sld [smem:$0x0];
	_ =	sdelay $0x2  }
0xb8: {  	s31 =	sshll.u32 s1, $0xD;
	s1 =	sshrl.u32 s1, $0x2  }
0xb9: {  	s3 =	sand.u32 $0x4000, s31;
	s1 =	sadd.s32 s1, s30  }
0xba: {  	s0 =	sor.u32 s3, s0;
	s1 =	sshll.u32 s1, $0x11  }
0xbb: {  	s0 =	sor.u32 s1, s0  }
0xbc: {  	s0 =	sadd.s32 $0x8F2B, s0  }
0xbd: {  	[sflag:s0] =	ssyncadd.remote.s32 $0x1  }
0xbe: {  	_ =	sfence.sel $0xFFFF  }
0xbf: {  	[dreg:$0x0] =	wrdreg $0xFFFFFFFF;
	(pc) =	sbr.abs _section_cstart, $3  }
0xc0: {  	[dreg:$0x1] =	wrdreg $0xFFFFFFFF  }
0xc1: {  	_ =	task.clear_ibuf [dreg:s7], $0x2FFFF;
	_ =	strace $0x9FFFFFFF  }
0xc2: {  	(tm) =	ssettm $0x7FFFFFFF  }
0xc3: {  	_ =	shalt  }
tec
execute0_lowered:
.L_overlay_start_1:
0x0: {  	(tag) =	ssettag $0x1  }
0x1: {  	s1 =	srdreg.scid;
	s2 =	rddreg [dreg:$0x0]  }
0x2: {  	s0 =	stileid.u32;
	s3 =	rddreg [dreg:$0x1]  }
0x3: {  	s6 =	simm.s32 $0x1;
	s9 =	simm.s32 $0x1;
	s1 =	sshll.u32 s1, $0x7  }
0x4: {  	s10 =	simm.s32 $0x3;
	s4 =	sshll.u32 s0, $0x8;
	s5 =	sand.u32 $0x80, s1  }
0x5: {  	s13 =	simm.s32 $0x0;
	s12 =	simm.s32 $0x0;
	s4 =	sor.u32 s4, s5  }
0x6: {  	s1 =	rddreg [dreg:$0x2];
	_ =	strace $0x80000047;
	s8 =	ssub.s32 $0x2000, s4  }
.Ltmp0:
0x7: {  	s5 =	sadd.s32 $0x400, s3;
	s7 =	sand.u32 $0xF80, s8;
	(pc) =	sbr.rel .LBB2_1-.Ltmp0, $4  }
0x8: {  	[sflag:s6] =	ssyncpa.u1 $0x0;
	s11 =	smov.u32 s4;
	p0 =	sne.s32 s7, $0x0  }
0x9: {  	s8 =	sshrl.u32 s8, $0xC;
	s7 =	simm.s32 $0x2;
	s9 =	simm.s32 @!p0 $0x0  }
0xa: {  	[sflag:s7] =	ssyncpa.u1 $0x0;
	p0 =	por $0x0, $0x0;
	s8 =	sadd.s32 s9, s8  }
0xb: {  	vm0 =	vmmov $0xffff;
	[sflag:s10] =	ssyncpa.u1 $0x0;
	s10 =	simm.s32 $0x0;
	s9 =	sadd.s32 $0x1, s8  }
.LBB2_4:
0xc: {  	vm1 =	veq.s32 v0, $0x80000000;
	v63 =	vand.u32 $0x1FFF, v0;
	v2 =	vand.u32 $0xF, v2  }
0xd: {  	v0 =	vsel vm1, $0xFFFFFFFF, v63;
	v2 =	vsel vm1, $0xFFFFFFFF, v2  }
0xe: {  	v3 =	vshll.u32 v2, $0xD;
	v4 =	vshll.u32 v0, $0x3  }
0xf: {  	v2 =	vshll.u32 v2, $0x7;
	v3 =	vand.u32 $0xFFFF0000, v3;
	v4 =	vand.u32 $0xFFFFFC00, v4  }
0x10: {  	v2 =	vand.u32 $0x380, v2;
	v3 =	vadd.s32 v4, v3  }
0x11: {  	v0 =	vand.u32 $0x7F, v0;
	v2 =	vor.u32 v2, v3  }
0x12: {  	v0 =	vor.u32 v0, v2;
	_ =	sdelay $0x1  }
0x13: {  	(ifvalue) =	ssetifvalue $0x7FFFFFFF;
	s14 =	sadd.s32 $0x10, s14  }
0x14: {  	[tilespmem:s14], [sflag:$0x1] =	stream.indirect_vreg.gather [hbm4b:s2+s10], $0x1, v1, vm0, $0x4038;
	[tilespmem:$0x200] =	vst v63  }
0x15: {  	(ifvalue) =	ssetifvalue $0x7FFFFFFF;
	s14 =	sadd.s32 $0x10, s14  }
0x16: {  	[tilespmem:s14], [sflag:$0x1] =	stream.indirect_vreg.gather [hbm4b:s2+s10], $0x1, v0, vm0, $0x4038;
	[tilespmem:$0x200] =	vst v63  }
0x17: {  	_ =	swait.ge [sflag:s6], $0x80  }
0x18: {  	s30 =	sshrl.u32 s13, $0x3;
	[sflag:s6] =	ssyncset.done $0x0  }
0x19: {  	s31 =	sand.u32 $0x7, s13;
	s14 =	sadd.s32 s5, s30;
	[sflag:s6] =	ssyncadd.s32 $0xFFFFFF80  }
0x1a: {  	[hbm4b:s14+s31] =	stream.linear.scatter [tilespmem:s15], [sflag:$0x3], $0x80, $0x38;
	[tilespmem:$0x200] =	vst v63  }
.LBB2_5:
0x1b: {  	s15 =	sadd.s32 $0x1000, s11  }
0x1c: {  	p2 =	sgt.s32 s15, $0x1FFF  }
0x1d: {  	s15 =	smov.u32 @p2 s4;
	p2 =	sne.s32 s12, s9  }
.Ltmp1:
0x1e: {  	p1 =	slt.u32 s12, $0x2;
	(pc) =	sbr.rel @!p2 .LBB2_6-.Ltmp1, $4  }
0x1f: {  	s14 =	simm.s32 @!p1 $0x3  }
0x20: {  	s16 =	sadd.s32 $0x1, s12;
	_ =	swait.ge @!p1 [sflag:s14], $0x80  }
0x21: {  	s13 =	smov.u32 s11;
	p0 =	por !p0, !p0;
	[sflag:s14] =	ssyncset.done @!p1 $0x0  }
0x22: {  	s12 =	smov.u32 s16;
	s11 =	smov.u32 s15;
	[sflag:s14] =	ssyncadd.s32 @!p1 $0xFFFFFF80  }
.LBB2_1:
0x23: {  	p1 =	sge.u32 s12, s8  }
0x24: {  	s14 =	sxor.u32 @!p1 $0xFFFFFFFF, s12  }
0x25: {  	s31 =	sadd.s32 $0xFFFFFFFF, s12;
	s15 =	sshrl.u32 @!p1 s11, $0x3;
	s14 =	sshll.u32 @!p1 s14, $0x7  }
0x26: {  	s16 =	sand.u32 @!p1 $0x7, s11;
	s15 =	sadd.s32 @!p1 s3, s15;
	s14 =	sand.u32 @!p1 $0x80, s14  }
0x27: {  	[tilespmem:s14], [sflag:$0x2] =	stream.linear.gather @!p1 [hbm4b:s15+s16], $0x80, $0x38;
	[tilespmem:$0x200] =	vst v63  }
0x28: {  	p1 =	sge.u32 s31, s8  }
.Ltmp2:
0x29: {  	_ = 	snop;
	(pc) =	sbr.rel @p1 .LBB2_5-.Ltmp2, $1  }
0x2a: {  	_ =	sdelay $0x3  }
0x2b: {  	s14 =	simm.s32 $0x1  }
0x2c: {  	_ =	swait.ge [sflag:s7], $0x80;
	s14 =	simm.s32 @!p0 $0x0  }
0x2d: {  	[sflag:s7] =	ssyncset.done $0x0;
	s14 =	sshll.u32 s14, $0x7  }
0x2e: {  	[sflag:s7] =	ssyncadd.s32 $0xFFFFFF80;
	(ifvalue) =	ssetifvalue $0x7FFFFFFF;
	v0 =	vld.msk [tilespmem:s14+$0x0 ss:$0x1], $0xffff;
	_ =	sdelay $0x4  }
0x2f: {  	s15 =	sadd.s32 $0x10, s14;
	v1 =	vshrl.u32 v0, $0xD  }
0x30: {  	v2 =	vld.msk [tilespmem:s15+$0x0 ss:$0x1], $0xffff;
	vm1 =	veq.s32 v0, $0x80000000;
	v0 =	vand.u32 $0x1FFF, v0;
	v1 =	vand.u32 $0xF, v1  }
0x31: {  	v0 =	vsel vm1, $0xFFFFFFFF, v0;
	v1 =	vsel vm1, $0xFFFFFFFF, v1  }
0x32: {  	v4 =	vshll.u32 v0, $0x3;
	v3 =	vshll.u32 v1, $0xD  }
0x33: {  	v4 =	vand.u32 $0xFFFFFC00, v4;
	v1 =	vshll.u32 v1, $0x7;
	v3 =	vand.u32 $0xFFFF0000, v3  }
0x34: {  	v0 =	vand.u32 $0x7F, v0;
	v1 =	vand.u32 $0x380, v1;
	v3 =	vadd.s32 v4, v3  }
0x35: {  	vm1 =	veq.s32 v2, $0x80000000;
	v1 =	vor.u32 v1, v3;
	v3 =	vshrl.u32 v2, $0xD  }
0x36: {  	s17 =	sadd.s32 $0x10, s15;
	v2 =	vand.u32 $0x1FFF, v2;
	v1 =	vor.u32 v0, v1;
	v3 =	vand.u32 $0xF, v3  }
0x37: {  	v0 =	vld.msk [tilespmem:s17+$0x0 ss:$0x1], $0xffff;
	v2 =	vsel vm1, $0xFFFFFFFF, v2;
	v3 =	vsel vm1, $0xFFFFFFFF, v3  }
0x38: {  	v5 =	vshll.u32 v2, $0x3;
	v63 =	vshll.u32 v3, $0xD  }
0x39: {  	s31 =	sshll.u32 s12, $0x7;
	v5 =	vand.u32 $0xFFFFFC00, v5;
	v3 =	vshll.u32 v3, $0x7;
	v4 =	vand.u32 $0xFFFF0000, v63  }
0x3a: {  	s14 =	sor.u32 $0x100, s14;
	s15 =	sand.u32 $0x80, s31;
	(ifvalue) =	ssetifvalue $0x7FFFFFFF;
	v3 =	vand.u32 $0x380, v3;
	v4 =	vadd.s32 v5, v4  }
0x3b: {  	[tilespmem:s14], [sflag:$0x1] =	stream.indirect_vreg.gather [hbm4b:s2+s10], $0x1, v1, vm0, $0x4038;
	v1 =	vand.u32 $0x7F, v2;
	v3 =	vor.u32 v3, v4;
	[tilespmem:$0x200] =	vst v63  }
0x3c: {  	s16 =	simm.s32 $0x20;
	s15 =	sor.u32 $0x100, s15;
	s17 =	sadd.s32 $0x10, s17;
	v2 =	vshrl.u32 v0, $0xD;
	v1 =	vor.u32 v1, v3  }
.LBB2_3:
0x3d: {  	s16 =	sadd.s32 $0x10, s16;
	vm1 =	veq.s32 v0, $0x80000000;
	v3 =	vand.u32 $0x1FFF, v0;
	v0 =	vld.msk [tilespmem:s17+$0x0 ss:$0x1], $0xffff;
	v2 =	vand.u32 $0xF, v2  }
0x3e: {  	p1 =	slt.u32 s16, $0x70;
	v3 =	vsel vm1, $0xFFFFFFFF, v3;
	v2 =	vsel vm1, $0xFFFFFFFF, v2  }
.Ltmp3:
0x3f: {  	v4 =	vshll.u32 v2, $0xD;
	v5 =	vshll.u32 v3, $0x3;
	(pc) =	sbr.rel @p1 .LBB2_3-.Ltmp3, $4  }
0x40: {  	s14 =	sadd.s32 $0x10, s14;
	v2 =	vshll.u32 v2, $0x7;
	v4 =	vand.u32 $0xFFFF0000, v4;
	v5 =	vand.u32 $0xFFFFFC00, v5;
	(ifvalue) =	ssetifvalue $0x7FFFFFFF  }
0x41: {  	v2 =	vand.u32 $0x380, v2;
	v4 =	vadd.s32 v5, v4;
	[tilespmem:s14], [sflag:$0x1] =	stream.indirect_vreg.gather [hbm4b:s2+s10], $0x1, v1, vm0, $0x4038;
	[tilespmem:$0x200] =	vst v63  }
0x42: {  	v1 =	vand.u32 $0x7F, v3;
	v3 =	vor.u32 v2, v4  }
0x43: {  	s17 =	sadd.s32 $0x10, s17;
	v2 =	vshrl.u32 v0, $0xD;
	v1 =	vor.u32 v1, v3  }
.Ltmp4:
0x44: {  	_ = 	snop;
	(pc) =	sbr.rel .LBB2_4-.Ltmp4, $1  }
0x45: {  	_ =	sdelay $0x3  }
.LBB2_6:
0x46: {  	_ =	sfence.sel $0x180000  }
0x47: {  	s2 =	simm.s32 $0x2;
	[bflag:$0x0] =	sbarrier.arrive $0xFFFF  }
0x48: {  	s30 =	simm.s32 $0x3;
	[sflag:s2] =	ssyncpa.u1 $0x1  }
0x49: {  	s31 =	simm.s32 $0x1;
	[sflag:s30] =	ssyncpa.u1 $0x1  }
0x4a: {  	[sflag:s31] =	ssyncpa.u1 $0x1  }
0x4b: {  	p0 =	sne.s32 s0, $0x0;
	_ =	strace $0x90000047  }
0x4c: {  	s0 =	sadd.s32 @!p0 $0x100000, s1;
	[bflag:$0x2] =	sbarrier.arrive $0xFFFF  }
0x4d: {  	[sflag:s0] =	ssyncadd.tile.s32 @!p0 $0x1;
	_ =	shalt  }
.Lfunc_end2:
_tile_overlayer_lowered:
.L_overlay_start_2:
0x4e: {  	(tag) =	ssettag $0x2  }
0x4f: {  	s0 =	rddreg [dreg:$0x0];
	s2 =	stileid.u32  }
0x50: {  	s1 =	rddreg [dreg:$0x1];
	p0 =	sne.s32 s2, $0x0  }
0x51: {  	s3 =	rddreg [dreg:$0x2];
	[bflag:$0x3] =	sbarrier.arrive $0xFFFF;
	s2 =	simm.s32 @!p0 $0x1C01  }
0x52: {  	[timem:s3], [sflag:s2] =	dma.local @!p0 [hbm:s0], s1  }
0x53: {  	s0 =	simm.s32 @!p0 $0x1  }
0x54: {  	_ =	swait.ge @!p0 [sflag:s0], s1  }
0x55: {  	s1 =	ssub.s32 @!p0 $0x0, s1;
	[sflag:s0] =	ssyncset.done @!p0 $0x0  }
0x56: {  	[sflag:s0] =	ssyncadd.s32 @!p0 s1  }
0x57: {  	[bflag:$0x3] =	sbarrier.arrive $0xFFFF  }
0x58: {  	_ =	shalt  }

// kernel: kernel.3.cloned.1.call-start
scs
__scs_entry_jumppad:
0x0: {  	(pc) =	sbr.rel $0x88, $3  }
0x1: {  	(tag) =	ssettag $0x0;
	lr =	simm.s32 $0x1  }
0x2: {  	[smem:$0x3FA0] =	sst lr;
	_ =	strace $0xD0000000  }
0x3: {  	_ = 	snop  }
0x4: {  	_ = 	snop  }
0x5: {  	_ = 	snop  }
0x6: {  	_ = 	snop  }
0x7: {  	_ = 	snop  }
__scs_overlays_trampoline_lowered:
0x8: {  	[smem:$0x3FAF] =	sst s0  }
0x9: {  	[smem:$0x3FB0] =	sst s1  }
0xa: {  	[smem:$0x3FB1] =	sst s2  }
0xb: {  	[smem:$0x3FB2] =	sst s3  }
0xc: {  	[smem:$0x3FB3] =	sst s4  }
0xd: {  	[smem:$0x3FB4] =	sst s5  }
0xe: {  	[smem:$0x3FB5] =	sst s6  }
0xf: {  	[smem:$0x3FB6] =	sst s7  }
0x10: {  	[smem:$0x3FB7] =	sst s8  }
0x11: {  	[smem:$0x3FB8] =	sst s9;
	s0 =	simm.s32 @!p0 $0x0  }
0x12: {  	s1 =	sld [smem:$0x3F9E];
	s0 =	simm.s32 @p0 $0x1  }
0x13: {  	[smem:$0x3FB9] =	sst s0;
	s0 =	simm.s32 @!p1 $0x0  }
0x14: {  	s2 =	sld [smem:$0x3F9D];
	s0 =	simm.s32 @p1 $0x1  }
0x15: {  	[smem:$0x3FBA] =	sst s0;
	s0 =	simm.s32 @!p2 $0x0  }
0x16: {  	s3 =	sld [smem:$0x3FDB];
	s0 =	simm.s32 @p2 $0x1  }
0x17: {  	s4 =	simm.s32 $0x1BF5;
	[smem:$0x3FBC] =	sst s0  }
0x18: {  	s0 =	sld [smem:$0x3F9F];
	_ =	swait.ge [sflag:s4], $0x0  }
0x19: {  	s7 =	sld [smem:$0x3FA0]  }
0x1a: {  	s8 =	sadd.s32 $0xFFFFE003, lr  }
0x1b: {  	s9 =	sadd.s32 $0xFFFFFEF7, lr;
	s5 =	simm.s32 $0xFFFFFFFF;
	p2 =	slt.u32 s8, $0xFFFFF086  }
0x1c: {  	p1 =	slt.u32 s9, $0xF7A;
	s5 =	simm.s32 @!p2 $0x0  }
0x1d: {  	s5 =	simm.s32 @p1 $0x1;
	p0 =	seq.s32 s7, s2  }
0x1e: {  	s7 =	smul.u32 @!p0 $0xF7A, s2;
	p2 =	seq.s32 @!p0 s5, $0x0  }
0x1f: {  	s9 =	smul.u32 $0xF7A, s1;
	s8 =	simm.s32 @!p0 $0x1BF5;
	p2 =	por !p2, p0  }
0x20: {  	[sflag:s8] =	ssyncset.s32 @!p0 $0xFFFFF086;
	s6 =	sadd.s32 @!p0 s3, s7;
	s7 =	simm.s32 @!p0 $0x108  }
0x21: {  	s3 =	sadd.s32 s3, s9;
	s6 =	sadd.s32 @!p0 $0x88, s6;
	s7 =	simm.s32 @p2 $0x1082  }
0x22: {  	[simem:s7], [sflag:s8] =	dma.local @!p0 [hbm:s6], $0xF7A  }
0x23: {  	s9 =	sor.u32 $0xD0000000, s2;
	s6 =	simm.s32 $0x108;
	_ =	swait.ge @!p0 [sflag:s8], $0x0  }
0x24: {  	s3 =	sadd.s32 $0x88, s3;
	s6 =	simm.s32 @!p1 $0x1082;
	[sflag:s4] =	ssyncset.s32 $0xFFFFF086  }
0x25: {  	[simem:s6], [sflag:s4] =	dma.local [hbm:s3], $0xF7A  }
0x26: {  	[smem:$0x3FA0] =	sst s1;
	(tag) =	ssettag s2;
	_ =	strace s9  }
0x27: {  	s1 =	sld [smem:$0x3FB0]  }
0x28: {  	s2 =	sld [smem:$0x3FB1]  }
0x29: {  	s4 =	sld [smem:$0x3FB3]  }
0x2a: {  	p0 =	seq.s32 s5, $0x0;
	s5 =	sld [smem:$0x3FB4]  }
0x2b: {  	s6 =	sld [smem:$0x3FB5]  }
0x2c: {  	s7 =	sld [smem:$0x3FB6]  }
0x2d: {  	s3 =	simm.s32 $0x108;
	s8 =	sld [smem:$0x3FB7]  }
0x2e: {  	s3 =	simm.s32 @!p0 $0x1082;
	s9 =	sld [smem:$0x3FB8]  }
0x2f: {  	lr =	sadd.s32 s0, s3;
	s0 =	sld [smem:$0x3FAF]  }
0x30: {  	s3 =	sld [smem:$0x3FB2]  }
0x31: {  	[smem:$0x3FBB] =	sst s10  }
0x32: {  	s10 =	sld [smem:$0x3FB9];
	_ =	sdelay $0x3  }
0x33: {  	p0 =	seq.s32 s10, $0x1;
	s10 =	sld [smem:$0x3FBB];
	_ =	sdelay $0x3  }
0x34: {  	[smem:$0x3FBB] =	sst s10  }
0x35: {  	s10 =	sld [smem:$0x3FBA];
	_ =	sdelay $0x3  }
0x36: {  	p1 =	seq.s32 s10, $0x1;
	s10 =	sld [smem:$0x3FBB];
	_ =	sdelay $0x3  }
0x37: {  	[smem:$0x3FBB] =	sst s10  }
0x38: {  	s10 =	sld [smem:$0x3FBC]  }
0x39: {  	_ = 	snop;
	(pc) =	sbr.ind lr, $3  }
0x3a: {  	_ = 	snop  }
0x3b: {  	_ = 	snop  }
0x3c: {  	p2 =	seq.s32 s10, $0x1;
	s10 =	sld [smem:$0x3FBB]  }
0x3d: {  	_ =	shalt  }
0x3e: {  	_ =	shalt  }
0x3f: {  	_ =	shalt  }
0x40: {  	_ =	shalt  }
0x41: {  	_ =	shalt  }
0x42: {  	_ =	shalt  }
0x43: {  	_ =	shalt  }
0x44: {  	_ =	shalt  }
0x45: {  	_ =	shalt  }
0x46: {  	_ =	shalt  }
0x47: {  	_ =	shalt  }
0x48: {  	_ =	shalt  }
0x49: {  	_ =	shalt  }
0x4a: {  	_ =	shalt  }
0x4b: {  	_ =	shalt  }
0x4c: {  	_ =	shalt  }
0x4d: {  	_ =	shalt  }
0x4e: {  	_ =	shalt  }
0x4f: {  	_ =	shalt  }
0x50: {  	_ =	shalt  }
0x51: {  	_ =	shalt  }
0x52: {  	_ =	shalt  }
0x53: {  	_ =	shalt  }
0x54: {  	_ =	shalt  }
0x55: {  	_ =	shalt  }
0x56: {  	_ =	shalt  }
0x57: {  	_ =	shalt  }
0x58: {  	_ =	shalt  }
0x59: {  	_ =	shalt  }
0x5a: {  	_ =	shalt  }
0x5b: {  	_ =	shalt  }
0x5c: {  	_ =	shalt  }
0x5d: {  	_ =	shalt  }
0x5e: {  	_ =	shalt  }
0x5f: {  	_ =	shalt  }
0x60: {  	_ =	shalt  }
0x61: {  	_ =	shalt  }
0x62: {  	_ =	shalt  }
0x63: {  	_ =	shalt  }
0x64: {  	_ =	shalt  }
0x65: {  	_ =	shalt  }
0x66: {  	_ =	shalt  }
0x67: {  	_ =	shalt  }
0x68: {  	_ =	shalt  }
0x69: {  	_ =	shalt  }
0x6a: {  	_ =	shalt  }
0x6b: {  	_ =	shalt  }
0x6c: {  	_ =	shalt  }
0x6d: {  	_ =	shalt  }
0x6e: {  	_ =	shalt  }
0x6f: {  	_ =	shalt  }
0x70: {  	_ =	shalt  }
0x71: {  	_ =	shalt  }
0x72: {  	_ =	shalt  }
0x73: {  	_ =	shalt  }
0x74: {  	_ =	shalt  }
0x75: {  	_ =	shalt  }
0x76: {  	_ =	shalt  }
0x77: {  	_ =	shalt  }
0x78: {  	_ =	shalt  }
0x79: {  	_ =	shalt  }
0x7a: {  	_ =	shalt  }
0x7b: {  	_ =	shalt  }
0x7c: {  	_ =	shalt  }
0x7d: {  	_ =	shalt  }
0x7e: {  	_ =	shalt  }
0x7f: {  	_ =	shalt  }
0x80: {  	_ =	shalt  }
0x81: {  	_ =	shalt  }
0x82: {  	_ =	shalt  }
0x83: {  	_ =	shalt  }
0x84: {  	_ =	shalt  }
0x85: {  	_ =	shalt  }
0x86: {  	_ =	shalt  }
0x87: {  	_ =	shalt  }
.Lfunc_end0:
.L_simem_size_0:
called_computation.2_lowered:
.L_overlay_start_0:
0x88: {  	s2 =	sld [smem:$0x3FD9]  }
0x89: {  	s3 =	sld [smem:$0x3FFE];
	_ =	sdelay $0x1  }
0x8a: {  	s1 =	srdreg.scid  }
0x8b: {  	s0 =	sand.u32 $0x1, s1  }
0x8c: {  	s17 =	sshll.u32 s0, $0xA;
	s2 =	sadd.s32 s3, s2  }
0x8d: {  	s2 =	sadd.s32 s2, s17  }
0x8e: {  	[smem:$0x3FC7] =	sst s2  }
0x8f: {  	_ = 	snop  }
0x90: {  	s2 =	sld [smem:$0x3FC9]  }
0x91: {  	s18 =	sld [smem:$0x3FD0];
	(tm) =	ssettm $0x1  }
0x92: {  	s4 =	sld [smem:$0x3FFB];
	_ =	sdelay $0x3  }
0x93: {  	_ =	strace s4  }
0x94: {  	s4 =	sld [smem:$0x3FFC];
	_ =	sdelay $0x3  }
0x95: {  	_ =	strace s4  }
0x96: {  	s4 =	sld [smem:$0x3FFD];
	_ =	sdelay $0x3  }
0x97: {  	_ =	strace s4  }
0x98: {  	_ =	strace $0x8FFFFFFF  }
0x99: {  	s19 =	sld [smem:$0x3FDB];
	_ =	sdelay $0x1  }
0x9a: {  	s5 =	simm.s32 $_scs_section_size  }
0x9b: {  	s6 =	simm.s32 $_size__tile_overlayer_lowered;
	s7 =	simm.s32 $_tile_overlayer_lowered  }
0x9c: {  	s22 =	simm.s32 $0x1BFF;
	s21 =	sshll.u32 s7, $0x1;
	s4 =	sadd.s32 s5, s19  }
0x9d: {  	s8 =	simm.s32 $0x0;
	s20 =	sshll.u32 s6, $0x1;
	s6 =	sadd.s32 s21, s4  }
0x9e: {  	[timem:s8], [sflag:s22] =	dma.local [hbm:s6], s20  }
0x9f: {  	_ =	swait.ge [sflag:s22], s20  }
0xa0: {  	s5 =	ssub.s32 $0x0, s20;
	[sflag:s22] =	ssyncset.done $0x0  }
0xa1: {  	[sflag:s22] =	ssyncadd.s32 s5;
	_ =	sdelay $0x1  }
0xa2: {  	s23 =	simm.s32 $0x1B8B  }
0xa3: {  	_ =	swait.ge [sflag:s23], $0x1  }
0xa4: {  	[sflag:s23] =	ssyncset.done $0x0  }
0xa5: {  	s25 =	simm.s32 $0x1B8E;
	s24 =	sld [smem:$0x3FFE];
	[sflag:s23] =	ssyncadd.s32 $0xFFFFFFFF  }
0xa6: {  	s26 =	simm.s32 $execute0_lowered;
	[smem:$0x3FD2] =	sst s25  }
0xa7: {  	s6 =	sshll.u32 s26, $0x1;
	_ =	strace $0x8000004C;
	[dreg:$0x1] =	wrdreg $0xFFFFFFFF  }
0xa8: {  	s28 =	simm.s32 $_size_execute0_lowered;
	s4 =	sadd.s32 s4, s6;
	[dreg:$0x0] =	wrdreg $0x0  }
0xa9: {  	s6 =	sshll.u32 s28, $0x1;
	[dreg:$0x2] =	wrdreg s4  }
0xaa: {  	[dreg:$0x3] =	wrdreg s6  }
0xab: {  	[dreg:$0x4] =	wrdreg $0xC0  }
0xac: {  	_ =	task [dreg:s8], $0x5FFFF  }
0xad: {  	[dreg:$0x1] =	wrdreg $0xFFFFFFFF  }
0xae: {  	[dreg:$0x0] =	wrdreg $0x60  }
0xaf: {  	[dreg:$0x2] =	wrdreg s2  }
0xb0: {  	[dreg:$0x3] =	wrdreg s24  }
0xb1: {  	[dreg:$0x4] =	wrdreg s18  }
0xb2: {  	[dreg:$0x5] =	wrdreg $0x9  }
0xb3: {  	_ =	task.clear_ibuf [dreg:s8], $0x6FFFF;
	_ =	strace $0x9000004C  }
0xb4: {  	s29 =	simm.s32 $0x9;
	_ =	strace $0x8000004E  }
0xb5: {  	_ =	swait.ge [sflag:s29], $0x1  }
0xb6: {  	[sflag:s29] =	ssyncadd.s32 $0xFFFFFFFF  }
0xb7: {  	_ =	strace $0x9000004E  }
0xb8: {  	_ =	sfence  }
0xb9: {  	s30 =	sld [smem:$0x0];
	_ =	sdelay $0x2  }
0xba: {  	s31 =	sshll.u32 s1, $0xD;
	s1 =	sshrl.u32 s1, $0x2  }
0xbb: {  	s3 =	sand.u32 $0x4000, s31;
	s1 =	sadd.s32 s1, s30  }
0xbc: {  	s0 =	sor.u32 s3, s0;
	s1 =	sshll.u32 s1, $0x11  }
0xbd: {  	s0 =	sor.u32 s1, s0  }
0xbe: {  	s0 =	sadd.s32 $0x8F2B, s0  }
0xbf: {  	[sflag:s0] =	ssyncadd.remote.s32 $0x1  }
0xc0: {  	_ =	sfence.sel $0xFFFF  }
0xc1: {  	[dreg:$0x0] =	wrdreg $0xFFFFFFFF;
	(pc) =	sbr.abs _section_cstart, $3  }
0xc2: {  	[dreg:$0x1] =	wrdreg $0xFFFFFFFF  }
0xc3: {  	_ =	task.clear_ibuf [dreg:s8], $0x2FFFF;
	_ =	strace $0x9FFFFFFF  }
0xc4: {  	(tm) =	ssettm $0x7FFFFFFF  }
0xc5: {  	_ =	shalt  }
tec
execute0_lowered:
.L_overlay_start_1:
0x0: {  	(tag) =	ssettag $0x1  }
0x1: {  	s0 =	rddreg [dreg:$0x0]  }
0x2: {  	s1 =	rddreg [dreg:$0x1];
	s3 =	srdreg.scid  }
0x3: {  	s5 =	stileid.u32;
	s2 =	rddreg [dreg:$0x2]  }
0x4: {  	s4 =	sand.u32 $0x1, s3;
	s5 =	sshll.u32 s5, $0x1;
	s3 =	simm.s32 $0x0  }
0x5: {  	s30 =	simm.s32 $0x800;
	s5 =	sor.u32 s4, s5;
	[smem:$0x7FF] =	sst s3  }
0x6: {  	s6 =	sshll.u32 s5, $0x8;
	_ =	strace $0x8000004D;
	s5 =	sshll.u32 s5, $0x10  }
0x7: {  	[dreg:$0x16] =	wrdreg s30;
	s6 =	sadd.s32 s6, s1;
	s1 =	sadd.s32 $0x4200, s1  }
0x8: {  	s11 =	sadd.s32 s0, s5;
	[dreg:$0x4] =	wrdreg s1  }
0x9: {  	s9 =	sadd.s32 $0x200, s6;
	[dreg:$0x17] =	wrdreg s11  }
0xa: {  	s10 =	sadd.s32 $0x2200, s6;
	[dreg:$0x5] =	wrdreg s9  }
0xb: {  	s0 =	sadd.s32 $0x1000, s11;
	[dreg:$0x6] =	wrdreg s10  }
0xc: {  	s12 =	sadd.s32 $0x2000, s11;
	[dreg:$0x7] =	wrdreg s0  }
0xd: {  	s13 =	sadd.s32 $0x3000, s11;
	[dreg:$0x8] =	wrdreg s12  }
0xe: {  	s14 =	sadd.s32 $0x4000, s11;
	[dreg:$0x9] =	wrdreg s13  }
0xf: {  	s15 =	sadd.s32 $0x5000, s11;
	[dreg:$0xa] =	wrdreg s14  }
0x10: {  	s28 =	simm.s32 $0x10800;
	s16 =	sadd.s32 $0x6000, s11;
	[dreg:$0xb] =	wrdreg s15  }
0x11: {  	s31 =	simm.s32 $0x2000;
	s18 =	sadd.s32 $0x7000, s11;
	[dreg:$0xc] =	wrdreg s16  }
0x12: {  	s7 =	sadd.s32 $0x300, s2;
	s19 =	sadd.s32 $0x8000, s11;
	[dreg:$0xd] =	wrdreg s18  }
0x13: {  	s8 =	sadd.s32 $0x400, s2;
	s20 =	sadd.s32 $0x9000, s11;
	[dreg:$0xe] =	wrdreg s19  }
0x14: {  	s17 =	ssub.s32 $0x2, s4;
	s21 =	sadd.s32 $0xA000, s11;
	[dreg:$0xf] =	wrdreg s20  }
0x15: {  	s4 =	sshrl.u32 s17, $0x1;
	s22 =	sadd.s32 $0xB000, s11;
	[dreg:$0x10] =	wrdreg s21  }
0x16: {  	s5 =	sadd.s32 $0x100, s2;
	s23 =	sadd.s32 $0xC000, s11;
	[dreg:$0x11] =	wrdreg s22  }
0x17: {  	s1 =	ssub.s32 s17, s4;
	s24 =	sadd.s32 $0xD000, s11;
	[dreg:$0x12] =	wrdreg s23  }
0x18: {  	s6 =	sadd.s32 $0x200, s2;
	s25 =	sadd.s32 $0xE000, s11;
	[dreg:$0x13] =	wrdreg s24  }
0x19: {  	s26 =	sadd.s32 $0xF000, s11;
	s11 =	sadd.s32 $0x700, s2;
	[dreg:$0x14] =	wrdreg s25  }
0x1a: {  	v2 =	vlaneseq.u32;
	s9 =	sadd.s32 $0x500, s2;
	s10 =	sadd.s32 $0x600, s2;
	[dreg:$0x15] =	wrdreg s26  }
0x1b: {  	vm0 =	vmmov $0xffff;
	v1 =	vshrl.u32 v2, $0x3;
	s29 =	smax.u32 s1, $0x1;
	s13 =	simm.s32 $0x2;
	s14 =	simm.s32 $0x9000  }
0x1c: {  	v0 =	vand.u32 $0x7, v2;
	v2 =	vor.u32 $0x8, v2;
	v1 =	vmul.u32 $0x8, v1;
	s15 =	simm.s32 $0x1000;
	s1 =	simm.s32 $0x1;
	s26 =	simm.s32 $0x10000  }
.LBB2_1:
0x1d: {  	[dreg:$0x18] =	wrdreg s29  }
0x1e: {  	s29 =	rddreg [dreg:$0x5]  }
0x1f: {  	[tilespmem:s3], [sflag:$0x2] =	stream.linear.gather [hbm4b:s29+s3], $0x800, $0x38;
	[tilespmem:$0x11000] =	vst v63  }
0x20: {  	_ =	swait.ge [sflag:s13], $0x800  }
0x21: {  	s29 =	rddreg [dreg:$0x6];
	[sflag:s13] =	ssyncset.done $0x0  }
0x22: {  	s30 =	rddreg [dreg:$0x16];
	[sflag:s13] =	ssyncadd.s32 $0xFFFFF800  }
0x23: {  	[tilespmem:s30], [sflag:$0x2] =	stream.linear.gather [hbm4b:s29+s3], $0x800, $0x38;
	[tilespmem:$0x11000] =	vst v63  }
0x24: {  	_ =	swait.ge [sflag:s13], $0x800  }
0x25: {  	[sflag:s13] =	ssyncset.done $0x0  }
0x26: {  	s29 =	rddreg [dreg:$0x4];
	[sflag:s13] =	ssyncadd.s32 $0xFFFFF800  }
0x27: {  	[tilespmem:s14], [sflag:$0x2] =	stream.linear.gather [hbm4b:s29+s3], $0x8000, $0x38;
	[tilespmem:$0x11000] =	vst v63  }
0x28: {  	_ =	swait.ge [sflag:s13], $0x8000  }
0x29: {  	[sflag:s13] =	ssyncset.done $0x0  }
0x2a: {  	s29 =	rddreg [dreg:$0x17];
	[sflag:s13] =	ssyncadd.s32 $0xFFFF8000  }
0x2b: {  	[tilespmem:s15], [sflag:$0x2] =	stream.linear.gather [hbm4b:s29+s3], $0x8000, $0x38;
	[tilespmem:$0x11000] =	vst v63  }
0x2c: {  	_ =	swait.ge [sflag:s13], $0x8000  }
0x2d: {  	[sflag:s13] =	ssyncset.done $0x0  }
0x2e: {  	[sflag:s13] =	ssyncadd.s32 $0xFFFF8000  }
0x2f: {  	v3 =	vld [tilespmem:$0x0];
	_ =	sdelay $0x4  }
0x30: {  	v4 =	vshll.u32 v3, $0x4  }
0x31: {  	v3 =	vand.u32 $0x7, v3;
	v4 =	vand.u32 $0xFFFFFF80, v4  }
0x32: {  	v3 =	vor.u32 v3, v4  }
0x33: {  	v4 =	vperm.xlane v3, v0;
	_ =	sdelay $0x1  }
0x34: {  	v4 =	vadd.s32 v1, v4;
	_ =	sdelay $0x4  }
0x35: {  	[hbm4b:s2+s3] =	stream.indirect_vreg.scatter [tilespmem:s15], [sflag:$0x1], $0x80, v4, vm0, $0xb8;
	[tilespmem:$0x11000] =	vst v63  }
0x36: {  	s30 =	simm.s32 $0x1800  }
0x37: {  	[hbm4b:s5+s3] =	stream.indirect_vreg.scatter [tilespmem:s30], [sflag:$0x1], $0x80, v4, vm0, $0xb8;
	[tilespmem:$0x11000] =	vst v63  }
0x38: {  	_ = 	snop  }
0x39: {  	[hbm4b:s6+s3] =	stream.indirect_vreg.scatter [tilespmem:s31], [sflag:$0x1], $0x80, v4, vm0, $0xb8;
	[tilespmem:$0x11000] =	vst v63  }
0x3a: {  	s0 =	simm.s32 $0x2800  }
0x3b: {  	[hbm4b:s7+s3] =	stream.indirect_vreg.scatter [tilespmem:s0], [sflag:$0x1], $0x80, v4, vm0, $0xb8;
	[tilespmem:$0x11000] =	vst v63  }
0x3c: {  	s4 =	simm.s32 $0x3000  }
0x3d: {  	[hbm4b:s8+s3] =	stream.indirect_vreg.scatter [tilespmem:s4], [sflag:$0x1], $0x80, v4, vm0, $0xb8;
	[tilespmem:$0x11000] =	vst v63  }
0x3e: {  	s12 =	simm.s32 $0x3800;
	v3 =	vperm.xlane v3, v2  }
0x3f: {  	[hbm4b:s9+s3] =	stream.indirect_vreg.scatter [tilespmem:s12], [sflag:$0x1], $0x80, v4, vm0, $0xb8;
	[tilespmem:$0x11000] =	vst v63  }
0x40: {  	s16 =	simm.s32 $0x4000;
	v3 =	vadd.s32 v1, v3  }
0x41: {  	[hbm4b:s10+s3] =	stream.indirect_vreg.scatter [tilespmem:s16], [sflag:$0x1], $0x80, v4, vm0, $0xb8;
	[tilespmem:$0x11000] =	vst v63  }
0x42: {  	s17 =	simm.s32 $0x4800  }
0x43: {  	[hbm4b:s11+s3] =	stream.indirect_vreg.scatter [tilespmem:s17], [sflag:$0x1], $0x80, v4, vm0, $0xb8;
	[tilespmem:$0x11000] =	vst v63  }
0x44: {  	s18 =	simm.s32 $0x5000  }
0x45: {  	[hbm4b:s2+s3] =	stream.indirect_vreg.scatter [tilespmem:s18], [sflag:$0x1], $0x80, v3, vm0, $0xb8;
	[tilespmem:$0x11000] =	vst v63  }
0x46: {  	s19 =	simm.s32 $0x5800  }
0x47: {  	[hbm4b:s5+s3] =	stream.indirect_vreg.scatter [tilespmem:s19], [sflag:$0x1], $0x80, v3, vm0, $0xb8;
	[tilespmem:$0x11000] =	vst v63  }
0x48: {  	s20 =	simm.s32 $0x6000  }
0x49: {  	[hbm4b:s6+s3] =	stream.indirect_vreg.scatter [tilespmem:s20], [sflag:$0x1], $0x80, v3, vm0, $0xb8;
	[tilespmem:$0x11000] =	vst v63  }
0x4a: {  	s21 =	simm.s32 $0x6800  }
0x4b: {  	[hbm4b:s7+s3] =	stream.indirect_vreg.scatter [tilespmem:s21], [sflag:$0x1], $0x80, v3, vm0, $0xb8;
	[tilespmem:$0x11000] =	vst v63  }
0x4c: {  	s22 =	simm.s32 $0x7000  }
0x4d: {  	[hbm4b:s8+s3] =	stream.indirect_vreg.scatter [tilespmem:s22], [sflag:$0x1], $0x80, v3, vm0, $0xb8;
	[tilespmem:$0x11000] =	vst v63  }
0x4e: {  	s23 =	simm.s32 $0x7800  }
0x4f: {  	[hbm4b:s9+s3] =	stream.indirect_vreg.scatter [tilespmem:s23], [sflag:$0x1], $0x80, v3, vm0, $0xb8;
	[tilespmem:$0x11000] =	vst v63  }
0x50: {  	s24 =	simm.s32 $0x8000  }
0x51: {  	[hbm4b:s10+s3] =	stream.indirect_vreg.scatter [tilespmem:s24], [sflag:$0x1], $0x80, v3, vm0, $0xb8;
	[tilespmem:$0x11000] =	vst v63  }
0x52: {  	s25 =	simm.s32 $0x8800  }
0x53: {  	[hbm4b:s11+s3] =	stream.indirect_vreg.scatter [tilespmem:s25], [sflag:$0x1], $0x80, v3, vm0, $0xb8;
	[tilespmem:$0x11000] =	vst v63  }
0x54: {  	_ =	swait.ge [sflag:s1], $0x8000  }
0x55: {  	[sflag:s1] =	ssyncset.done $0x0  }
0x56: {  	s29 =	rddreg [dreg:$0x7];
	[sflag:s1] =	ssyncadd.s32 $0xFFFF8000  }
0x57: {  	[tilespmem:s15], [sflag:$0x2] =	stream.linear.gather [hbm4b:s29+s3], $0x8000, $0x38;
	[tilespmem:$0x11000] =	vst v63  }
0x58: {  	_ =	swait.ge [sflag:s13], $0x8000  }
0x59: {  	[sflag:s13] =	ssyncset.done $0x0  }
0x5a: {  	[sflag:s13] =	ssyncadd.s32 $0xFFFF8000  }
0x5b: {  	v3 =	vld [tilespmem:$0x80];
	_ =	sdelay $0x4  }
0x5c: {  	v33 =	vshll.u32 v3, $0x4  }
0x5d: {  	v3 =	vand.u32 $0x7, v3;
	v4 =	vand.u32 $0xFFFFFF80, v33  }
0x5e: {  	v3 =	vor.u32 v3, v4  }
0x5f: {  	v4 =	vperm.xlane v3, v0;
	_ =	sdelay $0x1  }
0x60: {  	v4 =	vadd.s32 v1, v4;
	_ =	sdelay $0x4  }
0x61: {  	[hbm4b:s2+s3] =	stream.indirect_vreg.scatter [tilespmem:s15], [sflag:$0x1], $0x80, v4, vm0, $0xb8;
	[tilespmem:$0x11000] =	vst v63  }
0x62: {  	_ = 	snop  }
0x63: {  	[hbm4b:s5+s3] =	stream.indirect_vreg.scatter [tilespmem:s30], [sflag:$0x1], $0x80, v4, vm0, $0xb8;
	[tilespmem:$0x11000] =	vst v63  }
0x64: {  	_ = 	snop  }
0x65: {  	[hbm4b:s6+s3] =	stream.indirect_vreg.scatter [tilespmem:s31], [sflag:$0x1], $0x80, v4, vm0, $0xb8;
	[tilespmem:$0x11000] =	vst v63  }
0x66: {  	_ = 	snop  }
0x67: {  	[hbm4b:s7+s3] =	stream.indirect_vreg.scatter [tilespmem:s0], [sflag:$0x1], $0x80, v4, vm0, $0xb8;
	[tilespmem:$0x11000] =	vst v63  }
0x68: {  	_ = 	snop  }
0x69: {  	[hbm4b:s8+s3] =	stream.indirect_vreg.scatter [tilespmem:s4], [sflag:$0x1], $0x80, v4, vm0, $0xb8;
	[tilespmem:$0x11000] =	vst v63  }
0x6a: {  	v3 =	vperm.xlane v3, v2  }
0x6b: {  	[hbm4b:s9+s3] =	stream.indirect_vreg.scatter [tilespmem:s12], [sflag:$0x1], $0x80, v4, vm0, $0xb8;
	[tilespmem:$0x11000] =	vst v63  }
0x6c: {  	v3 =	vadd.s32 v1, v3  }
0x6d: {  	[hbm4b:s10+s3] =	stream.indirect_vreg.scatter [tilespmem:s16], [sflag:$0x1], $0x80, v4, vm0, $0xb8;
	[tilespmem:$0x11000] =	vst v63  }
0x6e: {  	_ = 	snop  }
0x6f: {  	[hbm4b:s11+s3] =	stream.indirect_vreg.scatter [tilespmem:s17], [sflag:$0x1], $0x80, v4, vm0, $0xb8;
	[tilespmem:$0x11000] =	vst v63  }
0x70: {  	_ = 	snop  }
0x71: {  	[hbm4b:s2+s3] =	stream.indirect_vreg.scatter [tilespmem:s18], [sflag:$0x1], $0x80, v3, vm0, $0xb8;
	[tilespmem:$0x11000] =	vst v63  }
0x72: {  	_ = 	snop  }
0x73: {  	[hbm4b:s5+s3] =	stream.indirect_vreg.scatter [tilespmem:s19], [sflag:$0x1], $0x80, v3, vm0, $0xb8;
	[tilespmem:$0x11000] =	vst v63  }
0x74: {  	_ = 	snop  }
0x75: {  	[hbm4b:s6+s3] =	stream.indirect_vreg.scatter [tilespmem:s20], [sflag:$0x1], $0x80, v3, vm0, $0xb8;
	[tilespmem:$0x11000] =	vst v63  }
0x76: {  	_ = 	snop  }
0x77: {  	[hbm4b:s7+s3] =	stream.indirect_vreg.scatter [tilespmem:s21], [sflag:$0x1], $0x80, v3, vm0, $0xb8;
	[tilespmem:$0x11000] =	vst v63  }
0x78: {  	_ = 	snop  }
0x79: {  	[hbm4b:s8+s3] =	stream.indirect_vreg.scatter [tilespmem:s22], [sflag:$0x1], $0x80, v3, vm0, $0xb8;
	[tilespmem:$0x11000] =	vst v63  }
0x7a: {  	_ = 	snop  }
0x7b: {  	[hbm4b:s9+s3] =	stream.indirect_vreg.scatter [tilespmem:s23], [sflag:$0x1], $0x80, v3, vm0, $0xb8;
	[tilespmem:$0x11000] =	vst v63  }
0x7c: {  	_ = 	snop  }
0x7d: {  	[hbm4b:s10+s3] =	stream.indirect_vreg.scatter [tilespmem:s24], [sflag:$0x1], $0x80, v3, vm0, $0xb8;
	[tilespmem:$0x11000] =	vst v63  }
0x7e: {  	_ = 	snop  }
0x7f: {  	[hbm4b:s11+s3] =	stream.indirect_vreg.scatter [tilespmem:s25], [sflag:$0x1], $0x80, v3, vm0, $0xb8;
	[tilespmem:$0x11000] =	vst v63  }
0x80: {  	_ =	swait.ge [sflag:s1], $0x8000  }
0x81: {  	[sflag:s1] =	ssyncset.done $0x0  }
0x82: {  	s29 =	rddreg [dreg:$0x8];
	[sflag:s1] =	ssyncadd.s32 $0xFFFF8000  }
0x83: {  	[tilespmem:s15], [sflag:$0x2] =	stream.linear.gather [hbm4b:s29+s3], $0x8000, $0x38;
	[tilespmem:$0x11000] =	vst v63  }
0x84: {  	_ =	swait.ge [sflag:s13], $0x8000  }
0x85: {  	[sflag:s13] =	ssyncset.done $0x0  }
0x86: {  	[sflag:s13] =	ssyncadd.s32 $0xFFFF8000  }
0x87: {  	v3 =	vld [tilespmem:$0x100];
	_ =	sdelay $0x4  }
0x88: {  	v34 =	vshll.u32 v3, $0x4  }
0x89: {  	v3 =	vand.u32 $0x7, v3;
	v4 =	vand.u32 $0xFFFFFF80, v34  }
0x8a: {  	v3 =	vor.u32 v3, v4  }
0x8b: {  	v4 =	vperm.xlane v3, v0;
	_ =	sdelay $0x1  }
0x8c: {  	v4 =	vadd.s32 v1, v4;
	_ =	sdelay $0x4  }
0x8d: {  	[hbm4b:s2+s3] =	stream.indirect_vreg.scatter [tilespmem:s15], [sflag:$0x1], $0x80, v4, vm0, $0xb8;
	[tilespmem:$0x11000] =	vst v63  }
0x8e: {  	_ = 	snop  }
0x8f: {  	[hbm4b:s5+s3] =	stream.indirect_vreg.scatter [tilespmem:s30], [sflag:$0x1], $0x80, v4, vm0, $0xb8;
	[tilespmem:$0x11000] =	vst v63  }
0x90: {  	_ = 	snop  }
0x91: {  	[hbm4b:s6+s3] =	stream.indirect_vreg.scatter [tilespmem:s31], [sflag:$0x1], $0x80, v4, vm0, $0xb8;
	[tilespmem:$0x11000] =	vst v63  }
0x92: {  	_ = 	snop  }
0x93: {  	[hbm4b:s7+s3] =	stream.indirect_vreg.scatter [tilespmem:s0], [sflag:$0x1], $0x80, v4, vm0, $0xb8;
	[tilespmem:$0x11000] =	vst v63  }
0x94: {  	_ = 	snop  }
0x95: {  	[hbm4b:s8+s3] =	stream.indirect_vreg.scatter [tilespmem:s4], [sflag:$0x1], $0x80, v4, vm0, $0xb8;
	[tilespmem:$0x11000] =	vst v63  }
0x96: {  	v3 =	vperm.xlane v3, v2  }
0x97: {  	[hbm4b:s9+s3] =	stream.indirect_vreg.scatter [tilespmem:s12], [sflag:$0x1], $0x80, v4, vm0, $0xb8;
	[tilespmem:$0x11000] =	vst v63  }
0x98: {  	v3 =	vadd.s32 v1, v3  }
0x99: {  	[hbm4b:s10+s3] =	stream.indirect_vreg.scatter [tilespmem:s16], [sflag:$0x1], $0x80, v4, vm0, $0xb8;
	[tilespmem:$0x11000] =	vst v63  }
0x9a: {  	_ = 	snop  }
0x9b: {  	[hbm4b:s11+s3] =	stream.indirect_vreg.scatter [tilespmem:s17], [sflag:$0x1], $0x80, v4, vm0, $0xb8;
	[tilespmem:$0x11000] =	vst v63  }
0x9c: {  	_ = 	snop  }
0x9d: {  	[hbm4b:s2+s3] =	stream.indirect_vreg.scatter [tilespmem:s18], [sflag:$0x1], $0x80, v3, vm0, $0xb8;
	[tilespmem:$0x11000] =	vst v63  }
0x9e: {  	_ = 	snop  }
0x9f: {  	[hbm4b:s5+s3] =	stream.indirect_vreg.scatter [tilespmem:s19], [sflag:$0x1], $0x80, v3, vm0, $0xb8;
	[tilespmem:$0x11000] =	vst v63  }
0xa0: {  	_ = 	snop  }
0xa1: {  	[hbm4b:s6+s3] =	stream.indirect_vreg.scatter [tilespmem:s20], [sflag:$0x1], $0x80, v3, vm0, $0xb8;
	[tilespmem:$0x11000] =	vst v63  }
0xa2: {  	_ = 	snop  }
0xa3: {  	[hbm4b:s7+s3] =	stream.indirect_vreg.scatter [tilespmem:s21], [sflag:$0x1], $0x80, v3, vm0, $0xb8;
	[tilespmem:$0x11000] =	vst v63  }
0xa4: {  	_ = 	snop  }
0xa5: {  	[hbm4b:s8+s3] =	stream.indirect_vreg.scatter [tilespmem:s22], [sflag:$0x1], $0x80, v3, vm0, $0xb8;
	[tilespmem:$0x11000] =	vst v63  }
0xa6: {  	_ = 	snop  }
0xa7: {  	[hbm4b:s9+s3] =	stream.indirect_vreg.scatter [tilespmem:s23], [sflag:$0x1], $0x80, v3, vm0, $0xb8;
	[tilespmem:$0x11000] =	vst v63  }
0xa8: {  	_ = 	snop  }
0xa9: {  	[hbm4b:s10+s3] =	stream.indirect_vreg.scatter [tilespmem:s24], [sflag:$0x1], $0x80, v3, vm0, $0xb8;
	[tilespmem:$0x11000] =	vst v63  }
0xaa: {  	_ = 	snop  }
0xab: {  	[hbm4b:s11+s3] =	stream.indirect_vreg.scatter [tilespmem:s25], [sflag:$0x1], $0x80, v3, vm0, $0xb8;
	[tilespmem:$0x11000] =	vst v63  }
0xac: {  	_ =	swait.ge [sflag:s1], $0x8000  }
0xad: {  	[sflag:s1] =	ssyncset.done $0x0  }
0xae: {  	s29 =	rddreg [dreg:$0x9];
	[sflag:s1] =	ssyncadd.s32 $0xFFFF8000  }
0xaf: {  	[tilespmem:s15], [sflag:$0x2] =	stream.linear.gather [hbm4b:s29+s3], $0x8000, $0x38;
	[tilespmem:$0x11000] =	vst v63  }
0xb0: {  	_ =	swait.ge [sflag:s13], $0x8000  }
0xb1: {  	[sflag:s13] =	ssyncset.done $0x0  }
0xb2: {  	[sflag:s13] =	ssyncadd.s32 $0xFFFF8000  }
0xb3: {  	v3 =	vld [tilespmem:$0x180];
	_ =	sdelay $0x4  }
0xb4: {  	v35 =	vshll.u32 v3, $0x4  }
0xb5: {  	v3 =	vand.u32 $0x7, v3;
	v4 =	vand.u32 $0xFFFFFF80, v35  }
0xb6: {  	v3 =	vor.u32 v3, v4  }
0xb7: {  	v4 =	vperm.xlane v3, v0;
	_ =	sdelay $0x1  }
0xb8: {  	v4 =	vadd.s32 v1, v4;
	_ =	sdelay $0x4  }
0xb9: {  	[hbm4b:s2+s3] =	stream.indirect_vreg.scatter [tilespmem:s15], [sflag:$0x1], $0x80, v4, vm0, $0xb8;
	[tilespmem:$0x11000] =	vst v63  }
0xba: {  	_ = 	snop  }
0xbb: {  	[hbm4b:s5+s3] =	stream.indirect_vreg.scatter [tilespmem:s30], [sflag:$0x1], $0x80, v4, vm0, $0xb8;
	[tilespmem:$0x11000] =	vst v63  }
0xbc: {  	_ = 	snop  }
0xbd: {  	[hbm4b:s6+s3] =	stream.indirect_vreg.scatter [tilespmem:s31], [sflag:$0x1], $0x80, v4, vm0, $0xb8;
	[tilespmem:$0x11000] =	vst v63  }
0xbe: {  	_ = 	snop  }
0xbf: {  	[hbm4b:s7+s3] =	stream.indirect_vreg.scatter [tilespmem:s0], [sflag:$0x1], $0x80, v4, vm0, $0xb8;
	[tilespmem:$0x11000] =	vst v63  }
0xc0: {  	_ = 	snop  }
0xc1: {  	[hbm4b:s8+s3] =	stream.indirect_vreg.scatter [tilespmem:s4], [sflag:$0x1], $0x80, v4, vm0, $0xb8;
	[tilespmem:$0x11000] =	vst v63  }
0xc2: {  	v3 =	vperm.xlane v3, v2  }
0xc3: {  	[hbm4b:s9+s3] =	stream.indirect_vreg.scatter [tilespmem:s12], [sflag:$0x1], $0x80, v4, vm0, $0xb8;
	[tilespmem:$0x11000] =	vst v63  }
0xc4: {  	v3 =	vadd.s32 v1, v3  }
0xc5: {  	[hbm4b:s10+s3] =	stream.indirect_vreg.scatter [tilespmem:s16], [sflag:$0x1], $0x80, v4, vm0, $0xb8;
	[tilespmem:$0x11000] =	vst v63  }
0xc6: {  	_ = 	snop  }
0xc7: {  	[hbm4b:s11+s3] =	stream.indirect_vreg.scatter [tilespmem:s17], [sflag:$0x1], $0x80, v4, vm0, $0xb8;
	[tilespmem:$0x11000] =	vst v63  }
0xc8: {  	_ = 	snop  }
0xc9: {  	[hbm4b:s2+s3] =	stream.indirect_vreg.scatter [tilespmem:s18], [sflag:$0x1], $0x80, v3, vm0, $0xb8;
	[tilespmem:$0x11000] =	vst v63  }
0xca: {  	_ = 	snop  }
0xcb: {  	[hbm4b:s5+s3] =	stream.indirect_vreg.scatter [tilespmem:s19], [sflag:$0x1], $0x80, v3, vm0, $0xb8;
	[tilespmem:$0x11000] =	vst v63  }
0xcc: {  	_ = 	snop  }
0xcd: {  	[hbm4b:s6+s3] =	stream.indirect_vreg.scatter [tilespmem:s20], [sflag:$0x1], $0x80, v3, vm0, $0xb8;
	[tilespmem:$0x11000] =	vst v63  }
0xce: {  	_ = 	snop  }
0xcf: {  	[hbm4b:s7+s3] =	stream.indirect_vreg.scatter [tilespmem:s21], [sflag:$0x1], $0x80, v3, vm0, $0xb8;
	[tilespmem:$0x11000] =	vst v63  }
0xd0: {  	_ = 	snop  }
0xd1: {  	[hbm4b:s8+s3] =	stream.indirect_vreg.scatter [tilespmem:s22], [sflag:$0x1], $0x80, v3, vm0, $0xb8;
	[tilespmem:$0x11000] =	vst v63  }
0xd2: {  	_ = 	snop  }
0xd3: {  	[hbm4b:s9+s3] =	stream.indirect_vreg.scatter [tilespmem:s23], [sflag:$0x1], $0x80, v3, vm0, $0xb8;
	[tilespmem:$0x11000] =	vst v63  }
0xd4: {  	_ = 	snop  }
0xd5: {  	[hbm4b:s10+s3] =	stream.indirect_vreg.scatter [tilespmem:s24], [sflag:$0x1], $0x80, v3, vm0, $0xb8;
	[tilespmem:$0x11000] =	vst v63  }
0xd6: {  	_ = 	snop  }
0xd7: {  	[hbm4b:s11+s3] =	stream.indirect_vreg.scatter [tilespmem:s25], [sflag:$0x1], $0x80, v3, vm0, $0xb8;
	[tilespmem:$0x11000] =	vst v63  }
0xd8: {  	_ =	swait.ge [sflag:s1], $0x8000  }
0xd9: {  	[sflag:s1] =	ssyncset.done $0x0  }
0xda: {  	s29 =	rddreg [dreg:$0xa];
	[sflag:s1] =	ssyncadd.s32 $0xFFFF8000  }
0xdb: {  	[tilespmem:s15], [sflag:$0x2] =	stream.linear.gather [hbm4b:s29+s3], $0x8000, $0x38;
	[tilespmem:$0x11000] =	vst v63  }
0xdc: {  	_ =	swait.ge [sflag:s13], $0x8000  }
0xdd: {  	[sflag:s13] =	ssyncset.done $0x0  }
0xde: {  	[sflag:s13] =	ssyncadd.s32 $0xFFFF8000  }
0xdf: {  	v3 =	vld [tilespmem:$0x200];
	_ =	sdelay $0x4  }
0xe0: {  	v36 =	vshll.u32 v3, $0x4  }
0xe1: {  	v3 =	vand.u32 $0x7, v3;
	v4 =	vand.u32 $0xFFFFFF80, v36  }
0xe2: {  	v3 =	vor.u32 v3, v4  }
0xe3: {  	v4 =	vperm.xlane v3, v0;
	_ =	sdelay $0x1  }
0xe4: {  	v4 =	vadd.s32 v1, v4;
	_ =	sdelay $0x4  }
0xe5: {  	[hbm4b:s2+s3] =	stream.indirect_vreg.scatter [tilespmem:s15], [sflag:$0x1], $0x80, v4, vm0, $0xb8;
	[tilespmem:$0x11000] =	vst v63  }
0xe6: {  	_ = 	snop  }
0xe7: {  	[hbm4b:s5+s3] =	stream.indirect_vreg.scatter [tilespmem:s30], [sflag:$0x1], $0x80, v4, vm0, $0xb8;
	[tilespmem:$0x11000] =	vst v63  }
0xe8: {  	_ = 	snop  }
0xe9: {  	[hbm4b:s6+s3] =	stream.indirect_vreg.scatter [tilespmem:s31], [sflag:$0x1], $0x80, v4, vm0, $0xb8;
	[tilespmem:$0x11000] =	vst v63  }
0xea: {  	_ = 	snop  }
0xeb: {  	[hbm4b:s7+s3] =	stream.indirect_vreg.scatter [tilespmem:s0], [sflag:$0x1], $0x80, v4, vm0, $0xb8;
	[tilespmem:$0x11000] =	vst v63  }
0xec: {  	_ = 	snop  }
0xed: {  	[hbm4b:s8+s3] =	stream.indirect_vreg.scatter [tilespmem:s4], [sflag:$0x1], $0x80, v4, vm0, $0xb8;
	[tilespmem:$0x11000] =	vst v63  }
0xee: {  	v3 =	vperm.xlane v3, v2  }
0xef: {  	[hbm4b:s9+s3] =	stream.indirect_vreg.scatter [tilespmem:s12], [sflag:$0x1], $0x80, v4, vm0, $0xb8;
	[tilespmem:$0x11000] =	vst v63  }
0xf0: {  	v3 =	vadd.s32 v1, v3  }
0xf1: {  	[hbm4b:s10+s3] =	stream.indirect_vreg.scatter [tilespmem:s16], [sflag:$0x1], $0x80, v4, vm0, $0xb8;
	[tilespmem:$0x11000] =	vst v63  }
0xf2: {  	_ = 	snop  }
0xf3: {  	[hbm4b:s11+s3] =	stream.indirect_vreg.scatter [tilespmem:s17], [sflag:$0x1], $0x80, v4, vm0, $0xb8;
	[tilespmem:$0x11000] =	vst v63  }
0xf4: {  	_ = 	snop  }
0xf5: {  	[hbm4b:s2+s3] =	stream.indirect_vreg.scatter [tilespmem:s18], [sflag:$0x1], $0x80, v3, vm0, $0xb8;
	[tilespmem:$0x11000] =	vst v63  }
0xf6: {  	_ = 	snop  }
0xf7: {  	[hbm4b:s5+s3] =	stream.indirect_vreg.scatter [tilespmem:s19], [sflag:$0x1], $0x80, v3, vm0, $0xb8;
	[tilespmem:$0x11000] =	vst v63  }
0xf8: {  	_ = 	snop  }
0xf9: {  	[hbm4b:s6+s3] =	stream.indirect_vreg.scatter [tilespmem:s20], [sflag:$0x1], $0x80, v3, vm0, $0xb8;
	[tilespmem:$0x11000] =	vst v63  }
0xfa: {  	_ = 	snop  }
0xfb: {  	[hbm4b:s7+s3] =	stream.indirect_vreg.scatter [tilespmem:s21], [sflag:$0x1], $0x80, v3, vm0, $0xb8;
	[tilespmem:$0x11000] =	vst v63  }
0xfc: {  	_ = 	snop  }
0xfd: {  	[hbm4b:s8+s3] =	stream.indirect_vreg.scatter [tilespmem:s22], [sflag:$0x1], $0x80, v3, vm0, $0xb8;
	[tilespmem:$0x11000] =	vst v63  }
0xfe: {  	_ = 	snop  }
0xff: {  	[hbm4b:s9+s3] =	stream.indirect_vreg.scatter [tilespmem:s23], [sflag:$0x1], $0x80, v3, vm0, $0xb8;
	[tilespmem:$0x11000] =	vst v63  }
0x100: {  	_ = 	snop  }
0x101: {  	[hbm4b:s10+s3] =	stream.indirect_vreg.scatter [tilespmem:s24], [sflag:$0x1], $0x80, v3, vm0, $0xb8;
	[tilespmem:$0x11000] =	vst v63  }
0x102: {  	_ = 	snop  }
0x103: {  	[hbm4b:s11+s3] =	stream.indirect_vreg.scatter [tilespmem:s25], [sflag:$0x1], $0x80, v3, vm0, $0xb8;
	[tilespmem:$0x11000] =	vst v63  }
0x104: {  	_ =	swait.ge [sflag:s1], $0x8000  }
0x105: {  	[sflag:s1] =	ssyncset.done $0x0  }
0x106: {  	s29 =	rddreg [dreg:$0xb];
	[sflag:s1] =	ssyncadd.s32 $0xFFFF8000  }
0x107: {  	[tilespmem:s15], [sflag:$0x2] =	stream.linear.gather [hbm4b:s29+s3], $0x8000, $0x38;
	[tilespmem:$0x11000] =	vst v63  }
0x108: {  	_ =	swait.ge [sflag:s13], $0x8000  }
0x109: {  	[sflag:s13] =	ssyncset.done $0x0  }
0x10a: {  	[sflag:s13] =	ssyncadd.s32 $0xFFFF8000  }
0x10b: {  	v3 =	vld [tilespmem:$0x280];
	_ =	sdelay $0x4  }
0x10c: {  	v37 =	vshll.u32 v3, $0x4  }
0x10d: {  	v3 =	vand.u32 $0x7, v3;
	v4 =	vand.u32 $0xFFFFFF80, v37  }
0x10e: {  	v3 =	vor.u32 v3, v4  }
0x10f: {  	v4 =	vperm.xlane v3, v0;
	_ =	sdelay $0x1  }
0x110: {  	v4 =	vadd.s32 v1, v4;
	_ =	sdelay $0x4  }
0x111: {  	[hbm4b:s2+s3] =	stream.indirect_vreg.scatter [tilespmem:s15], [sflag:$0x1], $0x80, v4, vm0, $0xb8;
	[tilespmem:$0x11000] =	vst v63  }
0x112: {  	_ = 	snop  }
0x113: {  	[hbm4b:s5+s3] =	stream.indirect_vreg.scatter [tilespmem:s30], [sflag:$0x1], $0x80, v4, vm0, $0xb8;
	[tilespmem:$0x11000] =	vst v63  }
0x114: {  	_ = 	snop  }
0x115: {  	[hbm4b:s6+s3] =	stream.indirect_vreg.scatter [tilespmem:s31], [sflag:$0x1], $0x80, v4, vm0, $0xb8;
	[tilespmem:$0x11000] =	vst v63  }
0x116: {  	_ = 	snop  }
0x117: {  	[hbm4b:s7+s3] =	stream.indirect_vreg.scatter [tilespmem:s0], [sflag:$0x1], $0x80, v4, vm0, $0xb8;
	[tilespmem:$0x11000] =	vst v63  }
0x118: {  	_ = 	snop  }
0x119: {  	[hbm4b:s8+s3] =	stream.indirect_vreg.scatter [tilespmem:s4], [sflag:$0x1], $0x80, v4, vm0, $0xb8;
	[tilespmem:$0x11000] =	vst v63  }
0x11a: {  	v3 =	vperm.xlane v3, v2  }
0x11b: {  	[hbm4b:s9+s3] =	stream.indirect_vreg.scatter [tilespmem:s12], [sflag:$0x1], $0x80, v4, vm0, $0xb8;
	[tilespmem:$0x11000] =	vst v63  }
0x11c: {  	v3 =	vadd.s32 v1, v3  }
0x11d: {  	[hbm4b:s10+s3] =	stream.indirect_vreg.scatter [tilespmem:s16], [sflag:$0x1], $0x80, v4, vm0, $0xb8;
	[tilespmem:$0x11000] =	vst v63  }
0x11e: {  	_ = 	snop  }
0x11f: {  	[hbm4b:s11+s3] =	stream.indirect_vreg.scatter [tilespmem:s17], [sflag:$0x1], $0x80, v4, vm0, $0xb8;
	[tilespmem:$0x11000] =	vst v63  }
0x120: {  	_ = 	snop  }
0x121: {  	[hbm4b:s2+s3] =	stream.indirect_vreg.scatter [tilespmem:s18], [sflag:$0x1], $0x80, v3, vm0, $0xb8;
	[tilespmem:$0x11000] =	vst v63  }
0x122: {  	_ = 	snop  }
0x123: {  	[hbm4b:s5+s3] =	stream.indirect_vreg.scatter [tilespmem:s19], [sflag:$0x1], $0x80, v3, vm0, $0xb8;
	[tilespmem:$0x11000] =	vst v63  }
0x124: {  	_ = 	snop  }
0x125: {  	[hbm4b:s6+s3] =	stream.indirect_vreg.scatter [tilespmem:s20], [sflag:$0x1], $0x80, v3, vm0, $0xb8;
	[tilespmem:$0x11000] =	vst v63  }
0x126: {  	_ = 	snop  }
0x127: {  	[hbm4b:s7+s3] =	stream.indirect_vreg.scatter [tilespmem:s21], [sflag:$0x1], $0x80, v3, vm0, $0xb8;
	[tilespmem:$0x11000] =	vst v63  }
0x128: {  	_ = 	snop  }
0x129: {  	[hbm4b:s8+s3] =	stream.indirect_vreg.scatter [tilespmem:s22], [sflag:$0x1], $0x80, v3, vm0, $0xb8;
	[tilespmem:$0x11000] =	vst v63  }
0x12a: {  	_ = 	snop  }
0x12b: {  	[hbm4b:s9+s3] =	stream.indirect_vreg.scatter [tilespmem:s23], [sflag:$0x1], $0x80, v3, vm0, $0xb8;
	[tilespmem:$0x11000] =	vst v63  }
0x12c: {  	_ = 	snop  }
0x12d: {  	[hbm4b:s10+s3] =	stream.indirect_vreg.scatter [tilespmem:s24], [sflag:$0x1], $0x80, v3, vm0, $0xb8;
	[tilespmem:$0x11000] =	vst v63  }
0x12e: {  	_ = 	snop  }
0x12f: {  	[hbm4b:s11+s3] =	stream.indirect_vreg.scatter [tilespmem:s25], [sflag:$0x1], $0x80, v3, vm0, $0xb8;
	[tilespmem:$0x11000] =	vst v63  }
0x130: {  	_ =	swait.ge [sflag:s1], $0x8000  }
0x131: {  	[sflag:s1] =	ssyncset.done $0x0  }
0x132: {  	s29 =	rddreg [dreg:$0xc];
	[sflag:s1] =	ssyncadd.s32 $0xFFFF8000  }
0x133: {  	[tilespmem:s15], [sflag:$0x2] =	stream.linear.gather [hbm4b:s29+s3], $0x8000, $0x38;
	[tilespmem:$0x11000] =	vst v63  }
0x134: {  	_ =	swait.ge [sflag:s13], $0x8000  }
0x135: {  	[sflag:s13] =	ssyncset.done $0x0  }
0x136: {  	[sflag:s13] =	ssyncadd.s32 $0xFFFF8000  }
0x137: {  	v3 =	vld [tilespmem:$0x300];
	_ =	sdelay $0x4  }
0x138: {  	v38 =	vshll.u32 v3, $0x4  }
0x139: {  	v3 =	vand.u32 $0x7, v3;
	v4 =	vand.u32 $0xFFFFFF80, v38  }
0x13a: {  	v3 =	vor.u32 v3, v4  }
0x13b: {  	v4 =	vperm.xlane v3, v0;
	_ =	sdelay $0x1  }
0x13c: {  	v4 =	vadd.s32 v1, v4;
	_ =	sdelay $0x4  }
0x13d: {  	[hbm4b:s2+s3] =	stream.indirect_vreg.scatter [tilespmem:s15], [sflag:$0x1], $0x80, v4, vm0, $0xb8;
	[tilespmem:$0x11000] =	vst v63  }
0x13e: {  	_ = 	snop  }
0x13f: {  	[hbm4b:s5+s3] =	stream.indirect_vreg.scatter [tilespmem:s30], [sflag:$0x1], $0x80, v4, vm0, $0xb8;
	[tilespmem:$0x11000] =	vst v63  }
0x140: {  	_ = 	snop  }
0x141: {  	[hbm4b:s6+s3] =	stream.indirect_vreg.scatter [tilespmem:s31], [sflag:$0x1], $0x80, v4, vm0, $0xb8;
	[tilespmem:$0x11000] =	vst v63  }
0x142: {  	_ = 	snop  }
0x143: {  	[hbm4b:s7+s3] =	stream.indirect_vreg.scatter [tilespmem:s0], [sflag:$0x1], $0x80, v4, vm0, $0xb8;
	[tilespmem:$0x11000] =	vst v63  }
0x144: {  	_ = 	snop  }
0x145: {  	[hbm4b:s8+s3] =	stream.indirect_vreg.scatter [tilespmem:s4], [sflag:$0x1], $0x80, v4, vm0, $0xb8;
	[tilespmem:$0x11000] =	vst v63  }
0x146: {  	v3 =	vperm.xlane v3, v2  }
0x147: {  	[hbm4b:s9+s3] =	stream.indirect_vreg.scatter [tilespmem:s12], [sflag:$0x1], $0x80, v4, vm0, $0xb8;
	[tilespmem:$0x11000] =	vst v63  }
0x148: {  	v3 =	vadd.s32 v1, v3  }
0x149: {  	[hbm4b:s10+s3] =	stream.indirect_vreg.scatter [tilespmem:s16], [sflag:$0x1], $0x80, v4, vm0, $0xb8;
	[tilespmem:$0x11000] =	vst v63  }
0x14a: {  	_ = 	snop  }
0x14b: {  	[hbm4b:s11+s3] =	stream.indirect_vreg.scatter [tilespmem:s17], [sflag:$0x1], $0x80, v4, vm0, $0xb8;
	[tilespmem:$0x11000] =	vst v63  }
0x14c: {  	_ = 	snop  }
0x14d: {  	[hbm4b:s2+s3] =	stream.indirect_vreg.scatter [tilespmem:s18], [sflag:$0x1], $0x80, v3, vm0, $0xb8;
	[tilespmem:$0x11000] =	vst v63  }
0x14e: {  	_ = 	snop  }
0x14f: {  	[hbm4b:s5+s3] =	stream.indirect_vreg.scatter [tilespmem:s19], [sflag:$0x1], $0x80, v3, vm0, $0xb8;
	[tilespmem:$0x11000] =	vst v63  }
0x150: {  	_ = 	snop  }
0x151: {  	[hbm4b:s6+s3] =	stream.indirect_vreg.scatter [tilespmem:s20], [sflag:$0x1], $0x80, v3, vm0, $0xb8;
	[tilespmem:$0x11000] =	vst v63  }
0x152: {  	_ = 	snop  }
0x153: {  	[hbm4b:s7+s3] =	stream.indirect_vreg.scatter [tilespmem:s21], [sflag:$0x1], $0x80, v3, vm0, $0xb8;
	[tilespmem:$0x11000] =	vst v63  }
0x154: {  	_ = 	snop  }
0x155: {  	[hbm4b:s8+s3] =	stream.indirect_vreg.scatter [tilespmem:s22], [sflag:$0x1], $0x80, v3, vm0, $0xb8;
	[tilespmem:$0x11000] =	vst v63  }
0x156: {  	_ = 	snop  }
0x157: {  	[hbm4b:s9+s3] =	stream.indirect_vreg.scatter [tilespmem:s23], [sflag:$0x1], $0x80, v3, vm0, $0xb8;
	[tilespmem:$0x11000] =	vst v63  }
0x158: {  	_ = 	snop  }
0x159: {  	[hbm4b:s10+s3] =	stream.indirect_vreg.scatter [tilespmem:s24], [sflag:$0x1], $0x80, v3, vm0, $0xb8;
	[tilespmem:$0x11000] =	vst v63  }
0x15a: {  	_ = 	snop  }
0x15b: {  	[hbm4b:s11+s3] =	stream.indirect_vreg.scatter [tilespmem:s25], [sflag:$0x1], $0x80, v3, vm0, $0xb8;
	[tilespmem:$0x11000] =	vst v63  }
0x15c: {  	_ =	swait.ge [sflag:s1], $0x8000  }
0x15d: {  	[sflag:s1] =	ssyncset.done $0x0  }
0x15e: {  	s29 =	rddreg [dreg:$0xd];
	[sflag:s1] =	ssyncadd.s32 $0xFFFF8000  }
0x15f: {  	[tilespmem:s15], [sflag:$0x2] =	stream.linear.gather [hbm4b:s29+s3], $0x8000, $0x38;
	[tilespmem:$0x11000] =	vst v63  }
0x160: {  	_ =	swait.ge [sflag:s13], $0x8000  }
0x161: {  	[sflag:s13] =	ssyncset.done $0x0  }
0x162: {  	[sflag:s13] =	ssyncadd.s32 $0xFFFF8000  }
0x163: {  	v3 =	vld [tilespmem:$0x380];
	_ =	sdelay $0x4  }
0x164: {  	v39 =	vshll.u32 v3, $0x4  }
0x165: {  	v3 =	vand.u32 $0x7, v3;
	v4 =	vand.u32 $0xFFFFFF80, v39  }
0x166: {  	v3 =	vor.u32 v3, v4  }
0x167: {  	v4 =	vperm.xlane v3, v0;
	_ =	sdelay $0x1  }
0x168: {  	v4 =	vadd.s32 v1, v4;
	_ =	sdelay $0x4  }
0x169: {  	[hbm4b:s2+s3] =	stream.indirect_vreg.scatter [tilespmem:s15], [sflag:$0x1], $0x80, v4, vm0, $0xb8;
	[tilespmem:$0x11000] =	vst v63  }
0x16a: {  	_ = 	snop  }
0x16b: {  	[hbm4b:s5+s3] =	stream.indirect_vreg.scatter [tilespmem:s30], [sflag:$0x1], $0x80, v4, vm0, $0xb8;
	[tilespmem:$0x11000] =	vst v63  }
0x16c: {  	_ = 	snop  }
0x16d: {  	[hbm4b:s6+s3] =	stream.indirect_vreg.scatter [tilespmem:s31], [sflag:$0x1], $0x80, v4, vm0, $0xb8;
	[tilespmem:$0x11000] =	vst v63  }
0x16e: {  	_ = 	snop  }
0x16f: {  	[hbm4b:s7+s3] =	stream.indirect_vreg.scatter [tilespmem:s0], [sflag:$0x1], $0x80, v4, vm0, $0xb8;
	[tilespmem:$0x11000] =	vst v63  }
0x170: {  	_ = 	snop  }
0x171: {  	[hbm4b:s8+s3] =	stream.indirect_vreg.scatter [tilespmem:s4], [sflag:$0x1], $0x80, v4, vm0, $0xb8;
	[tilespmem:$0x11000] =	vst v63  }
0x172: {  	v3 =	vperm.xlane v3, v2  }
0x173: {  	[hbm4b:s9+s3] =	stream.indirect_vreg.scatter [tilespmem:s12], [sflag:$0x1], $0x80, v4, vm0, $0xb8;
	[tilespmem:$0x11000] =	vst v63  }
0x174: {  	v3 =	vadd.s32 v1, v3  }
0x175: {  	[hbm4b:s10+s3] =	stream.indirect_vreg.scatter [tilespmem:s16], [sflag:$0x1], $0x80, v4, vm0, $0xb8;
	[tilespmem:$0x11000] =	vst v63  }
0x176: {  	_ = 	snop  }
0x177: {  	[hbm4b:s11+s3] =	stream.indirect_vreg.scatter [tilespmem:s17], [sflag:$0x1], $0x80, v4, vm0, $0xb8;
	[tilespmem:$0x11000] =	vst v63  }
0x178: {  	_ = 	snop  }
0x179: {  	[hbm4b:s2+s3] =	stream.indirect_vreg.scatter [tilespmem:s18], [sflag:$0x1], $0x80, v3, vm0, $0xb8;
	[tilespmem:$0x11000] =	vst v63  }
0x17a: {  	_ = 	snop  }
0x17b: {  	[hbm4b:s5+s3] =	stream.indirect_vreg.scatter [tilespmem:s19], [sflag:$0x1], $0x80, v3, vm0, $0xb8;
	[tilespmem:$0x11000] =	vst v63  }
0x17c: {  	_ = 	snop  }
0x17d: {  	[hbm4b:s6+s3] =	stream.indirect_vreg.scatter [tilespmem:s20], [sflag:$0x1], $0x80, v3, vm0, $0xb8;
	[tilespmem:$0x11000] =	vst v63  }
0x17e: {  	_ = 	snop  }
0x17f: {  	[hbm4b:s7+s3] =	stream.indirect_vreg.scatter [tilespmem:s21], [sflag:$0x1], $0x80, v3, vm0, $0xb8;
	[tilespmem:$0x11000] =	vst v63  }
0x180: {  	_ = 	snop  }
0x181: {  	[hbm4b:s8+s3] =	stream.indirect_vreg.scatter [tilespmem:s22], [sflag:$0x1], $0x80, v3, vm0, $0xb8;
	[tilespmem:$0x11000] =	vst v63  }
0x182: {  	_ = 	snop  }
0x183: {  	[hbm4b:s9+s3] =	stream.indirect_vreg.scatter [tilespmem:s23], [sflag:$0x1], $0x80, v3, vm0, $0xb8;
	[tilespmem:$0x11000] =	vst v63  }
0x184: {  	_ = 	snop  }
0x185: {  	[hbm4b:s10+s3] =	stream.indirect_vreg.scatter [tilespmem:s24], [sflag:$0x1], $0x80, v3, vm0, $0xb8;
	[tilespmem:$0x11000] =	vst v63  }
0x186: {  	_ = 	snop  }
0x187: {  	[hbm4b:s11+s3] =	stream.indirect_vreg.scatter [tilespmem:s25], [sflag:$0x1], $0x80, v3, vm0, $0xb8;
	[tilespmem:$0x11000] =	vst v63  }
0x188: {  	_ =	swait.ge [sflag:s1], $0x8000  }
0x189: {  	[sflag:s1] =	ssyncset.done $0x0  }
0x18a: {  	s29 =	rddreg [dreg:$0xe];
	[sflag:s1] =	ssyncadd.s32 $0xFFFF8000  }
0x18b: {  	[tilespmem:s15], [sflag:$0x2] =	stream.linear.gather [hbm4b:s29+s3], $0x8000, $0x38;
	[tilespmem:$0x11000] =	vst v63  }
0x18c: {  	_ =	swait.ge [sflag:s13], $0x8000  }
0x18d: {  	[sflag:s13] =	ssyncset.done $0x0  }
0x18e: {  	[sflag:s13] =	ssyncadd.s32 $0xFFFF8000  }
0x18f: {  	v3 =	vld [tilespmem:$0x400];
	_ =	sdelay $0x4  }
0x190: {  	v40 =	vshll.u32 v3, $0x4  }
0x191: {  	v3 =	vand.u32 $0x7, v3;
	v4 =	vand.u32 $0xFFFFFF80, v40  }
0x192: {  	v3 =	vor.u32 v3, v4  }
0x193: {  	v4 =	vperm.xlane v3, v0;
	_ =	sdelay $0x1  }
0x194: {  	v4 =	vadd.s32 v1, v4;
	_ =	sdelay $0x4  }
0x195: {  	[hbm4b:s2+s3] =	stream.indirect_vreg.scatter [tilespmem:s15], [sflag:$0x1], $0x80, v4, vm0, $0xb8;
	[tilespmem:$0x11000] =	vst v63  }
0x196: {  	_ = 	snop  }
0x197: {  	[hbm4b:s5+s3] =	stream.indirect_vreg.scatter [tilespmem:s30], [sflag:$0x1], $0x80, v4, vm0, $0xb8;
	[tilespmem:$0x11000] =	vst v63  }
0x198: {  	_ = 	snop  }
0x199: {  	[hbm4b:s6+s3] =	stream.indirect_vreg.scatter [tilespmem:s31], [sflag:$0x1], $0x80, v4, vm0, $0xb8;
	[tilespmem:$0x11000] =	vst v63  }
0x19a: {  	_ = 	snop  }
0x19b: {  	[hbm4b:s7+s3] =	stream.indirect_vreg.scatter [tilespmem:s0], [sflag:$0x1], $0x80, v4, vm0, $0xb8;
	[tilespmem:$0x11000] =	vst v63  }
0x19c: {  	_ = 	snop  }
0x19d: {  	[hbm4b:s8+s3] =	stream.indirect_vreg.scatter [tilespmem:s4], [sflag:$0x1], $0x80, v4, vm0, $0xb8;
	[tilespmem:$0x11000] =	vst v63  }
0x19e: {  	v3 =	vperm.xlane v3, v2  }
0x19f: {  	[hbm4b:s9+s3] =	stream.indirect_vreg.scatter [tilespmem:s12], [sflag:$0x1], $0x80, v4, vm0, $0xb8;
	[tilespmem:$0x11000] =	vst v63  }
0x1a0: {  	v3 =	vadd.s32 v1, v3  }
0x1a1: {  	[hbm4b:s10+s3] =	stream.indirect_vreg.scatter [tilespmem:s16], [sflag:$0x1], $0x80, v4, vm0, $0xb8;
	[tilespmem:$0x11000] =	vst v63  }
0x1a2: {  	_ = 	snop  }
0x1a3: {  	[hbm4b:s11+s3] =	stream.indirect_vreg.scatter [tilespmem:s17], [sflag:$0x1], $0x80, v4, vm0, $0xb8;
	[tilespmem:$0x11000] =	vst v63  }
0x1a4: {  	_ = 	snop  }
0x1a5: {  	[hbm4b:s2+s3] =	stream.indirect_vreg.scatter [tilespmem:s18], [sflag:$0x1], $0x80, v3, vm0, $0xb8;
	[tilespmem:$0x11000] =	vst v63  }
0x1a6: {  	_ = 	snop  }
0x1a7: {  	[hbm4b:s5+s3] =	stream.indirect_vreg.scatter [tilespmem:s19], [sflag:$0x1], $0x80, v3, vm0, $0xb8;
	[tilespmem:$0x11000] =	vst v63  }
0x1a8: {  	_ = 	snop  }
0x1a9: {  	[hbm4b:s6+s3] =	stream.indirect_vreg.scatter [tilespmem:s20], [sflag:$0x1], $0x80, v3, vm0, $0xb8;
	[tilespmem:$0x11000] =	vst v63  }
0x1aa: {  	_ = 	snop  }
0x1ab: {  	[hbm4b:s7+s3] =	stream.indirect_vreg.scatter [tilespmem:s21], [sflag:$0x1], $0x80, v3, vm0, $0xb8;
	[tilespmem:$0x11000] =	vst v63  }
0x1ac: {  	_ = 	snop  }
0x1ad: {  	[hbm4b:s8+s3] =	stream.indirect_vreg.scatter [tilespmem:s22], [sflag:$0x1], $0x80, v3, vm0, $0xb8;
	[tilespmem:$0x11000] =	vst v63  }
0x1ae: {  	_ = 	snop  }
0x1af: {  	[hbm4b:s9+s3] =	stream.indirect_vreg.scatter [tilespmem:s23], [sflag:$0x1], $0x80, v3, vm0, $0xb8;
	[tilespmem:$0x11000] =	vst v63  }
0x1b0: {  	_ = 	snop  }
0x1b1: {  	[hbm4b:s10+s3] =	stream.indirect_vreg.scatter [tilespmem:s24], [sflag:$0x1], $0x80, v3, vm0, $0xb8;
	[tilespmem:$0x11000] =	vst v63  }
0x1b2: {  	_ = 	snop  }
0x1b3: {  	[hbm4b:s11+s3] =	stream.indirect_vreg.scatter [tilespmem:s25], [sflag:$0x1], $0x80, v3, vm0, $0xb8;
	[tilespmem:$0x11000] =	vst v63  }
0x1b4: {  	_ =	swait.ge [sflag:s1], $0x8000  }
0x1b5: {  	[sflag:s1] =	ssyncset.done $0x0  }
0x1b6: {  	s29 =	rddreg [dreg:$0xf];
	[sflag:s1] =	ssyncadd.s32 $0xFFFF8000  }
0x1b7: {  	[tilespmem:s15], [sflag:$0x2] =	stream.linear.gather [hbm4b:s29+s3], $0x8000, $0x38;
	[tilespmem:$0x11000] =	vst v63  }
0x1b8: {  	_ =	swait.ge [sflag:s13], $0x8000  }
0x1b9: {  	[sflag:s13] =	ssyncset.done $0x0  }
0x1ba: {  	[sflag:s13] =	ssyncadd.s32 $0xFFFF8000  }
0x1bb: {  	v3 =	vld [tilespmem:$0x480];
	_ =	sdelay $0x4  }
0x1bc: {  	v41 =	vshll.u32 v3, $0x4  }
0x1bd: {  	v3 =	vand.u32 $0x7, v3;
	v4 =	vand.u32 $0xFFFFFF80, v41  }
0x1be: {  	v3 =	vor.u32 v3, v4  }
0x1bf: {  	v4 =	vperm.xlane v3, v0;
	_ =	sdelay $0x1  }
0x1c0: {  	v4 =	vadd.s32 v1, v4;
	_ =	sdelay $0x4  }
0x1c1: {  	[hbm4b:s2+s3] =	stream.indirect_vreg.scatter [tilespmem:s15], [sflag:$0x1], $0x80, v4, vm0, $0xb8;
	[tilespmem:$0x11000] =	vst v63  }
0x1c2: {  	_ = 	snop  }
0x1c3: {  	[hbm4b:s5+s3] =	stream.indirect_vreg.scatter [tilespmem:s30], [sflag:$0x1], $0x80, v4, vm0, $0xb8;
	[tilespmem:$0x11000] =	vst v63  }
0x1c4: {  	_ = 	snop  }
0x1c5: {  	[hbm4b:s6+s3] =	stream.indirect_vreg.scatter [tilespmem:s31], [sflag:$0x1], $0x80, v4, vm0, $0xb8;
	[tilespmem:$0x11000] =	vst v63  }
0x1c6: {  	_ = 	snop  }
0x1c7: {  	[hbm4b:s7+s3] =	stream.indirect_vreg.scatter [tilespmem:s0], [sflag:$0x1], $0x80, v4, vm0, $0xb8;
	[tilespmem:$0x11000] =	vst v63  }
0x1c8: {  	_ = 	snop  }
0x1c9: {  	[hbm4b:s8+s3] =	stream.indirect_vreg.scatter [tilespmem:s4], [sflag:$0x1], $0x80, v4, vm0, $0xb8;
	[tilespmem:$0x11000] =	vst v63  }
0x1ca: {  	v3 =	vperm.xlane v3, v2  }
0x1cb: {  	[hbm4b:s9+s3] =	stream.indirect_vreg.scatter [tilespmem:s12], [sflag:$0x1], $0x80, v4, vm0, $0xb8;
	[tilespmem:$0x11000] =	vst v63  }
0x1cc: {  	v3 =	vadd.s32 v1, v3  }
0x1cd: {  	[hbm4b:s10+s3] =	stream.indirect_vreg.scatter [tilespmem:s16], [sflag:$0x1], $0x80, v4, vm0, $0xb8;
	[tilespmem:$0x11000] =	vst v63  }
0x1ce: {  	_ = 	snop  }
0x1cf: {  	[hbm4b:s11+s3] =	stream.indirect_vreg.scatter [tilespmem:s17], [sflag:$0x1], $0x80, v4, vm0, $0xb8;
	[tilespmem:$0x11000] =	vst v63  }
0x1d0: {  	_ = 	snop  }
0x1d1: {  	[hbm4b:s2+s3] =	stream.indirect_vreg.scatter [tilespmem:s18], [sflag:$0x1], $0x80, v3, vm0, $0xb8;
	[tilespmem:$0x11000] =	vst v63  }
0x1d2: {  	_ = 	snop  }
0x1d3: {  	[hbm4b:s5+s3] =	stream.indirect_vreg.scatter [tilespmem:s19], [sflag:$0x1], $0x80, v3, vm0, $0xb8;
	[tilespmem:$0x11000] =	vst v63  }
0x1d4: {  	_ = 	snop  }
0x1d5: {  	[hbm4b:s6+s3] =	stream.indirect_vreg.scatter [tilespmem:s20], [sflag:$0x1], $0x80, v3, vm0, $0xb8;
	[tilespmem:$0x11000] =	vst v63  }
0x1d6: {  	_ = 	snop  }
0x1d7: {  	[hbm4b:s7+s3] =	stream.indirect_vreg.scatter [tilespmem:s21], [sflag:$0x1], $0x80, v3, vm0, $0xb8;
	[tilespmem:$0x11000] =	vst v63  }
0x1d8: {  	_ = 	snop  }
0x1d9: {  	[hbm4b:s8+s3] =	stream.indirect_vreg.scatter [tilespmem:s22], [sflag:$0x1], $0x80, v3, vm0, $0xb8;
	[tilespmem:$0x11000] =	vst v63  }
0x1da: {  	_ = 	snop  }
0x1db: {  	[hbm4b:s9+s3] =	stream.indirect_vreg.scatter [tilespmem:s23], [sflag:$0x1], $0x80, v3, vm0, $0xb8;
	[tilespmem:$0x11000] =	vst v63  }
0x1dc: {  	_ = 	snop  }
0x1dd: {  	[hbm4b:s10+s3] =	stream.indirect_vreg.scatter [tilespmem:s24], [sflag:$0x1], $0x80, v3, vm0, $0xb8;
	[tilespmem:$0x11000] =	vst v63  }
0x1de: {  	_ = 	snop  }
0x1df: {  	[hbm4b:s11+s3] =	stream.indirect_vreg.scatter [tilespmem:s25], [sflag:$0x1], $0x80, v3, vm0, $0xb8;
	[tilespmem:$0x11000] =	vst v63  }
0x1e0: {  	_ =	swait.ge [sflag:s1], $0x8000  }
0x1e1: {  	[sflag:s1] =	ssyncset.done $0x0  }
0x1e2: {  	s29 =	rddreg [dreg:$0x10];
	[sflag:s1] =	ssyncadd.s32 $0xFFFF8000  }
0x1e3: {  	[tilespmem:s15], [sflag:$0x2] =	stream.linear.gather [hbm4b:s29+s3], $0x8000, $0x38;
	[tilespmem:$0x11000] =	vst v63  }
0x1e4: {  	_ =	swait.ge [sflag:s13], $0x8000  }
0x1e5: {  	[sflag:s13] =	ssyncset.done $0x0  }
0x1e6: {  	[sflag:s13] =	ssyncadd.s32 $0xFFFF8000  }
0x1e7: {  	v3 =	vld [tilespmem:$0x500];
	_ =	sdelay $0x4  }
0x1e8: {  	v42 =	vshll.u32 v3, $0x4  }
0x1e9: {  	v3 =	vand.u32 $0x7, v3;
	v4 =	vand.u32 $0xFFFFFF80, v42  }
0x1ea: {  	v3 =	vor.u32 v3, v4  }
0x1eb: {  	v4 =	vperm.xlane v3, v0;
	_ =	sdelay $0x1  }
0x1ec: {  	v4 =	vadd.s32 v1, v4;
	_ =	sdelay $0x4  }
0x1ed: {  	[hbm4b:s2+s3] =	stream.indirect_vreg.scatter [tilespmem:s15], [sflag:$0x1], $0x80, v4, vm0, $0xb8;
	[tilespmem:$0x11000] =	vst v63  }
0x1ee: {  	_ = 	snop  }
0x1ef: {  	[hbm4b:s5+s3] =	stream.indirect_vreg.scatter [tilespmem:s30], [sflag:$0x1], $0x80, v4, vm0, $0xb8;
	[tilespmem:$0x11000] =	vst v63  }
0x1f0: {  	_ = 	snop  }
0x1f1: {  	[hbm4b:s6+s3] =	stream.indirect_vreg.scatter [tilespmem:s31], [sflag:$0x1], $0x80, v4, vm0, $0xb8;
	[tilespmem:$0x11000] =	vst v63  }
0x1f2: {  	_ = 	snop  }
0x1f3: {  	[hbm4b:s7+s3] =	stream.indirect_vreg.scatter [tilespmem:s0], [sflag:$0x1], $0x80, v4, vm0, $0xb8;
	[tilespmem:$0x11000] =	vst v63  }
0x1f4: {  	_ = 	snop  }
0x1f5: {  	[hbm4b:s8+s3] =	stream.indirect_vreg.scatter [tilespmem:s4], [sflag:$0x1], $0x80, v4, vm0, $0xb8;
	[tilespmem:$0x11000] =	vst v63  }
0x1f6: {  	v3 =	vperm.xlane v3, v2  }
0x1f7: {  	[hbm4b:s9+s3] =	stream.indirect_vreg.scatter [tilespmem:s12], [sflag:$0x1], $0x80, v4, vm0, $0xb8;
	[tilespmem:$0x11000] =	vst v63  }
0x1f8: {  	v3 =	vadd.s32 v1, v3  }
0x1f9: {  	[hbm4b:s10+s3] =	stream.indirect_vreg.scatter [tilespmem:s16], [sflag:$0x1], $0x80, v4, vm0, $0xb8;
	[tilespmem:$0x11000] =	vst v63  }
0x1fa: {  	_ = 	snop  }
0x1fb: {  	[hbm4b:s11+s3] =	stream.indirect_vreg.scatter [tilespmem:s17], [sflag:$0x1], $0x80, v4, vm0, $0xb8;
	[tilespmem:$0x11000] =	vst v63  }
0x1fc: {  	_ = 	snop  }
0x1fd: {  	[hbm4b:s2+s3] =	stream.indirect_vreg.scatter [tilespmem:s18], [sflag:$0x1], $0x80, v3, vm0, $0xb8;
	[tilespmem:$0x11000] =	vst v63  }
0x1fe: {  	_ = 	snop  }
0x1ff: {  	[hbm4b:s5+s3] =	stream.indirect_vreg.scatter [tilespmem:s19], [sflag:$0x1], $0x80, v3, vm0, $0xb8;
	[tilespmem:$0x11000] =	vst v63  }
0x200: {  	_ = 	snop  }
0x201: {  	[hbm4b:s6+s3] =	stream.indirect_vreg.scatter [tilespmem:s20], [sflag:$0x1], $0x80, v3, vm0, $0xb8;
	[tilespmem:$0x11000] =	vst v63  }
0x202: {  	_ = 	snop  }
0x203: {  	[hbm4b:s7+s3] =	stream.indirect_vreg.scatter [tilespmem:s21], [sflag:$0x1], $0x80, v3, vm0, $0xb8;
	[tilespmem:$0x11000] =	vst v63  }
0x204: {  	_ = 	snop  }
0x205: {  	[hbm4b:s8+s3] =	stream.indirect_vreg.scatter [tilespmem:s22], [sflag:$0x1], $0x80, v3, vm0, $0xb8;
	[tilespmem:$0x11000] =	vst v63  }
0x206: {  	_ = 	snop  }
0x207: {  	[hbm4b:s9+s3] =	stream.indirect_vreg.scatter [tilespmem:s23], [sflag:$0x1], $0x80, v3, vm0, $0xb8;
	[tilespmem:$0x11000] =	vst v63  }
0x208: {  	_ = 	snop  }
0x209: {  	[hbm4b:s10+s3] =	stream.indirect_vreg.scatter [tilespmem:s24], [sflag:$0x1], $0x80, v3, vm0, $0xb8;
	[tilespmem:$0x11000] =	vst v63  }
0x20a: {  	_ = 	snop  }
0x20b: {  	[hbm4b:s11+s3] =	stream.indirect_vreg.scatter [tilespmem:s25], [sflag:$0x1], $0x80, v3, vm0, $0xb8;
	[tilespmem:$0x11000] =	vst v63  }
0x20c: {  	_ =	swait.ge [sflag:s1], $0x8000  }
0x20d: {  	[sflag:s1] =	ssyncset.done $0x0  }
0x20e: {  	s29 =	rddreg [dreg:$0x11];
	[sflag:s1] =	ssyncadd.s32 $0xFFFF8000  }
0x20f: {  	[tilespmem:s15], [sflag:$0x2] =	stream.linear.gather [hbm4b:s29+s3], $0x8000, $0x38;
	[tilespmem:$0x11000] =	vst v63  }
0x210: {  	_ =	swait.ge [sflag:s13], $0x8000  }
0x211: {  	[sflag:s13] =	ssyncset.done $0x0  }
0x212: {  	[sflag:s13] =	ssyncadd.s32 $0xFFFF8000  }
0x213: {  	v3 =	vld [tilespmem:$0x580];
	_ =	sdelay $0x4  }
0x214: {  	v43 =	vshll.u32 v3, $0x4  }
0x215: {  	v3 =	vand.u32 $0x7, v3;
	v4 =	vand.u32 $0xFFFFFF80, v43  }
0x216: {  	v3 =	vor.u32 v3, v4  }
0x217: {  	v4 =	vperm.xlane v3, v0;
	_ =	sdelay $0x1  }
0x218: {  	v4 =	vadd.s32 v1, v4;
	_ =	sdelay $0x4  }
0x219: {  	[hbm4b:s2+s3] =	stream.indirect_vreg.scatter [tilespmem:s15], [sflag:$0x1], $0x80, v4, vm0, $0xb8;
	[tilespmem:$0x11000] =	vst v63  }
0x21a: {  	_ = 	snop  }
0x21b: {  	[hbm4b:s5+s3] =	stream.indirect_vreg.scatter [tilespmem:s30], [sflag:$0x1], $0x80, v4, vm0, $0xb8;
	[tilespmem:$0x11000] =	vst v63  }
0x21c: {  	_ = 	snop  }
0x21d: {  	[hbm4b:s6+s3] =	stream.indirect_vreg.scatter [tilespmem:s31], [sflag:$0x1], $0x80, v4, vm0, $0xb8;
	[tilespmem:$0x11000] =	vst v63  }
0x21e: {  	_ = 	snop  }
0x21f: {  	[hbm4b:s7+s3] =	stream.indirect_vreg.scatter [tilespmem:s0], [sflag:$0x1], $0x80, v4, vm0, $0xb8;
	[tilespmem:$0x11000] =	vst v63  }
0x220: {  	_ = 	snop  }
0x221: {  	[hbm4b:s8+s3] =	stream.indirect_vreg.scatter [tilespmem:s4], [sflag:$0x1], $0x80, v4, vm0, $0xb8;
	[tilespmem:$0x11000] =	vst v63  }
0x222: {  	v3 =	vperm.xlane v3, v2  }
0x223: {  	[hbm4b:s9+s3] =	stream.indirect_vreg.scatter [tilespmem:s12], [sflag:$0x1], $0x80, v4, vm0, $0xb8;
	[tilespmem:$0x11000] =	vst v63  }
0x224: {  	v3 =	vadd.s32 v1, v3  }
0x225: {  	[hbm4b:s10+s3] =	stream.indirect_vreg.scatter [tilespmem:s16], [sflag:$0x1], $0x80, v4, vm0, $0xb8;
	[tilespmem:$0x11000] =	vst v63  }
0x226: {  	_ = 	snop  }
0x227: {  	[hbm4b:s11+s3] =	stream.indirect_vreg.scatter [tilespmem:s17], [sflag:$0x1], $0x80, v4, vm0, $0xb8;
	[tilespmem:$0x11000] =	vst v63  }
0x228: {  	_ = 	snop  }
0x229: {  	[hbm4b:s2+s3] =	stream.indirect_vreg.scatter [tilespmem:s18], [sflag:$0x1], $0x80, v3, vm0, $0xb8;
	[tilespmem:$0x11000] =	vst v63  }
0x22a: {  	_ = 	snop  }
0x22b: {  	[hbm4b:s5+s3] =	stream.indirect_vreg.scatter [tilespmem:s19], [sflag:$0x1], $0x80, v3, vm0, $0xb8;
	[tilespmem:$0x11000] =	vst v63  }
0x22c: {  	_ = 	snop  }
0x22d: {  	[hbm4b:s6+s3] =	stream.indirect_vreg.scatter [tilespmem:s20], [sflag:$0x1], $0x80, v3, vm0, $0xb8;
	[tilespmem:$0x11000] =	vst v63  }
0x22e: {  	_ = 	snop  }
0x22f: {  	[hbm4b:s7+s3] =	stream.indirect_vreg.scatter [tilespmem:s21], [sflag:$0x1], $0x80, v3, vm0, $0xb8;
	[tilespmem:$0x11000] =	vst v63  }
0x230: {  	_ = 	snop  }
0x231: {  	[hbm4b:s8+s3] =	stream.indirect_vreg.scatter [tilespmem:s22], [sflag:$0x1], $0x80, v3, vm0, $0xb8;
	[tilespmem:$0x11000] =	vst v63  }
0x232: {  	_ = 	snop  }
0x233: {  	[hbm4b:s9+s3] =	stream.indirect_vreg.scatter [tilespmem:s23], [sflag:$0x1], $0x80, v3, vm0, $0xb8;
	[tilespmem:$0x11000] =	vst v63  }
0x234: {  	_ = 	snop  }
0x235: {  	[hbm4b:s10+s3] =	stream.indirect_vreg.scatter [tilespmem:s24], [sflag:$0x1], $0x80, v3, vm0, $0xb8;
	[tilespmem:$0x11000] =	vst v63  }
0x236: {  	_ = 	snop  }
0x237: {  	[hbm4b:s11+s3] =	stream.indirect_vreg.scatter [tilespmem:s25], [sflag:$0x1], $0x80, v3, vm0, $0xb8;
	[tilespmem:$0x11000] =	vst v63  }
0x238: {  	_ =	swait.ge [sflag:s1], $0x8000  }
0x239: {  	[sflag:s1] =	ssyncset.done $0x0  }
0x23a: {  	s29 =	rddreg [dreg:$0x12];
	[sflag:s1] =	ssyncadd.s32 $0xFFFF8000  }
0x23b: {  	[tilespmem:s15], [sflag:$0x2] =	stream.linear.gather [hbm4b:s29+s3], $0x8000, $0x38;
	[tilespmem:$0x11000] =	vst v63  }
0x23c: {  	_ =	swait.ge [sflag:s13], $0x8000  }
0x23d: {  	[sflag:s13] =	ssyncset.done $0x0  }
0x23e: {  	[sflag:s13] =	ssyncadd.s32 $0xFFFF8000  }
0x23f: {  	v3 =	vld [tilespmem:$0x600];
	_ =	sdelay $0x4  }
0x240: {  	v44 =	vshll.u32 v3, $0x4  }
0x241: {  	v3 =	vand.u32 $0x7, v3;
	v4 =	vand.u32 $0xFFFFFF80, v44  }
0x242: {  	v3 =	vor.u32 v3, v4  }
0x243: {  	v4 =	vperm.xlane v3, v0;
	_ =	sdelay $0x1  }
0x244: {  	v4 =	vadd.s32 v1, v4;
	_ =	sdelay $0x4  }
0x245: {  	[hbm4b:s2+s3] =	stream.indirect_vreg.scatter [tilespmem:s15], [sflag:$0x1], $0x80, v4, vm0, $0xb8;
	[tilespmem:$0x11000] =	vst v63  }
0x246: {  	_ = 	snop  }
0x247: {  	[hbm4b:s5+s3] =	stream.indirect_vreg.scatter [tilespmem:s30], [sflag:$0x1], $0x80, v4, vm0, $0xb8;
	[tilespmem:$0x11000] =	vst v63  }
0x248: {  	_ = 	snop  }
0x249: {  	[hbm4b:s6+s3] =	stream.indirect_vreg.scatter [tilespmem:s31], [sflag:$0x1], $0x80, v4, vm0, $0xb8;
	[tilespmem:$0x11000] =	vst v63  }
0x24a: {  	_ = 	snop  }
0x24b: {  	[hbm4b:s7+s3] =	stream.indirect_vreg.scatter [tilespmem:s0], [sflag:$0x1], $0x80, v4, vm0, $0xb8;
	[tilespmem:$0x11000] =	vst v63  }
0x24c: {  	_ = 	snop  }
0x24d: {  	[hbm4b:s8+s3] =	stream.indirect_vreg.scatter [tilespmem:s4], [sflag:$0x1], $0x80, v4, vm0, $0xb8;
	[tilespmem:$0x11000] =	vst v63  }
0x24e: {  	v3 =	vperm.xlane v3, v2  }
0x24f: {  	[hbm4b:s9+s3] =	stream.indirect_vreg.scatter [tilespmem:s12], [sflag:$0x1], $0x80, v4, vm0, $0xb8;
	[tilespmem:$0x11000] =	vst v63  }
0x250: {  	v3 =	vadd.s32 v1, v3  }
0x251: {  	[hbm4b:s10+s3] =	stream.indirect_vreg.scatter [tilespmem:s16], [sflag:$0x1], $0x80, v4, vm0, $0xb8;
	[tilespmem:$0x11000] =	vst v63  }
0x252: {  	_ = 	snop  }
0x253: {  	[hbm4b:s11+s3] =	stream.indirect_vreg.scatter [tilespmem:s17], [sflag:$0x1], $0x80, v4, vm0, $0xb8;
	[tilespmem:$0x11000] =	vst v63  }
0x254: {  	_ = 	snop  }
0x255: {  	[hbm4b:s2+s3] =	stream.indirect_vreg.scatter [tilespmem:s18], [sflag:$0x1], $0x80, v3, vm0, $0xb8;
	[tilespmem:$0x11000] =	vst v63  }
0x256: {  	_ = 	snop  }
0x257: {  	[hbm4b:s5+s3] =	stream.indirect_vreg.scatter [tilespmem:s19], [sflag:$0x1], $0x80, v3, vm0, $0xb8;
	[tilespmem:$0x11000] =	vst v63  }
0x258: {  	_ = 	snop  }
0x259: {  	[hbm4b:s6+s3] =	stream.indirect_vreg.scatter [tilespmem:s20], [sflag:$0x1], $0x80, v3, vm0, $0xb8;
	[tilespmem:$0x11000] =	vst v63  }
0x25a: {  	_ = 	snop  }
0x25b: {  	[hbm4b:s7+s3] =	stream.indirect_vreg.scatter [tilespmem:s21], [sflag:$0x1], $0x80, v3, vm0, $0xb8;
	[tilespmem:$0x11000] =	vst v63  }
0x25c: {  	_ = 	snop  }
0x25d: {  	[hbm4b:s8+s3] =	stream.indirect_vreg.scatter [tilespmem:s22], [sflag:$0x1], $0x80, v3, vm0, $0xb8;
	[tilespmem:$0x11000] =	vst v63  }
0x25e: {  	_ = 	snop  }
0x25f: {  	[hbm4b:s9+s3] =	stream.indirect_vreg.scatter [tilespmem:s23], [sflag:$0x1], $0x80, v3, vm0, $0xb8;
	[tilespmem:$0x11000] =	vst v63  }
0x260: {  	_ = 	snop  }
0x261: {  	[hbm4b:s10+s3] =	stream.indirect_vreg.scatter [tilespmem:s24], [sflag:$0x1], $0x80, v3, vm0, $0xb8;
	[tilespmem:$0x11000] =	vst v63  }
0x262: {  	_ = 	snop  }
0x263: {  	[hbm4b:s11+s3] =	stream.indirect_vreg.scatter [tilespmem:s25], [sflag:$0x1], $0x80, v3, vm0, $0xb8;
	[tilespmem:$0x11000] =	vst v63  }
0x264: {  	_ =	swait.ge [sflag:s1], $0x8000  }
0x265: {  	[sflag:s1] =	ssyncset.done $0x0  }
0x266: {  	s29 =	rddreg [dreg:$0x13];
	[sflag:s1] =	ssyncadd.s32 $0xFFFF8000  }
0x267: {  	[tilespmem:s15], [sflag:$0x2] =	stream.linear.gather [hbm4b:s29+s3], $0x8000, $0x38;
	[tilespmem:$0x11000] =	vst v63  }
0x268: {  	_ =	swait.ge [sflag:s13], $0x8000  }
0x269: {  	[sflag:s13] =	ssyncset.done $0x0  }
0x26a: {  	[sflag:s13] =	ssyncadd.s32 $0xFFFF8000  }
0x26b: {  	v3 =	vld [tilespmem:$0x680];
	_ =	sdelay $0x4  }
0x26c: {  	v45 =	vshll.u32 v3, $0x4  }
0x26d: {  	v3 =	vand.u32 $0x7, v3;
	v4 =	vand.u32 $0xFFFFFF80, v45  }
0x26e: {  	v3 =	vor.u32 v3, v4  }
0x26f: {  	v4 =	vperm.xlane v3, v0;
	_ =	sdelay $0x1  }
0x270: {  	v4 =	vadd.s32 v1, v4;
	_ =	sdelay $0x4  }
0x271: {  	[hbm4b:s2+s3] =	stream.indirect_vreg.scatter [tilespmem:s15], [sflag:$0x1], $0x80, v4, vm0, $0xb8;
	[tilespmem:$0x11000] =	vst v63  }
0x272: {  	_ = 	snop  }
0x273: {  	[hbm4b:s5+s3] =	stream.indirect_vreg.scatter [tilespmem:s30], [sflag:$0x1], $0x80, v4, vm0, $0xb8;
	[tilespmem:$0x11000] =	vst v63  }
0x274: {  	_ = 	snop  }
0x275: {  	[hbm4b:s6+s3] =	stream.indirect_vreg.scatter [tilespmem:s31], [sflag:$0x1], $0x80, v4, vm0, $0xb8;
	[tilespmem:$0x11000] =	vst v63  }
0x276: {  	_ = 	snop  }
0x277: {  	[hbm4b:s7+s3] =	stream.indirect_vreg.scatter [tilespmem:s0], [sflag:$0x1], $0x80, v4, vm0, $0xb8;
	[tilespmem:$0x11000] =	vst v63  }
0x278: {  	_ = 	snop  }
0x279: {  	[hbm4b:s8+s3] =	stream.indirect_vreg.scatter [tilespmem:s4], [sflag:$0x1], $0x80, v4, vm0, $0xb8;
	[tilespmem:$0x11000] =	vst v63  }
0x27a: {  	v3 =	vperm.xlane v3, v2  }
0x27b: {  	[hbm4b:s9+s3] =	stream.indirect_vreg.scatter [tilespmem:s12], [sflag:$0x1], $0x80, v4, vm0, $0xb8;
	[tilespmem:$0x11000] =	vst v63  }
0x27c: {  	v3 =	vadd.s32 v1, v3  }
0x27d: {  	[hbm4b:s10+s3] =	stream.indirect_vreg.scatter [tilespmem:s16], [sflag:$0x1], $0x80, v4, vm0, $0xb8;
	[tilespmem:$0x11000] =	vst v63  }
0x27e: {  	_ = 	snop  }
0x27f: {  	[hbm4b:s11+s3] =	stream.indirect_vreg.scatter [tilespmem:s17], [sflag:$0x1], $0x80, v4, vm0, $0xb8;
	[tilespmem:$0x11000] =	vst v63  }
0x280: {  	_ = 	snop  }
0x281: {  	[hbm4b:s2+s3] =	stream.indirect_vreg.scatter [tilespmem:s18], [sflag:$0x1], $0x80, v3, vm0, $0xb8;
	[tilespmem:$0x11000] =	vst v63  }
0x282: {  	_ = 	snop  }
0x283: {  	[hbm4b:s5+s3] =	stream.indirect_vreg.scatter [tilespmem:s19], [sflag:$0x1], $0x80, v3, vm0, $0xb8;
	[tilespmem:$0x11000] =	vst v63  }
0x284: {  	_ = 	snop  }
0x285: {  	[hbm4b:s6+s3] =	stream.indirect_vreg.scatter [tilespmem:s20], [sflag:$0x1], $0x80, v3, vm0, $0xb8;
	[tilespmem:$0x11000] =	vst v63  }
0x286: {  	_ = 	snop  }
0x287: {  	[hbm4b:s7+s3] =	stream.indirect_vreg.scatter [tilespmem:s21], [sflag:$0x1], $0x80, v3, vm0, $0xb8;
	[tilespmem:$0x11000] =	vst v63  }
0x288: {  	_ = 	snop  }
0x289: {  	[hbm4b:s8+s3] =	stream.indirect_vreg.scatter [tilespmem:s22], [sflag:$0x1], $0x80, v3, vm0, $0xb8;
	[tilespmem:$0x11000] =	vst v63  }
0x28a: {  	_ = 	snop  }
0x28b: {  	[hbm4b:s9+s3] =	stream.indirect_vreg.scatter [tilespmem:s23], [sflag:$0x1], $0x80, v3, vm0, $0xb8;
	[tilespmem:$0x11000] =	vst v63  }
0x28c: {  	_ = 	snop  }
0x28d: {  	[hbm4b:s10+s3] =	stream.indirect_vreg.scatter [tilespmem:s24], [sflag:$0x1], $0x80, v3, vm0, $0xb8;
	[tilespmem:$0x11000] =	vst v63  }
0x28e: {  	_ = 	snop  }
0x28f: {  	[hbm4b:s11+s3] =	stream.indirect_vreg.scatter [tilespmem:s25], [sflag:$0x1], $0x80, v3, vm0, $0xb8;
	[tilespmem:$0x11000] =	vst v63  }
0x290: {  	_ =	swait.ge [sflag:s1], $0x8000  }
0x291: {  	[sflag:s1] =	ssyncset.done $0x0  }
0x292: {  	s29 =	rddreg [dreg:$0x14];
	[sflag:s1] =	ssyncadd.s32 $0xFFFF8000  }
0x293: {  	[tilespmem:s15], [sflag:$0x2] =	stream.linear.gather [hbm4b:s29+s3], $0x8000, $0x38;
	[tilespmem:$0x11000] =	vst v63  }
0x294: {  	_ =	swait.ge [sflag:s13], $0x8000  }
0x295: {  	[sflag:s13] =	ssyncset.done $0x0  }
0x296: {  	[sflag:s13] =	ssyncadd.s32 $0xFFFF8000  }
0x297: {  	v3 =	vld [tilespmem:$0x700];
	_ =	sdelay $0x4  }
0x298: {  	v46 =	vshll.u32 v3, $0x4  }
0x299: {  	v3 =	vand.u32 $0x7, v3;
	v4 =	vand.u32 $0xFFFFFF80, v46  }
0x29a: {  	v3 =	vor.u32 v3, v4  }
0x29b: {  	v4 =	vperm.xlane v3, v0;
	_ =	sdelay $0x1  }
0x29c: {  	v4 =	vadd.s32 v1, v4;
	_ =	sdelay $0x4  }
0x29d: {  	[hbm4b:s2+s3] =	stream.indirect_vreg.scatter [tilespmem:s15], [sflag:$0x1], $0x80, v4, vm0, $0xb8;
	[tilespmem:$0x11000] =	vst v63  }
0x29e: {  	_ = 	snop  }
0x29f: {  	[hbm4b:s5+s3] =	stream.indirect_vreg.scatter [tilespmem:s30], [sflag:$0x1], $0x80, v4, vm0, $0xb8;
	[tilespmem:$0x11000] =	vst v63  }
0x2a0: {  	_ = 	snop  }
0x2a1: {  	[hbm4b:s6+s3] =	stream.indirect_vreg.scatter [tilespmem:s31], [sflag:$0x1], $0x80, v4, vm0, $0xb8;
	[tilespmem:$0x11000] =	vst v63  }
0x2a2: {  	_ = 	snop  }
0x2a3: {  	[hbm4b:s7+s3] =	stream.indirect_vreg.scatter [tilespmem:s0], [sflag:$0x1], $0x80, v4, vm0, $0xb8;
	[tilespmem:$0x11000] =	vst v63  }
0x2a4: {  	_ = 	snop  }
0x2a5: {  	[hbm4b:s8+s3] =	stream.indirect_vreg.scatter [tilespmem:s4], [sflag:$0x1], $0x80, v4, vm0, $0xb8;
	[tilespmem:$0x11000] =	vst v63  }
0x2a6: {  	v3 =	vperm.xlane v3, v2  }
0x2a7: {  	[hbm4b:s9+s3] =	stream.indirect_vreg.scatter [tilespmem:s12], [sflag:$0x1], $0x80, v4, vm0, $0xb8;
	[tilespmem:$0x11000] =	vst v63  }
0x2a8: {  	v3 =	vadd.s32 v1, v3  }
0x2a9: {  	[hbm4b:s10+s3] =	stream.indirect_vreg.scatter [tilespmem:s16], [sflag:$0x1], $0x80, v4, vm0, $0xb8;
	[tilespmem:$0x11000] =	vst v63  }
0x2aa: {  	_ = 	snop  }
0x2ab: {  	[hbm4b:s11+s3] =	stream.indirect_vreg.scatter [tilespmem:s17], [sflag:$0x1], $0x80, v4, vm0, $0xb8;
	[tilespmem:$0x11000] =	vst v63  }
0x2ac: {  	_ = 	snop  }
0x2ad: {  	[hbm4b:s2+s3] =	stream.indirect_vreg.scatter [tilespmem:s18], [sflag:$0x1], $0x80, v3, vm0, $0xb8;
	[tilespmem:$0x11000] =	vst v63  }
0x2ae: {  	_ = 	snop  }
0x2af: {  	[hbm4b:s5+s3] =	stream.indirect_vreg.scatter [tilespmem:s19], [sflag:$0x1], $0x80, v3, vm0, $0xb8;
	[tilespmem:$0x11000] =	vst v63  }
0x2b0: {  	_ = 	snop  }
0x2b1: {  	[hbm4b:s6+s3] =	stream.indirect_vreg.scatter [tilespmem:s20], [sflag:$0x1], $0x80, v3, vm0, $0xb8;
	[tilespmem:$0x11000] =	vst v63  }
0x2b2: {  	_ = 	snop  }
0x2b3: {  	[hbm4b:s7+s3] =	stream.indirect_vreg.scatter [tilespmem:s21], [sflag:$0x1], $0x80, v3, vm0, $0xb8;
	[tilespmem:$0x11000] =	vst v63  }
0x2b4: {  	_ = 	snop  }
0x2b5: {  	[hbm4b:s8+s3] =	stream.indirect_vreg.scatter [tilespmem:s22], [sflag:$0x1], $0x80, v3, vm0, $0xb8;
	[tilespmem:$0x11000] =	vst v63  }
0x2b6: {  	_ = 	snop  }
0x2b7: {  	[hbm4b:s9+s3] =	stream.indirect_vreg.scatter [tilespmem:s23], [sflag:$0x1], $0x80, v3, vm0, $0xb8;
	[tilespmem:$0x11000] =	vst v63  }
0x2b8: {  	_ = 	snop  }
0x2b9: {  	[hbm4b:s10+s3] =	stream.indirect_vreg.scatter [tilespmem:s24], [sflag:$0x1], $0x80, v3, vm0, $0xb8;
	[tilespmem:$0x11000] =	vst v63  }
0x2ba: {  	_ = 	snop  }
0x2bb: {  	[hbm4b:s11+s3] =	stream.indirect_vreg.scatter [tilespmem:s25], [sflag:$0x1], $0x80, v3, vm0, $0xb8;
	[tilespmem:$0x11000] =	vst v63  }
0x2bc: {  	_ =	swait.ge [sflag:s1], $0x8000  }
0x2bd: {  	[sflag:s1] =	ssyncset.done $0x0  }
0x2be: {  	s29 =	rddreg [dreg:$0x15];
	[sflag:s1] =	ssyncadd.s32 $0xFFFF8000  }
0x2bf: {  	[tilespmem:s15], [sflag:$0x2] =	stream.linear.gather [hbm4b:s29+s3], $0x8000, $0x38;
	[tilespmem:$0x11000] =	vst v63  }
0x2c0: {  	s29 =	rddreg [dreg:$0x18];
	_ =	swait.ge [sflag:s13], $0x8000  }
0x2c1: {  	[sflag:s13] =	ssyncset.done $0x0  }
0x2c2: {  	[sflag:s13] =	ssyncadd.s32 $0xFFFF8000  }
0x2c3: {  	v3 =	vld [tilespmem:$0x780];
	_ =	sdelay $0x4  }
0x2c4: {  	v47 =	vshll.u32 v3, $0x4  }
0x2c5: {  	v3 =	vand.u32 $0x7, v3;
	v4 =	vand.u32 $0xFFFFFF80, v47  }
0x2c6: {  	v3 =	vor.u32 v3, v4  }
0x2c7: {  	v4 =	vperm.xlane v3, v0;
	_ =	sdelay $0x1  }
0x2c8: {  	v4 =	vadd.s32 v1, v4;
	_ =	sdelay $0x4  }
0x2c9: {  	[hbm4b:s2+s3] =	stream.indirect_vreg.scatter [tilespmem:s15], [sflag:$0x1], $0x80, v4, vm0, $0xb8;
	[tilespmem:$0x11000] =	vst v63  }
0x2ca: {  	_ = 	snop  }
0x2cb: {  	[hbm4b:s5+s3] =	stream.indirect_vreg.scatter [tilespmem:s30], [sflag:$0x1], $0x80, v4, vm0, $0xb8;
	[tilespmem:$0x11000] =	vst v63  }
0x2cc: {  	_ = 	snop  }
0x2cd: {  	[hbm4b:s6+s3] =	stream.indirect_vreg.scatter [tilespmem:s31], [sflag:$0x1], $0x80, v4, vm0, $0xb8;
	[tilespmem:$0x11000] =	vst v63  }
0x2ce: {  	_ = 	snop  }
0x2cf: {  	[hbm4b:s7+s3] =	stream.indirect_vreg.scatter [tilespmem:s0], [sflag:$0x1], $0x80, v4, vm0, $0xb8;
	[tilespmem:$0x11000] =	vst v63  }
0x2d0: {  	_ = 	snop  }
0x2d1: {  	[hbm4b:s8+s3] =	stream.indirect_vreg.scatter [tilespmem:s4], [sflag:$0x1], $0x80, v4, vm0, $0xb8;
	[tilespmem:$0x11000] =	vst v63  }
0x2d2: {  	v3 =	vperm.xlane v3, v2  }
0x2d3: {  	[hbm4b:s9+s3] =	stream.indirect_vreg.scatter [tilespmem:s12], [sflag:$0x1], $0x80, v4, vm0, $0xb8;
	[tilespmem:$0x11000] =	vst v63  }
0x2d4: {  	v3 =	vadd.s32 v1, v3  }
0x2d5: {  	[hbm4b:s10+s3] =	stream.indirect_vreg.scatter [tilespmem:s16], [sflag:$0x1], $0x80, v4, vm0, $0xb8;
	[tilespmem:$0x11000] =	vst v63  }
0x2d6: {  	_ = 	snop  }
0x2d7: {  	[hbm4b:s11+s3] =	stream.indirect_vreg.scatter [tilespmem:s17], [sflag:$0x1], $0x80, v4, vm0, $0xb8;
	[tilespmem:$0x11000] =	vst v63  }
0x2d8: {  	_ = 	snop  }
0x2d9: {  	[hbm4b:s2+s3] =	stream.indirect_vreg.scatter [tilespmem:s18], [sflag:$0x1], $0x80, v3, vm0, $0xb8;
	[tilespmem:$0x11000] =	vst v63  }
0x2da: {  	_ = 	snop  }
0x2db: {  	[hbm4b:s5+s3] =	stream.indirect_vreg.scatter [tilespmem:s19], [sflag:$0x1], $0x80, v3, vm0, $0xb8;
	[tilespmem:$0x11000] =	vst v63  }
0x2dc: {  	_ = 	snop  }
0x2dd: {  	[hbm4b:s6+s3] =	stream.indirect_vreg.scatter [tilespmem:s20], [sflag:$0x1], $0x80, v3, vm0, $0xb8;
	[tilespmem:$0x11000] =	vst v63  }
0x2de: {  	_ = 	snop  }
0x2df: {  	[hbm4b:s7+s3] =	stream.indirect_vreg.scatter [tilespmem:s21], [sflag:$0x1], $0x80, v3, vm0, $0xb8;
	[tilespmem:$0x11000] =	vst v63  }
0x2e0: {  	_ = 	snop  }
0x2e1: {  	[hbm4b:s8+s3] =	stream.indirect_vreg.scatter [tilespmem:s22], [sflag:$0x1], $0x80, v3, vm0, $0xb8;
	[tilespmem:$0x11000] =	vst v63  }
0x2e2: {  	_ = 	snop  }
0x2e3: {  	[hbm4b:s9+s3] =	stream.indirect_vreg.scatter [tilespmem:s23], [sflag:$0x1], $0x80, v3, vm0, $0xb8;
	[tilespmem:$0x11000] =	vst v63  }
0x2e4: {  	_ = 	snop  }
0x2e5: {  	[hbm4b:s10+s3] =	stream.indirect_vreg.scatter [tilespmem:s24], [sflag:$0x1], $0x80, v3, vm0, $0xb8;
	[tilespmem:$0x11000] =	vst v63  }
0x2e6: {  	_ = 	snop  }
0x2e7: {  	[hbm4b:s11+s3] =	stream.indirect_vreg.scatter [tilespmem:s25], [sflag:$0x1], $0x80, v3, vm0, $0xb8;
	[tilespmem:$0x11000] =	vst v63  }
0x2e8: {  	_ =	swait.ge [sflag:s1], $0x8000  }
0x2e9: {  	[sflag:s1] =	ssyncset.done $0x0  }
0x2ea: {  	[sflag:s1] =	ssyncadd.s32 $0xFFFF8000  }
0x2eb: {  	v3 =	vld [tilespmem:$0x800];
	_ =	sdelay $0x4  }
0x2ec: {  	v48 =	vshll.u32 v3, $0x4  }
0x2ed: {  	v3 =	vand.u32 $0x7, v3;
	v4 =	vand.u32 $0xFFFFFF80, v48  }
0x2ee: {  	v3 =	vor.u32 v3, v4  }
0x2ef: {  	v4 =	vperm.xlane v3, v0;
	_ =	sdelay $0x1  }
0x2f0: {  	v4 =	vadd.s32 v1, v4;
	_ =	sdelay $0x4  }
0x2f1: {  	[hbm4b:s2+s3] =	stream.indirect_vreg.scatter [tilespmem:s14], [sflag:$0x1], $0x80, v4, vm0, $0xb8;
	[tilespmem:$0x11000] =	vst v63  }
0x2f2: {  	s4 =	simm.s32 $0x9800  }
0x2f3: {  	[hbm4b:s5+s3] =	stream.indirect_vreg.scatter [tilespmem:s4], [sflag:$0x1], $0x80, v4, vm0, $0xb8;
	[tilespmem:$0x11000] =	vst v63  }
0x2f4: {  	s12 =	simm.s32 $0xA000  }
0x2f5: {  	[hbm4b:s6+s3] =	stream.indirect_vreg.scatter [tilespmem:s12], [sflag:$0x1], $0x80, v4, vm0, $0xb8;
	[tilespmem:$0x11000] =	vst v63  }
0x2f6: {  	s16 =	simm.s32 $0xA800  }
0x2f7: {  	[hbm4b:s7+s3] =	stream.indirect_vreg.scatter [tilespmem:s16], [sflag:$0x1], $0x80, v4, vm0, $0xb8;
	[tilespmem:$0x11000] =	vst v63  }
0x2f8: {  	s17 =	simm.s32 $0xB000  }
0x2f9: {  	[hbm4b:s8+s3] =	stream.indirect_vreg.scatter [tilespmem:s17], [sflag:$0x1], $0x80, v4, vm0, $0xb8;
	[tilespmem:$0x11000] =	vst v63  }
0x2fa: {  	s18 =	simm.s32 $0xB800;
	v3 =	vperm.xlane v3, v2  }
0x2fb: {  	[hbm4b:s9+s3] =	stream.indirect_vreg.scatter [tilespmem:s18], [sflag:$0x1], $0x80, v4, vm0, $0xb8;
	[tilespmem:$0x11000] =	vst v63  }
0x2fc: {  	s19 =	simm.s32 $0xC000;
	v3 =	vadd.s32 v1, v3  }
0x2fd: {  	[hbm4b:s10+s3] =	stream.indirect_vreg.scatter [tilespmem:s19], [sflag:$0x1], $0x80, v4, vm0, $0xb8;
	[tilespmem:$0x11000] =	vst v63  }
0x2fe: {  	s20 =	simm.s32 $0xC800  }
0x2ff: {  	[hbm4b:s11+s3] =	stream.indirect_vreg.scatter [tilespmem:s20], [sflag:$0x1], $0x80, v4, vm0, $0xb8;
	[tilespmem:$0x11000] =	vst v63  }
0x300: {  	s21 =	simm.s32 $0xD000  }
0x301: {  	[hbm4b:s2+s3] =	stream.indirect_vreg.scatter [tilespmem:s21], [sflag:$0x1], $0x80, v3, vm0, $0xb8;
	[tilespmem:$0x11000] =	vst v63  }
0x302: {  	s22 =	simm.s32 $0xD800  }
0x303: {  	[hbm4b:s5+s3] =	stream.indirect_vreg.scatter [tilespmem:s22], [sflag:$0x1], $0x80, v3, vm0, $0xb8;
	[tilespmem:$0x11000] =	vst v63  }
0x304: {  	s23 =	simm.s32 $0xE000  }
0x305: {  	[hbm4b:s6+s3] =	stream.indirect_vreg.scatter [tilespmem:s23], [sflag:$0x1], $0x80, v3, vm0, $0xb8;
	[tilespmem:$0x11000] =	vst v63  }
0x306: {  	s24 =	simm.s32 $0xE800  }
0x307: {  	[hbm4b:s7+s3] =	stream.indirect_vreg.scatter [tilespmem:s24], [sflag:$0x1], $0x80, v3, vm0, $0xb8;
	[tilespmem:$0x11000] =	vst v63  }
0x308: {  	s25 =	simm.s32 $0xF000  }
0x309: {  	[hbm4b:s8+s3] =	stream.indirect_vreg.scatter [tilespmem:s25], [sflag:$0x1], $0x80, v3, vm0, $0xb8;
	[tilespmem:$0x11000] =	vst v63  }
0x30a: {  	s30 =	simm.s32 $0xF800  }
0x30b: {  	[hbm4b:s9+s3] =	stream.indirect_vreg.scatter [tilespmem:s30], [sflag:$0x1], $0x80, v3, vm0, $0xb8;
	[tilespmem:$0x11000] =	vst v63  }
0x30c: {  	_ = 	snop  }
0x30d: {  	[hbm4b:s10+s3] =	stream.indirect_vreg.scatter [tilespmem:s26], [sflag:$0x1], $0x80, v3, vm0, $0xb8;
	[tilespmem:$0x11000] =	vst v63  }
0x30e: {  	_ = 	snop  }
0x30f: {  	[hbm4b:s11+s3] =	stream.indirect_vreg.scatter [tilespmem:s28], [sflag:$0x1], $0x80, v3, vm0, $0xb8;
	[tilespmem:$0x11000] =	vst v63  }
0x310: {  	_ =	swait.ge [sflag:s1], $0x8000  }
0x311: {  	[sflag:s1] =	ssyncset.done $0x0  }
0x312: {  	[sflag:s1] =	ssyncadd.s32 $0xFFFF8000  }
0x313: {  	v3 =	vld [tilespmem:$0x880];
	_ =	sdelay $0x4  }
0x314: {  	v49 =	vshll.u32 v3, $0x4  }
0x315: {  	v3 =	vand.u32 $0x7, v3;
	v4 =	vand.u32 $0xFFFFFF80, v49  }
0x316: {  	v3 =	vor.u32 v3, v4  }
0x317: {  	v4 =	vperm.xlane v3, v0;
	_ =	sdelay $0x1  }
0x318: {  	v4 =	vadd.s32 v1, v4;
	_ =	sdelay $0x4  }
0x319: {  	[hbm4b:s2+s3] =	stream.indirect_vreg.scatter [tilespmem:s14], [sflag:$0x1], $0x80, v4, vm0, $0xb8;
	[tilespmem:$0x11000] =	vst v63  }
0x31a: {  	_ = 	snop  }
0x31b: {  	[hbm4b:s5+s3] =	stream.indirect_vreg.scatter [tilespmem:s4], [sflag:$0x1], $0x80, v4, vm0, $0xb8;
	[tilespmem:$0x11000] =	vst v63  }
0x31c: {  	_ = 	snop  }
0x31d: {  	[hbm4b:s6+s3] =	stream.indirect_vreg.scatter [tilespmem:s12], [sflag:$0x1], $0x80, v4, vm0, $0xb8;
	[tilespmem:$0x11000] =	vst v63  }
0x31e: {  	_ = 	snop  }
0x31f: {  	[hbm4b:s7+s3] =	stream.indirect_vreg.scatter [tilespmem:s16], [sflag:$0x1], $0x80, v4, vm0, $0xb8;
	[tilespmem:$0x11000] =	vst v63  }
0x320: {  	_ = 	snop  }
0x321: {  	[hbm4b:s8+s3] =	stream.indirect_vreg.scatter [tilespmem:s17], [sflag:$0x1], $0x80, v4, vm0, $0xb8;
	[tilespmem:$0x11000] =	vst v63  }
0x322: {  	v3 =	vperm.xlane v3, v2  }
0x323: {  	[hbm4b:s9+s3] =	stream.indirect_vreg.scatter [tilespmem:s18], [sflag:$0x1], $0x80, v4, vm0, $0xb8;
	[tilespmem:$0x11000] =	vst v63  }
0x324: {  	v3 =	vadd.s32 v1, v3  }
0x325: {  	[hbm4b:s10+s3] =	stream.indirect_vreg.scatter [tilespmem:s19], [sflag:$0x1], $0x80, v4, vm0, $0xb8;
	[tilespmem:$0x11000] =	vst v63  }
0x326: {  	_ = 	snop  }
0x327: {  	[hbm4b:s11+s3] =	stream.indirect_vreg.scatter [tilespmem:s20], [sflag:$0x1], $0x80, v4, vm0, $0xb8;
	[tilespmem:$0x11000] =	vst v63  }
0x328: {  	_ = 	snop  }
0x329: {  	[hbm4b:s2+s3] =	stream.indirect_vreg.scatter [tilespmem:s21], [sflag:$0x1], $0x80, v3, vm0, $0xb8;
	[tilespmem:$0x11000] =	vst v63  }
0x32a: {  	_ = 	snop  }
0x32b: {  	[hbm4b:s5+s3] =	stream.indirect_vreg.scatter [tilespmem:s22], [sflag:$0x1], $0x80, v3, vm0, $0xb8;
	[tilespmem:$0x11000] =	vst v63  }
0x32c: {  	_ = 	snop  }
0x32d: {  	[hbm4b:s6+s3] =	stream.indirect_vreg.scatter [tilespmem:s23], [sflag:$0x1], $0x80, v3, vm0, $0xb8;
	[tilespmem:$0x11000] =	vst v63  }
0x32e: {  	_ = 	snop  }
0x32f: {  	[hbm4b:s7+s3] =	stream.indirect_vreg.scatter [tilespmem:s24], [sflag:$0x1], $0x80, v3, vm0, $0xb8;
	[tilespmem:$0x11000] =	vst v63  }
0x330: {  	_ = 	snop  }
0x331: {  	[hbm4b:s8+s3] =	stream.indirect_vreg.scatter [tilespmem:s25], [sflag:$0x1], $0x80, v3, vm0, $0xb8;
	[tilespmem:$0x11000] =	vst v63  }
0x332: {  	_ = 	snop  }
0x333: {  	[hbm4b:s9+s3] =	stream.indirect_vreg.scatter [tilespmem:s30], [sflag:$0x1], $0x80, v3, vm0, $0xb8;
	[tilespmem:$0x11000] =	vst v63  }
0x334: {  	_ = 	snop  }
0x335: {  	[hbm4b:s10+s3] =	stream.indirect_vreg.scatter [tilespmem:s26], [sflag:$0x1], $0x80, v3, vm0, $0xb8;
	[tilespmem:$0x11000] =	vst v63  }
0x336: {  	_ = 	snop  }
0x337: {  	[hbm4b:s11+s3] =	stream.indirect_vreg.scatter [tilespmem:s28], [sflag:$0x1], $0x80, v3, vm0, $0xb8;
	[tilespmem:$0x11000] =	vst v63  }
0x338: {  	_ =	swait.ge [sflag:s1], $0x8000  }
0x339: {  	[sflag:s1] =	ssyncset.done $0x0  }
0x33a: {  	[sflag:s1] =	ssyncadd.s32 $0xFFFF8000  }
0x33b: {  	v3 =	vld [tilespmem:$0x900];
	_ =	sdelay $0x4  }
0x33c: {  	v50 =	vshll.u32 v3, $0x4  }
0x33d: {  	v3 =	vand.u32 $0x7, v3;
	v4 =	vand.u32 $0xFFFFFF80, v50  }
0x33e: {  	v3 =	vor.u32 v3, v4  }
0x33f: {  	v4 =	vperm.xlane v3, v0;
	_ =	sdelay $0x1  }
0x340: {  	v4 =	vadd.s32 v1, v4;
	_ =	sdelay $0x4  }
0x341: {  	[hbm4b:s2+s3] =	stream.indirect_vreg.scatter [tilespmem:s14], [sflag:$0x1], $0x80, v4, vm0, $0xb8;
	[tilespmem:$0x11000] =	vst v63  }
0x342: {  	_ = 	snop  }
0x343: {  	[hbm4b:s5+s3] =	stream.indirect_vreg.scatter [tilespmem:s4], [sflag:$0x1], $0x80, v4, vm0, $0xb8;
	[tilespmem:$0x11000] =	vst v63  }
0x344: {  	_ = 	snop  }
0x345: {  	[hbm4b:s6+s3] =	stream.indirect_vreg.scatter [tilespmem:s12], [sflag:$0x1], $0x80, v4, vm0, $0xb8;
	[tilespmem:$0x11000] =	vst v63  }
0x346: {  	_ = 	snop  }
0x347: {  	[hbm4b:s7+s3] =	stream.indirect_vreg.scatter [tilespmem:s16], [sflag:$0x1], $0x80, v4, vm0, $0xb8;
	[tilespmem:$0x11000] =	vst v63  }
0x348: {  	_ = 	snop  }
0x349: {  	[hbm4b:s8+s3] =	stream.indirect_vreg.scatter [tilespmem:s17], [sflag:$0x1], $0x80, v4, vm0, $0xb8;
	[tilespmem:$0x11000] =	vst v63  }
0x34a: {  	v3 =	vperm.xlane v3, v2  }
0x34b: {  	[hbm4b:s9+s3] =	stream.indirect_vreg.scatter [tilespmem:s18], [sflag:$0x1], $0x80, v4, vm0, $0xb8;
	[tilespmem:$0x11000] =	vst v63  }
0x34c: {  	v3 =	vadd.s32 v1, v3  }
0x34d: {  	[hbm4b:s10+s3] =	stream.indirect_vreg.scatter [tilespmem:s19], [sflag:$0x1], $0x80, v4, vm0, $0xb8;
	[tilespmem:$0x11000] =	vst v63  }
0x34e: {  	_ = 	snop  }
0x34f: {  	[hbm4b:s11+s3] =	stream.indirect_vreg.scatter [tilespmem:s20], [sflag:$0x1], $0x80, v4, vm0, $0xb8;
	[tilespmem:$0x11000] =	vst v63  }
0x350: {  	_ = 	snop  }
0x351: {  	[hbm4b:s2+s3] =	stream.indirect_vreg.scatter [tilespmem:s21], [sflag:$0x1], $0x80, v3, vm0, $0xb8;
	[tilespmem:$0x11000] =	vst v63  }
0x352: {  	_ = 	snop  }
0x353: {  	[hbm4b:s5+s3] =	stream.indirect_vreg.scatter [tilespmem:s22], [sflag:$0x1], $0x80, v3, vm0, $0xb8;
	[tilespmem:$0x11000] =	vst v63  }
0x354: {  	_ = 	snop  }
0x355: {  	[hbm4b:s6+s3] =	stream.indirect_vreg.scatter [tilespmem:s23], [sflag:$0x1], $0x80, v3, vm0, $0xb8;
	[tilespmem:$0x11000] =	vst v63  }
0x356: {  	_ = 	snop  }
0x357: {  	[hbm4b:s7+s3] =	stream.indirect_vreg.scatter [tilespmem:s24], [sflag:$0x1], $0x80, v3, vm0, $0xb8;
	[tilespmem:$0x11000] =	vst v63  }
0x358: {  	_ = 	snop  }
0x359: {  	[hbm4b:s8+s3] =	stream.indirect_vreg.scatter [tilespmem:s25], [sflag:$0x1], $0x80, v3, vm0, $0xb8;
	[tilespmem:$0x11000] =	vst v63  }
0x35a: {  	_ = 	snop  }
0x35b: {  	[hbm4b:s9+s3] =	stream.indirect_vreg.scatter [tilespmem:s30], [sflag:$0x1], $0x80, v3, vm0, $0xb8;
	[tilespmem:$0x11000] =	vst v63  }
0x35c: {  	_ = 	snop  }
0x35d: {  	[hbm4b:s10+s3] =	stream.indirect_vreg.scatter [tilespmem:s26], [sflag:$0x1], $0x80, v3, vm0, $0xb8;
	[tilespmem:$0x11000] =	vst v63  }
0x35e: {  	_ = 	snop  }
0x35f: {  	[hbm4b:s11+s3] =	stream.indirect_vreg.scatter [tilespmem:s28], [sflag:$0x1], $0x80, v3, vm0, $0xb8;
	[tilespmem:$0x11000] =	vst v63  }
0x360: {  	_ =	swait.ge [sflag:s1], $0x8000  }
0x361: {  	[sflag:s1] =	ssyncset.done $0x0  }
0x362: {  	[sflag:s1] =	ssyncadd.s32 $0xFFFF8000  }
0x363: {  	v3 =	vld [tilespmem:$0x980];
	_ =	sdelay $0x4  }
0x364: {  	v51 =	vshll.u32 v3, $0x4  }
0x365: {  	v3 =	vand.u32 $0x7, v3;
	v4 =	vand.u32 $0xFFFFFF80, v51  }
0x366: {  	v3 =	vor.u32 v3, v4  }
0x367: {  	v4 =	vperm.xlane v3, v0;
	_ =	sdelay $0x1  }
0x368: {  	v4 =	vadd.s32 v1, v4;
	_ =	sdelay $0x4  }
0x369: {  	[hbm4b:s2+s3] =	stream.indirect_vreg.scatter [tilespmem:s14], [sflag:$0x1], $0x80, v4, vm0, $0xb8;
	[tilespmem:$0x11000] =	vst v63  }
0x36a: {  	_ = 	snop  }
0x36b: {  	[hbm4b:s5+s3] =	stream.indirect_vreg.scatter [tilespmem:s4], [sflag:$0x1], $0x80, v4, vm0, $0xb8;
	[tilespmem:$0x11000] =	vst v63  }
0x36c: {  	_ = 	snop  }
0x36d: {  	[hbm4b:s6+s3] =	stream.indirect_vreg.scatter [tilespmem:s12], [sflag:$0x1], $0x80, v4, vm0, $0xb8;
	[tilespmem:$0x11000] =	vst v63  }
0x36e: {  	_ = 	snop  }
0x36f: {  	[hbm4b:s7+s3] =	stream.indirect_vreg.scatter [tilespmem:s16], [sflag:$0x1], $0x80, v4, vm0, $0xb8;
	[tilespmem:$0x11000] =	vst v63  }
0x370: {  	_ = 	snop  }
0x371: {  	[hbm4b:s8+s3] =	stream.indirect_vreg.scatter [tilespmem:s17], [sflag:$0x1], $0x80, v4, vm0, $0xb8;
	[tilespmem:$0x11000] =	vst v63  }
0x372: {  	v3 =	vperm.xlane v3, v2  }
0x373: {  	[hbm4b:s9+s3] =	stream.indirect_vreg.scatter [tilespmem:s18], [sflag:$0x1], $0x80, v4, vm0, $0xb8;
	[tilespmem:$0x11000] =	vst v63  }
0x374: {  	v3 =	vadd.s32 v1, v3  }
0x375: {  	[hbm4b:s10+s3] =	stream.indirect_vreg.scatter [tilespmem:s19], [sflag:$0x1], $0x80, v4, vm0, $0xb8;
	[tilespmem:$0x11000] =	vst v63  }
0x376: {  	_ = 	snop  }
0x377: {  	[hbm4b:s11+s3] =	stream.indirect_vreg.scatter [tilespmem:s20], [sflag:$0x1], $0x80, v4, vm0, $0xb8;
	[tilespmem:$0x11000] =	vst v63  }
0x378: {  	_ = 	snop  }
0x379: {  	[hbm4b:s2+s3] =	stream.indirect_vreg.scatter [tilespmem:s21], [sflag:$0x1], $0x80, v3, vm0, $0xb8;
	[tilespmem:$0x11000] =	vst v63  }
0x37a: {  	_ = 	snop  }
0x37b: {  	[hbm4b:s5+s3] =	stream.indirect_vreg.scatter [tilespmem:s22], [sflag:$0x1], $0x80, v3, vm0, $0xb8;
	[tilespmem:$0x11000] =	vst v63  }
0x37c: {  	_ = 	snop  }
0x37d: {  	[hbm4b:s6+s3] =	stream.indirect_vreg.scatter [tilespmem:s23], [sflag:$0x1], $0x80, v3, vm0, $0xb8;
	[tilespmem:$0x11000] =	vst v63  }
0x37e: {  	_ = 	snop  }
0x37f: {  	[hbm4b:s7+s3] =	stream.indirect_vreg.scatter [tilespmem:s24], [sflag:$0x1], $0x80, v3, vm0, $0xb8;
	[tilespmem:$0x11000] =	vst v63  }
0x380: {  	_ = 	snop  }
0x381: {  	[hbm4b:s8+s3] =	stream.indirect_vreg.scatter [tilespmem:s25], [sflag:$0x1], $0x80, v3, vm0, $0xb8;
	[tilespmem:$0x11000] =	vst v63  }
0x382: {  	_ = 	snop  }
0x383: {  	[hbm4b:s9+s3] =	stream.indirect_vreg.scatter [tilespmem:s30], [sflag:$0x1], $0x80, v3, vm0, $0xb8;
	[tilespmem:$0x11000] =	vst v63  }
0x384: {  	_ = 	snop  }
0x385: {  	[hbm4b:s10+s3] =	stream.indirect_vreg.scatter [tilespmem:s26], [sflag:$0x1], $0x80, v3, vm0, $0xb8;
	[tilespmem:$0x11000] =	vst v63  }
0x386: {  	_ = 	snop  }
0x387: {  	[hbm4b:s11+s3] =	stream.indirect_vreg.scatter [tilespmem:s28], [sflag:$0x1], $0x80, v3, vm0, $0xb8;
	[tilespmem:$0x11000] =	vst v63  }
0x388: {  	_ =	swait.ge [sflag:s1], $0x8000  }
0x389: {  	[sflag:s1] =	ssyncset.done $0x0  }
0x38a: {  	[sflag:s1] =	ssyncadd.s32 $0xFFFF8000  }
0x38b: {  	v3 =	vld [tilespmem:$0xA00];
	_ =	sdelay $0x4  }
0x38c: {  	v52 =	vshll.u32 v3, $0x4  }
0x38d: {  	v3 =	vand.u32 $0x7, v3;
	v4 =	vand.u32 $0xFFFFFF80, v52  }
0x38e: {  	v3 =	vor.u32 v3, v4  }
0x38f: {  	v4 =	vperm.xlane v3, v0;
	_ =	sdelay $0x1  }
0x390: {  	v4 =	vadd.s32 v1, v4;
	_ =	sdelay $0x4  }
0x391: {  	[hbm4b:s2+s3] =	stream.indirect_vreg.scatter [tilespmem:s14], [sflag:$0x1], $0x80, v4, vm0, $0xb8;
	[tilespmem:$0x11000] =	vst v63  }
0x392: {  	_ = 	snop  }
0x393: {  	[hbm4b:s5+s3] =	stream.indirect_vreg.scatter [tilespmem:s4], [sflag:$0x1], $0x80, v4, vm0, $0xb8;
	[tilespmem:$0x11000] =	vst v63  }
0x394: {  	_ = 	snop  }
0x395: {  	[hbm4b:s6+s3] =	stream.indirect_vreg.scatter [tilespmem:s12], [sflag:$0x1], $0x80, v4, vm0, $0xb8;
	[tilespmem:$0x11000] =	vst v63  }
0x396: {  	_ = 	snop  }
0x397: {  	[hbm4b:s7+s3] =	stream.indirect_vreg.scatter [tilespmem:s16], [sflag:$0x1], $0x80, v4, vm0, $0xb8;
	[tilespmem:$0x11000] =	vst v63  }
0x398: {  	_ = 	snop  }
0x399: {  	[hbm4b:s8+s3] =	stream.indirect_vreg.scatter [tilespmem:s17], [sflag:$0x1], $0x80, v4, vm0, $0xb8;
	[tilespmem:$0x11000] =	vst v63  }
0x39a: {  	v3 =	vperm.xlane v3, v2  }
0x39b: {  	[hbm4b:s9+s3] =	stream.indirect_vreg.scatter [tilespmem:s18], [sflag:$0x1], $0x80, v4, vm0, $0xb8;
	[tilespmem:$0x11000] =	vst v63  }
0x39c: {  	v3 =	vadd.s32 v1, v3  }
0x39d: {  	[hbm4b:s10+s3] =	stream.indirect_vreg.scatter [tilespmem:s19], [sflag:$0x1], $0x80, v4, vm0, $0xb8;
	[tilespmem:$0x11000] =	vst v63  }
0x39e: {  	_ = 	snop  }
0x39f: {  	[hbm4b:s11+s3] =	stream.indirect_vreg.scatter [tilespmem:s20], [sflag:$0x1], $0x80, v4, vm0, $0xb8;
	[tilespmem:$0x11000] =	vst v63  }
0x3a0: {  	_ = 	snop  }
0x3a1: {  	[hbm4b:s2+s3] =	stream.indirect_vreg.scatter [tilespmem:s21], [sflag:$0x1], $0x80, v3, vm0, $0xb8;
	[tilespmem:$0x11000] =	vst v63  }
0x3a2: {  	_ = 	snop  }
0x3a3: {  	[hbm4b:s5+s3] =	stream.indirect_vreg.scatter [tilespmem:s22], [sflag:$0x1], $0x80, v3, vm0, $0xb8;
	[tilespmem:$0x11000] =	vst v63  }
0x3a4: {  	_ = 	snop  }
0x3a5: {  	[hbm4b:s6+s3] =	stream.indirect_vreg.scatter [tilespmem:s23], [sflag:$0x1], $0x80, v3, vm0, $0xb8;
	[tilespmem:$0x11000] =	vst v63  }
0x3a6: {  	_ = 	snop  }
0x3a7: {  	[hbm4b:s7+s3] =	stream.indirect_vreg.scatter [tilespmem:s24], [sflag:$0x1], $0x80, v3, vm0, $0xb8;
	[tilespmem:$0x11000] =	vst v63  }
0x3a8: {  	_ = 	snop  }
0x3a9: {  	[hbm4b:s8+s3] =	stream.indirect_vreg.scatter [tilespmem:s25], [sflag:$0x1], $0x80, v3, vm0, $0xb8;
	[tilespmem:$0x11000] =	vst v63  }
0x3aa: {  	_ = 	snop  }
0x3ab: {  	[hbm4b:s9+s3] =	stream.indirect_vreg.scatter [tilespmem:s30], [sflag:$0x1], $0x80, v3, vm0, $0xb8;
	[tilespmem:$0x11000] =	vst v63  }
0x3ac: {  	_ = 	snop  }
0x3ad: {  	[hbm4b:s10+s3] =	stream.indirect_vreg.scatter [tilespmem:s26], [sflag:$0x1], $0x80, v3, vm0, $0xb8;
	[tilespmem:$0x11000] =	vst v63  }
0x3ae: {  	_ = 	snop  }
0x3af: {  	[hbm4b:s11+s3] =	stream.indirect_vreg.scatter [tilespmem:s28], [sflag:$0x1], $0x80, v3, vm0, $0xb8;
	[tilespmem:$0x11000] =	vst v63  }
0x3b0: {  	_ =	swait.ge [sflag:s1], $0x8000  }
0x3b1: {  	[sflag:s1] =	ssyncset.done $0x0  }
0x3b2: {  	[sflag:s1] =	ssyncadd.s32 $0xFFFF8000  }
0x3b3: {  	v3 =	vld [tilespmem:$0xA80];
	_ =	sdelay $0x4  }
0x3b4: {  	v53 =	vshll.u32 v3, $0x4  }
0x3b5: {  	v3 =	vand.u32 $0x7, v3;
	v4 =	vand.u32 $0xFFFFFF80, v53  }
0x3b6: {  	v3 =	vor.u32 v3, v4  }
0x3b7: {  	v4 =	vperm.xlane v3, v0;
	_ =	sdelay $0x1  }
0x3b8: {  	v4 =	vadd.s32 v1, v4;
	_ =	sdelay $0x4  }
0x3b9: {  	[hbm4b:s2+s3] =	stream.indirect_vreg.scatter [tilespmem:s14], [sflag:$0x1], $0x80, v4, vm0, $0xb8;
	[tilespmem:$0x11000] =	vst v63  }
0x3ba: {  	_ = 	snop  }
0x3bb: {  	[hbm4b:s5+s3] =	stream.indirect_vreg.scatter [tilespmem:s4], [sflag:$0x1], $0x80, v4, vm0, $0xb8;
	[tilespmem:$0x11000] =	vst v63  }
0x3bc: {  	_ = 	snop  }
0x3bd: {  	[hbm4b:s6+s3] =	stream.indirect_vreg.scatter [tilespmem:s12], [sflag:$0x1], $0x80, v4, vm0, $0xb8;
	[tilespmem:$0x11000] =	vst v63  }
0x3be: {  	_ = 	snop  }
0x3bf: {  	[hbm4b:s7+s3] =	stream.indirect_vreg.scatter [tilespmem:s16], [sflag:$0x1], $0x80, v4, vm0, $0xb8;
	[tilespmem:$0x11000] =	vst v63  }
0x3c0: {  	_ = 	snop  }
0x3c1: {  	[hbm4b:s8+s3] =	stream.indirect_vreg.scatter [tilespmem:s17], [sflag:$0x1], $0x80, v4, vm0, $0xb8;
	[tilespmem:$0x11000] =	vst v63  }
0x3c2: {  	v3 =	vperm.xlane v3, v2  }
0x3c3: {  	[hbm4b:s9+s3] =	stream.indirect_vreg.scatter [tilespmem:s18], [sflag:$0x1], $0x80, v4, vm0, $0xb8;
	[tilespmem:$0x11000] =	vst v63  }
0x3c4: {  	v3 =	vadd.s32 v1, v3  }
0x3c5: {  	[hbm4b:s10+s3] =	stream.indirect_vreg.scatter [tilespmem:s19], [sflag:$0x1], $0x80, v4, vm0, $0xb8;
	[tilespmem:$0x11000] =	vst v63  }
0x3c6: {  	_ = 	snop  }
0x3c7: {  	[hbm4b:s11+s3] =	stream.indirect_vreg.scatter [tilespmem:s20], [sflag:$0x1], $0x80, v4, vm0, $0xb8;
	[tilespmem:$0x11000] =	vst v63  }
0x3c8: {  	_ = 	snop  }
0x3c9: {  	[hbm4b:s2+s3] =	stream.indirect_vreg.scatter [tilespmem:s21], [sflag:$0x1], $0x80, v3, vm0, $0xb8;
	[tilespmem:$0x11000] =	vst v63  }
0x3ca: {  	_ = 	snop  }
0x3cb: {  	[hbm4b:s5+s3] =	stream.indirect_vreg.scatter [tilespmem:s22], [sflag:$0x1], $0x80, v3, vm0, $0xb8;
	[tilespmem:$0x11000] =	vst v63  }
0x3cc: {  	_ = 	snop  }
0x3cd: {  	[hbm4b:s6+s3] =	stream.indirect_vreg.scatter [tilespmem:s23], [sflag:$0x1], $0x80, v3, vm0, $0xb8;
	[tilespmem:$0x11000] =	vst v63  }
0x3ce: {  	_ = 	snop  }
0x3cf: {  	[hbm4b:s7+s3] =	stream.indirect_vreg.scatter [tilespmem:s24], [sflag:$0x1], $0x80, v3, vm0, $0xb8;
	[tilespmem:$0x11000] =	vst v63  }
0x3d0: {  	_ = 	snop  }
0x3d1: {  	[hbm4b:s8+s3] =	stream.indirect_vreg.scatter [tilespmem:s25], [sflag:$0x1], $0x80, v3, vm0, $0xb8;
	[tilespmem:$0x11000] =	vst v63  }
0x3d2: {  	_ = 	snop  }
0x3d3: {  	[hbm4b:s9+s3] =	stream.indirect_vreg.scatter [tilespmem:s30], [sflag:$0x1], $0x80, v3, vm0, $0xb8;
	[tilespmem:$0x11000] =	vst v63  }
0x3d4: {  	_ = 	snop  }
0x3d5: {  	[hbm4b:s10+s3] =	stream.indirect_vreg.scatter [tilespmem:s26], [sflag:$0x1], $0x80, v3, vm0, $0xb8;
	[tilespmem:$0x11000] =	vst v63  }
0x3d6: {  	_ = 	snop  }
0x3d7: {  	[hbm4b:s11+s3] =	stream.indirect_vreg.scatter [tilespmem:s28], [sflag:$0x1], $0x80, v3, vm0, $0xb8;
	[tilespmem:$0x11000] =	vst v63  }
0x3d8: {  	_ =	swait.ge [sflag:s1], $0x8000  }
0x3d9: {  	[sflag:s1] =	ssyncset.done $0x0  }
0x3da: {  	[sflag:s1] =	ssyncadd.s32 $0xFFFF8000  }
0x3db: {  	v3 =	vld [tilespmem:$0xB00];
	_ =	sdelay $0x4  }
0x3dc: {  	v54 =	vshll.u32 v3, $0x4  }
0x3dd: {  	v3 =	vand.u32 $0x7, v3;
	v4 =	vand.u32 $0xFFFFFF80, v54  }
0x3de: {  	v3 =	vor.u32 v3, v4  }
0x3df: {  	v4 =	vperm.xlane v3, v0;
	_ =	sdelay $0x1  }
0x3e0: {  	v4 =	vadd.s32 v1, v4;
	_ =	sdelay $0x4  }
0x3e1: {  	[hbm4b:s2+s3] =	stream.indirect_vreg.scatter [tilespmem:s14], [sflag:$0x1], $0x80, v4, vm0, $0xb8;
	[tilespmem:$0x11000] =	vst v63  }
0x3e2: {  	_ = 	snop  }
0x3e3: {  	[hbm4b:s5+s3] =	stream.indirect_vreg.scatter [tilespmem:s4], [sflag:$0x1], $0x80, v4, vm0, $0xb8;
	[tilespmem:$0x11000] =	vst v63  }
0x3e4: {  	_ = 	snop  }
0x3e5: {  	[hbm4b:s6+s3] =	stream.indirect_vreg.scatter [tilespmem:s12], [sflag:$0x1], $0x80, v4, vm0, $0xb8;
	[tilespmem:$0x11000] =	vst v63  }
0x3e6: {  	_ = 	snop  }
0x3e7: {  	[hbm4b:s7+s3] =	stream.indirect_vreg.scatter [tilespmem:s16], [sflag:$0x1], $0x80, v4, vm0, $0xb8;
	[tilespmem:$0x11000] =	vst v63  }
0x3e8: {  	_ = 	snop  }
0x3e9: {  	[hbm4b:s8+s3] =	stream.indirect_vreg.scatter [tilespmem:s17], [sflag:$0x1], $0x80, v4, vm0, $0xb8;
	[tilespmem:$0x11000] =	vst v63  }
0x3ea: {  	v3 =	vperm.xlane v3, v2  }
0x3eb: {  	[hbm4b:s9+s3] =	stream.indirect_vreg.scatter [tilespmem:s18], [sflag:$0x1], $0x80, v4, vm0, $0xb8;
	[tilespmem:$0x11000] =	vst v63  }
0x3ec: {  	v3 =	vadd.s32 v1, v3  }
0x3ed: {  	[hbm4b:s10+s3] =	stream.indirect_vreg.scatter [tilespmem:s19], [sflag:$0x1], $0x80, v4, vm0, $0xb8;
	[tilespmem:$0x11000] =	vst v63  }
0x3ee: {  	_ = 	snop  }
0x3ef: {  	[hbm4b:s11+s3] =	stream.indirect_vreg.scatter [tilespmem:s20], [sflag:$0x1], $0x80, v4, vm0, $0xb8;
	[tilespmem:$0x11000] =	vst v63  }
0x3f0: {  	_ = 	snop  }
0x3f1: {  	[hbm4b:s2+s3] =	stream.indirect_vreg.scatter [tilespmem:s21], [sflag:$0x1], $0x80, v3, vm0, $0xb8;
	[tilespmem:$0x11000] =	vst v63  }
0x3f2: {  	_ = 	snop  }
0x3f3: {  	[hbm4b:s5+s3] =	stream.indirect_vreg.scatter [tilespmem:s22], [sflag:$0x1], $0x80, v3, vm0, $0xb8;
	[tilespmem:$0x11000] =	vst v63  }
0x3f4: {  	_ = 	snop  }
0x3f5: {  	[hbm4b:s6+s3] =	stream.indirect_vreg.scatter [tilespmem:s23], [sflag:$0x1], $0x80, v3, vm0, $0xb8;
	[tilespmem:$0x11000] =	vst v63  }
0x3f6: {  	_ = 	snop  }
0x3f7: {  	[hbm4b:s7+s3] =	stream.indirect_vreg.scatter [tilespmem:s24], [sflag:$0x1], $0x80, v3, vm0, $0xb8;
	[tilespmem:$0x11000] =	vst v63  }
0x3f8: {  	_ = 	snop  }
0x3f9: {  	[hbm4b:s8+s3] =	stream.indirect_vreg.scatter [tilespmem:s25], [sflag:$0x1], $0x80, v3, vm0, $0xb8;
	[tilespmem:$0x11000] =	vst v63  }
0x3fa: {  	_ = 	snop  }
0x3fb: {  	[hbm4b:s9+s3] =	stream.indirect_vreg.scatter [tilespmem:s30], [sflag:$0x1], $0x80, v3, vm0, $0xb8;
	[tilespmem:$0x11000] =	vst v63  }
0x3fc: {  	_ = 	snop  }
0x3fd: {  	[hbm4b:s10+s3] =	stream.indirect_vreg.scatter [tilespmem:s26], [sflag:$0x1], $0x80, v3, vm0, $0xb8;
	[tilespmem:$0x11000] =	vst v63  }
0x3fe: {  	_ = 	snop  }
0x3ff: {  	[hbm4b:s11+s3] =	stream.indirect_vreg.scatter [tilespmem:s28], [sflag:$0x1], $0x80, v3, vm0, $0xb8;
	[tilespmem:$0x11000] =	vst v63  }
0x400: {  	_ =	swait.ge [sflag:s1], $0x8000  }
0x401: {  	[sflag:s1] =	ssyncset.done $0x0  }
0x402: {  	[sflag:s1] =	ssyncadd.s32 $0xFFFF8000  }
0x403: {  	v3 =	vld [tilespmem:$0xB80];
	_ =	sdelay $0x4  }
0x404: {  	v55 =	vshll.u32 v3, $0x4  }
0x405: {  	v3 =	vand.u32 $0x7, v3;
	v4 =	vand.u32 $0xFFFFFF80, v55  }
0x406: {  	v3 =	vor.u32 v3, v4  }
0x407: {  	v4 =	vperm.xlane v3, v0;
	_ =	sdelay $0x1  }
0x408: {  	v4 =	vadd.s32 v1, v4;
	_ =	sdelay $0x4  }
0x409: {  	[hbm4b:s2+s3] =	stream.indirect_vreg.scatter [tilespmem:s14], [sflag:$0x1], $0x80, v4, vm0, $0xb8;
	[tilespmem:$0x11000] =	vst v63  }
0x40a: {  	_ = 	snop  }
0x40b: {  	[hbm4b:s5+s3] =	stream.indirect_vreg.scatter [tilespmem:s4], [sflag:$0x1], $0x80, v4, vm0, $0xb8;
	[tilespmem:$0x11000] =	vst v63  }
0x40c: {  	_ = 	snop  }
0x40d: {  	[hbm4b:s6+s3] =	stream.indirect_vreg.scatter [tilespmem:s12], [sflag:$0x1], $0x80, v4, vm0, $0xb8;
	[tilespmem:$0x11000] =	vst v63  }
0x40e: {  	_ = 	snop  }
0x40f: {  	[hbm4b:s7+s3] =	stream.indirect_vreg.scatter [tilespmem:s16], [sflag:$0x1], $0x80, v4, vm0, $0xb8;
	[tilespmem:$0x11000] =	vst v63  }
0x410: {  	_ = 	snop  }
0x411: {  	[hbm4b:s8+s3] =	stream.indirect_vreg.scatter [tilespmem:s17], [sflag:$0x1], $0x80, v4, vm0, $0xb8;
	[tilespmem:$0x11000] =	vst v63  }
0x412: {  	v3 =	vperm.xlane v3, v2  }
0x413: {  	[hbm4b:s9+s3] =	stream.indirect_vreg.scatter [tilespmem:s18], [sflag:$0x1], $0x80, v4, vm0, $0xb8;
	[tilespmem:$0x11000] =	vst v63  }
0x414: {  	v3 =	vadd.s32 v1, v3  }
0x415: {  	[hbm4b:s10+s3] =	stream.indirect_vreg.scatter [tilespmem:s19], [sflag:$0x1], $0x80, v4, vm0, $0xb8;
	[tilespmem:$0x11000] =	vst v63  }
0x416: {  	_ = 	snop  }
0x417: {  	[hbm4b:s11+s3] =	stream.indirect_vreg.scatter [tilespmem:s20], [sflag:$0x1], $0x80, v4, vm0, $0xb8;
	[tilespmem:$0x11000] =	vst v63  }
0x418: {  	_ = 	snop  }
0x419: {  	[hbm4b:s2+s3] =	stream.indirect_vreg.scatter [tilespmem:s21], [sflag:$0x1], $0x80, v3, vm0, $0xb8;
	[tilespmem:$0x11000] =	vst v63  }
0x41a: {  	_ = 	snop  }
0x41b: {  	[hbm4b:s5+s3] =	stream.indirect_vreg.scatter [tilespmem:s22], [sflag:$0x1], $0x80, v3, vm0, $0xb8;
	[tilespmem:$0x11000] =	vst v63  }
0x41c: {  	_ = 	snop  }
0x41d: {  	[hbm4b:s6+s3] =	stream.indirect_vreg.scatter [tilespmem:s23], [sflag:$0x1], $0x80, v3, vm0, $0xb8;
	[tilespmem:$0x11000] =	vst v63  }
0x41e: {  	_ = 	snop  }
0x41f: {  	[hbm4b:s7+s3] =	stream.indirect_vreg.scatter [tilespmem:s24], [sflag:$0x1], $0x80, v3, vm0, $0xb8;
	[tilespmem:$0x11000] =	vst v63  }
0x420: {  	_ = 	snop  }
0x421: {  	[hbm4b:s8+s3] =	stream.indirect_vreg.scatter [tilespmem:s25], [sflag:$0x1], $0x80, v3, vm0, $0xb8;
	[tilespmem:$0x11000] =	vst v63  }
0x422: {  	_ = 	snop  }
0x423: {  	[hbm4b:s9+s3] =	stream.indirect_vreg.scatter [tilespmem:s30], [sflag:$0x1], $0x80, v3, vm0, $0xb8;
	[tilespmem:$0x11000] =	vst v63  }
0x424: {  	_ = 	snop  }
0x425: {  	[hbm4b:s10+s3] =	stream.indirect_vreg.scatter [tilespmem:s26], [sflag:$0x1], $0x80, v3, vm0, $0xb8;
	[tilespmem:$0x11000] =	vst v63  }
0x426: {  	_ = 	snop  }
0x427: {  	[hbm4b:s11+s3] =	stream.indirect_vreg.scatter [tilespmem:s28], [sflag:$0x1], $0x80, v3, vm0, $0xb8;
	[tilespmem:$0x11000] =	vst v63  }
0x428: {  	_ =	swait.ge [sflag:s1], $0x8000  }
0x429: {  	[sflag:s1] =	ssyncset.done $0x0  }
0x42a: {  	[sflag:s1] =	ssyncadd.s32 $0xFFFF8000  }
0x42b: {  	v3 =	vld [tilespmem:$0xC00];
	_ =	sdelay $0x4  }
0x42c: {  	v56 =	vshll.u32 v3, $0x4  }
0x42d: {  	v3 =	vand.u32 $0x7, v3;
	v4 =	vand.u32 $0xFFFFFF80, v56  }
0x42e: {  	v3 =	vor.u32 v3, v4  }
0x42f: {  	v4 =	vperm.xlane v3, v0;
	_ =	sdelay $0x1  }
0x430: {  	v4 =	vadd.s32 v1, v4;
	_ =	sdelay $0x4  }
0x431: {  	[hbm4b:s2+s3] =	stream.indirect_vreg.scatter [tilespmem:s14], [sflag:$0x1], $0x80, v4, vm0, $0xb8;
	[tilespmem:$0x11000] =	vst v63  }
0x432: {  	_ = 	snop  }
0x433: {  	[hbm4b:s5+s3] =	stream.indirect_vreg.scatter [tilespmem:s4], [sflag:$0x1], $0x80, v4, vm0, $0xb8;
	[tilespmem:$0x11000] =	vst v63  }
0x434: {  	_ = 	snop  }
0x435: {  	[hbm4b:s6+s3] =	stream.indirect_vreg.scatter [tilespmem:s12], [sflag:$0x1], $0x80, v4, vm0, $0xb8;
	[tilespmem:$0x11000] =	vst v63  }
0x436: {  	_ = 	snop  }
0x437: {  	[hbm4b:s7+s3] =	stream.indirect_vreg.scatter [tilespmem:s16], [sflag:$0x1], $0x80, v4, vm0, $0xb8;
	[tilespmem:$0x11000] =	vst v63  }
0x438: {  	_ = 	snop  }
0x439: {  	[hbm4b:s8+s3] =	stream.indirect_vreg.scatter [tilespmem:s17], [sflag:$0x1], $0x80, v4, vm0, $0xb8;
	[tilespmem:$0x11000] =	vst v63  }
0x43a: {  	v3 =	vperm.xlane v3, v2  }
0x43b: {  	[hbm4b:s9+s3] =	stream.indirect_vreg.scatter [tilespmem:s18], [sflag:$0x1], $0x80, v4, vm0, $0xb8;
	[tilespmem:$0x11000] =	vst v63  }
0x43c: {  	v3 =	vadd.s32 v1, v3  }
0x43d: {  	[hbm4b:s10+s3] =	stream.indirect_vreg.scatter [tilespmem:s19], [sflag:$0x1], $0x80, v4, vm0, $0xb8;
	[tilespmem:$0x11000] =	vst v63  }
0x43e: {  	_ = 	snop  }
0x43f: {  	[hbm4b:s11+s3] =	stream.indirect_vreg.scatter [tilespmem:s20], [sflag:$0x1], $0x80, v4, vm0, $0xb8;
	[tilespmem:$0x11000] =	vst v63  }
0x440: {  	_ = 	snop  }
0x441: {  	[hbm4b:s2+s3] =	stream.indirect_vreg.scatter [tilespmem:s21], [sflag:$0x1], $0x80, v3, vm0, $0xb8;
	[tilespmem:$0x11000] =	vst v63  }
0x442: {  	_ = 	snop  }
0x443: {  	[hbm4b:s5+s3] =	stream.indirect_vreg.scatter [tilespmem:s22], [sflag:$0x1], $0x80, v3, vm0, $0xb8;
	[tilespmem:$0x11000] =	vst v63  }
0x444: {  	_ = 	snop  }
0x445: {  	[hbm4b:s6+s3] =	stream.indirect_vreg.scatter [tilespmem:s23], [sflag:$0x1], $0x80, v3, vm0, $0xb8;
	[tilespmem:$0x11000] =	vst v63  }
0x446: {  	_ = 	snop  }
0x447: {  	[hbm4b:s7+s3] =	stream.indirect_vreg.scatter [tilespmem:s24], [sflag:$0x1], $0x80, v3, vm0, $0xb8;
	[tilespmem:$0x11000] =	vst v63  }
0x448: {  	_ = 	snop  }
0x449: {  	[hbm4b:s8+s3] =	stream.indirect_vreg.scatter [tilespmem:s25], [sflag:$0x1], $0x80, v3, vm0, $0xb8;
	[tilespmem:$0x11000] =	vst v63  }
0x44a: {  	_ = 	snop  }
0x44b: {  	[hbm4b:s9+s3] =	stream.indirect_vreg.scatter [tilespmem:s30], [sflag:$0x1], $0x80, v3, vm0, $0xb8;
	[tilespmem:$0x11000] =	vst v63  }
0x44c: {  	_ = 	snop  }
0x44d: {  	[hbm4b:s10+s3] =	stream.indirect_vreg.scatter [tilespmem:s26], [sflag:$0x1], $0x80, v3, vm0, $0xb8;
	[tilespmem:$0x11000] =	vst v63  }
0x44e: {  	_ = 	snop  }
0x44f: {  	[hbm4b:s11+s3] =	stream.indirect_vreg.scatter [tilespmem:s28], [sflag:$0x1], $0x80, v3, vm0, $0xb8;
	[tilespmem:$0x11000] =	vst v63  }
0x450: {  	_ =	swait.ge [sflag:s1], $0x8000  }
0x451: {  	[sflag:s1] =	ssyncset.done $0x0  }
0x452: {  	[sflag:s1] =	ssyncadd.s32 $0xFFFF8000  }
0x453: {  	v3 =	vld [tilespmem:$0xC80];
	_ =	sdelay $0x4  }
0x454: {  	v57 =	vshll.u32 v3, $0x4  }
0x455: {  	v3 =	vand.u32 $0x7, v3;
	v4 =	vand.u32 $0xFFFFFF80, v57  }
0x456: {  	v3 =	vor.u32 v3, v4  }
0x457: {  	v4 =	vperm.xlane v3, v0;
	_ =	sdelay $0x1  }
0x458: {  	v4 =	vadd.s32 v1, v4;
	_ =	sdelay $0x4  }
0x459: {  	[hbm4b:s2+s3] =	stream.indirect_vreg.scatter [tilespmem:s14], [sflag:$0x1], $0x80, v4, vm0, $0xb8;
	[tilespmem:$0x11000] =	vst v63  }
0x45a: {  	_ = 	snop  }
0x45b: {  	[hbm4b:s5+s3] =	stream.indirect_vreg.scatter [tilespmem:s4], [sflag:$0x1], $0x80, v4, vm0, $0xb8;
	[tilespmem:$0x11000] =	vst v63  }
0x45c: {  	_ = 	snop  }
0x45d: {  	[hbm4b:s6+s3] =	stream.indirect_vreg.scatter [tilespmem:s12], [sflag:$0x1], $0x80, v4, vm0, $0xb8;
	[tilespmem:$0x11000] =	vst v63  }
0x45e: {  	_ = 	snop  }
0x45f: {  	[hbm4b:s7+s3] =	stream.indirect_vreg.scatter [tilespmem:s16], [sflag:$0x1], $0x80, v4, vm0, $0xb8;
	[tilespmem:$0x11000] =	vst v63  }
0x460: {  	_ = 	snop  }
0x461: {  	[hbm4b:s8+s3] =	stream.indirect_vreg.scatter [tilespmem:s17], [sflag:$0x1], $0x80, v4, vm0, $0xb8;
	[tilespmem:$0x11000] =	vst v63  }
0x462: {  	v3 =	vperm.xlane v3, v2  }
0x463: {  	[hbm4b:s9+s3] =	stream.indirect_vreg.scatter [tilespmem:s18], [sflag:$0x1], $0x80, v4, vm0, $0xb8;
	[tilespmem:$0x11000] =	vst v63  }
0x464: {  	v3 =	vadd.s32 v1, v3  }
0x465: {  	[hbm4b:s10+s3] =	stream.indirect_vreg.scatter [tilespmem:s19], [sflag:$0x1], $0x80, v4, vm0, $0xb8;
	[tilespmem:$0x11000] =	vst v63  }
0x466: {  	_ = 	snop  }
0x467: {  	[hbm4b:s11+s3] =	stream.indirect_vreg.scatter [tilespmem:s20], [sflag:$0x1], $0x80, v4, vm0, $0xb8;
	[tilespmem:$0x11000] =	vst v63  }
0x468: {  	_ = 	snop  }
0x469: {  	[hbm4b:s2+s3] =	stream.indirect_vreg.scatter [tilespmem:s21], [sflag:$0x1], $0x80, v3, vm0, $0xb8;
	[tilespmem:$0x11000] =	vst v63  }
0x46a: {  	_ = 	snop  }
0x46b: {  	[hbm4b:s5+s3] =	stream.indirect_vreg.scatter [tilespmem:s22], [sflag:$0x1], $0x80, v3, vm0, $0xb8;
	[tilespmem:$0x11000] =	vst v63  }
0x46c: {  	_ = 	snop  }
0x46d: {  	[hbm4b:s6+s3] =	stream.indirect_vreg.scatter [tilespmem:s23], [sflag:$0x1], $0x80, v3, vm0, $0xb8;
	[tilespmem:$0x11000] =	vst v63  }
0x46e: {  	_ = 	snop  }
0x46f: {  	[hbm4b:s7+s3] =	stream.indirect_vreg.scatter [tilespmem:s24], [sflag:$0x1], $0x80, v3, vm0, $0xb8;
	[tilespmem:$0x11000] =	vst v63  }
0x470: {  	_ = 	snop  }
0x471: {  	[hbm4b:s8+s3] =	stream.indirect_vreg.scatter [tilespmem:s25], [sflag:$0x1], $0x80, v3, vm0, $0xb8;
	[tilespmem:$0x11000] =	vst v63  }
0x472: {  	_ = 	snop  }
0x473: {  	[hbm4b:s9+s3] =	stream.indirect_vreg.scatter [tilespmem:s30], [sflag:$0x1], $0x80, v3, vm0, $0xb8;
	[tilespmem:$0x11000] =	vst v63  }
0x474: {  	_ = 	snop  }
0x475: {  	[hbm4b:s10+s3] =	stream.indirect_vreg.scatter [tilespmem:s26], [sflag:$0x1], $0x80, v3, vm0, $0xb8;
	[tilespmem:$0x11000] =	vst v63  }
0x476: {  	_ = 	snop  }
0x477: {  	[hbm4b:s11+s3] =	stream.indirect_vreg.scatter [tilespmem:s28], [sflag:$0x1], $0x80, v3, vm0, $0xb8;
	[tilespmem:$0x11000] =	vst v63  }
0x478: {  	_ =	swait.ge [sflag:s1], $0x8000  }
0x479: {  	[sflag:s1] =	ssyncset.done $0x0  }
0x47a: {  	[sflag:s1] =	ssyncadd.s32 $0xFFFF8000  }
0x47b: {  	v3 =	vld [tilespmem:$0xD00];
	_ =	sdelay $0x4  }
0x47c: {  	v58 =	vshll.u32 v3, $0x4  }
0x47d: {  	v3 =	vand.u32 $0x7, v3;
	v4 =	vand.u32 $0xFFFFFF80, v58  }
0x47e: {  	v3 =	vor.u32 v3, v4  }
0x47f: {  	v4 =	vperm.xlane v3, v0;
	_ =	sdelay $0x1  }
0x480: {  	v4 =	vadd.s32 v1, v4;
	_ =	sdelay $0x4  }
0x481: {  	[hbm4b:s2+s3] =	stream.indirect_vreg.scatter [tilespmem:s14], [sflag:$0x1], $0x80, v4, vm0, $0xb8;
	[tilespmem:$0x11000] =	vst v63  }
0x482: {  	_ = 	snop  }
0x483: {  	[hbm4b:s5+s3] =	stream.indirect_vreg.scatter [tilespmem:s4], [sflag:$0x1], $0x80, v4, vm0, $0xb8;
	[tilespmem:$0x11000] =	vst v63  }
0x484: {  	_ = 	snop  }
0x485: {  	[hbm4b:s6+s3] =	stream.indirect_vreg.scatter [tilespmem:s12], [sflag:$0x1], $0x80, v4, vm0, $0xb8;
	[tilespmem:$0x11000] =	vst v63  }
0x486: {  	_ = 	snop  }
0x487: {  	[hbm4b:s7+s3] =	stream.indirect_vreg.scatter [tilespmem:s16], [sflag:$0x1], $0x80, v4, vm0, $0xb8;
	[tilespmem:$0x11000] =	vst v63  }
0x488: {  	_ = 	snop  }
0x489: {  	[hbm4b:s8+s3] =	stream.indirect_vreg.scatter [tilespmem:s17], [sflag:$0x1], $0x80, v4, vm0, $0xb8;
	[tilespmem:$0x11000] =	vst v63  }
0x48a: {  	v3 =	vperm.xlane v3, v2  }
0x48b: {  	[hbm4b:s9+s3] =	stream.indirect_vreg.scatter [tilespmem:s18], [sflag:$0x1], $0x80, v4, vm0, $0xb8;
	[tilespmem:$0x11000] =	vst v63  }
0x48c: {  	v3 =	vadd.s32 v1, v3  }
0x48d: {  	[hbm4b:s10+s3] =	stream.indirect_vreg.scatter [tilespmem:s19], [sflag:$0x1], $0x80, v4, vm0, $0xb8;
	[tilespmem:$0x11000] =	vst v63  }
0x48e: {  	_ = 	snop  }
0x48f: {  	[hbm4b:s11+s3] =	stream.indirect_vreg.scatter [tilespmem:s20], [sflag:$0x1], $0x80, v4, vm0, $0xb8;
	[tilespmem:$0x11000] =	vst v63  }
0x490: {  	_ = 	snop  }
0x491: {  	[hbm4b:s2+s3] =	stream.indirect_vreg.scatter [tilespmem:s21], [sflag:$0x1], $0x80, v3, vm0, $0xb8;
	[tilespmem:$0x11000] =	vst v63  }
0x492: {  	_ = 	snop  }
0x493: {  	[hbm4b:s5+s3] =	stream.indirect_vreg.scatter [tilespmem:s22], [sflag:$0x1], $0x80, v3, vm0, $0xb8;
	[tilespmem:$0x11000] =	vst v63  }
0x494: {  	_ = 	snop  }
0x495: {  	[hbm4b:s6+s3] =	stream.indirect_vreg.scatter [tilespmem:s23], [sflag:$0x1], $0x80, v3, vm0, $0xb8;
	[tilespmem:$0x11000] =	vst v63  }
0x496: {  	_ = 	snop  }
0x497: {  	[hbm4b:s7+s3] =	stream.indirect_vreg.scatter [tilespmem:s24], [sflag:$0x1], $0x80, v3, vm0, $0xb8;
	[tilespmem:$0x11000] =	vst v63  }
0x498: {  	_ = 	snop  }
0x499: {  	[hbm4b:s8+s3] =	stream.indirect_vreg.scatter [tilespmem:s25], [sflag:$0x1], $0x80, v3, vm0, $0xb8;
	[tilespmem:$0x11000] =	vst v63  }
0x49a: {  	_ = 	snop  }
0x49b: {  	[hbm4b:s9+s3] =	stream.indirect_vreg.scatter [tilespmem:s30], [sflag:$0x1], $0x80, v3, vm0, $0xb8;
	[tilespmem:$0x11000] =	vst v63  }
0x49c: {  	_ = 	snop  }
0x49d: {  	[hbm4b:s10+s3] =	stream.indirect_vreg.scatter [tilespmem:s26], [sflag:$0x1], $0x80, v3, vm0, $0xb8;
	[tilespmem:$0x11000] =	vst v63  }
0x49e: {  	_ = 	snop  }
0x49f: {  	[hbm4b:s11+s3] =	stream.indirect_vreg.scatter [tilespmem:s28], [sflag:$0x1], $0x80, v3, vm0, $0xb8;
	[tilespmem:$0x11000] =	vst v63  }
0x4a0: {  	_ =	swait.ge [sflag:s1], $0x8000  }
0x4a1: {  	[sflag:s1] =	ssyncset.done $0x0  }
0x4a2: {  	[sflag:s1] =	ssyncadd.s32 $0xFFFF8000  }
0x4a3: {  	v3 =	vld [tilespmem:$0xD80];
	_ =	sdelay $0x4  }
0x4a4: {  	v59 =	vshll.u32 v3, $0x4  }
0x4a5: {  	v3 =	vand.u32 $0x7, v3;
	v4 =	vand.u32 $0xFFFFFF80, v59  }
0x4a6: {  	v3 =	vor.u32 v3, v4  }
0x4a7: {  	v4 =	vperm.xlane v3, v0;
	_ =	sdelay $0x1  }
0x4a8: {  	v4 =	vadd.s32 v1, v4;
	_ =	sdelay $0x4  }
0x4a9: {  	[hbm4b:s2+s3] =	stream.indirect_vreg.scatter [tilespmem:s14], [sflag:$0x1], $0x80, v4, vm0, $0xb8;
	[tilespmem:$0x11000] =	vst v63  }
0x4aa: {  	_ = 	snop  }
0x4ab: {  	[hbm4b:s5+s3] =	stream.indirect_vreg.scatter [tilespmem:s4], [sflag:$0x1], $0x80, v4, vm0, $0xb8;
	[tilespmem:$0x11000] =	vst v63  }
0x4ac: {  	_ = 	snop  }
0x4ad: {  	[hbm4b:s6+s3] =	stream.indirect_vreg.scatter [tilespmem:s12], [sflag:$0x1], $0x80, v4, vm0, $0xb8;
	[tilespmem:$0x11000] =	vst v63  }
0x4ae: {  	_ = 	snop  }
0x4af: {  	[hbm4b:s7+s3] =	stream.indirect_vreg.scatter [tilespmem:s16], [sflag:$0x1], $0x80, v4, vm0, $0xb8;
	[tilespmem:$0x11000] =	vst v63  }
0x4b0: {  	_ = 	snop  }
0x4b1: {  	[hbm4b:s8+s3] =	stream.indirect_vreg.scatter [tilespmem:s17], [sflag:$0x1], $0x80, v4, vm0, $0xb8;
	[tilespmem:$0x11000] =	vst v63  }
0x4b2: {  	v3 =	vperm.xlane v3, v2  }
0x4b3: {  	[hbm4b:s9+s3] =	stream.indirect_vreg.scatter [tilespmem:s18], [sflag:$0x1], $0x80, v4, vm0, $0xb8;
	[tilespmem:$0x11000] =	vst v63  }
0x4b4: {  	v3 =	vadd.s32 v1, v3  }
0x4b5: {  	[hbm4b:s10+s3] =	stream.indirect_vreg.scatter [tilespmem:s19], [sflag:$0x1], $0x80, v4, vm0, $0xb8;
	[tilespmem:$0x11000] =	vst v63  }
0x4b6: {  	_ = 	snop  }
0x4b7: {  	[hbm4b:s11+s3] =	stream.indirect_vreg.scatter [tilespmem:s20], [sflag:$0x1], $0x80, v4, vm0, $0xb8;
	[tilespmem:$0x11000] =	vst v63  }
0x4b8: {  	_ = 	snop  }
0x4b9: {  	[hbm4b:s2+s3] =	stream.indirect_vreg.scatter [tilespmem:s21], [sflag:$0x1], $0x80, v3, vm0, $0xb8;
	[tilespmem:$0x11000] =	vst v63  }
0x4ba: {  	_ = 	snop  }
0x4bb: {  	[hbm4b:s5+s3] =	stream.indirect_vreg.scatter [tilespmem:s22], [sflag:$0x1], $0x80, v3, vm0, $0xb8;
	[tilespmem:$0x11000] =	vst v63  }
0x4bc: {  	_ = 	snop  }
0x4bd: {  	[hbm4b:s6+s3] =	stream.indirect_vreg.scatter [tilespmem:s23], [sflag:$0x1], $0x80, v3, vm0, $0xb8;
	[tilespmem:$0x11000] =	vst v63  }
0x4be: {  	_ = 	snop  }
0x4bf: {  	[hbm4b:s7+s3] =	stream.indirect_vreg.scatter [tilespmem:s24], [sflag:$0x1], $0x80, v3, vm0, $0xb8;
	[tilespmem:$0x11000] =	vst v63  }
0x4c0: {  	_ = 	snop  }
0x4c1: {  	[hbm4b:s8+s3] =	stream.indirect_vreg.scatter [tilespmem:s25], [sflag:$0x1], $0x80, v3, vm0, $0xb8;
	[tilespmem:$0x11000] =	vst v63  }
0x4c2: {  	_ = 	snop  }
0x4c3: {  	[hbm4b:s9+s3] =	stream.indirect_vreg.scatter [tilespmem:s30], [sflag:$0x1], $0x80, v3, vm0, $0xb8;
	[tilespmem:$0x11000] =	vst v63  }
0x4c4: {  	_ = 	snop  }
0x4c5: {  	[hbm4b:s10+s3] =	stream.indirect_vreg.scatter [tilespmem:s26], [sflag:$0x1], $0x80, v3, vm0, $0xb8;
	[tilespmem:$0x11000] =	vst v63  }
0x4c6: {  	_ = 	snop  }
0x4c7: {  	[hbm4b:s11+s3] =	stream.indirect_vreg.scatter [tilespmem:s28], [sflag:$0x1], $0x80, v3, vm0, $0xb8;
	[tilespmem:$0x11000] =	vst v63  }
0x4c8: {  	_ =	swait.ge [sflag:s1], $0x8000  }
0x4c9: {  	[sflag:s1] =	ssyncset.done $0x0  }
0x4ca: {  	[sflag:s1] =	ssyncadd.s32 $0xFFFF8000  }
0x4cb: {  	v3 =	vld [tilespmem:$0xE00];
	_ =	sdelay $0x4  }
0x4cc: {  	v60 =	vshll.u32 v3, $0x4  }
0x4cd: {  	v3 =	vand.u32 $0x7, v3;
	v4 =	vand.u32 $0xFFFFFF80, v60  }
0x4ce: {  	v3 =	vor.u32 v3, v4  }
0x4cf: {  	v4 =	vperm.xlane v3, v0;
	_ =	sdelay $0x1  }
0x4d0: {  	v4 =	vadd.s32 v1, v4;
	_ =	sdelay $0x4  }
0x4d1: {  	[hbm4b:s2+s3] =	stream.indirect_vreg.scatter [tilespmem:s14], [sflag:$0x1], $0x80, v4, vm0, $0xb8;
	[tilespmem:$0x11000] =	vst v63  }
0x4d2: {  	_ = 	snop  }
0x4d3: {  	[hbm4b:s5+s3] =	stream.indirect_vreg.scatter [tilespmem:s4], [sflag:$0x1], $0x80, v4, vm0, $0xb8;
	[tilespmem:$0x11000] =	vst v63  }
0x4d4: {  	_ = 	snop  }
0x4d5: {  	[hbm4b:s6+s3] =	stream.indirect_vreg.scatter [tilespmem:s12], [sflag:$0x1], $0x80, v4, vm0, $0xb8;
	[tilespmem:$0x11000] =	vst v63  }
0x4d6: {  	_ = 	snop  }
0x4d7: {  	[hbm4b:s7+s3] =	stream.indirect_vreg.scatter [tilespmem:s16], [sflag:$0x1], $0x80, v4, vm0, $0xb8;
	[tilespmem:$0x11000] =	vst v63  }
0x4d8: {  	_ = 	snop  }
0x4d9: {  	[hbm4b:s8+s3] =	stream.indirect_vreg.scatter [tilespmem:s17], [sflag:$0x1], $0x80, v4, vm0, $0xb8;
	[tilespmem:$0x11000] =	vst v63  }
0x4da: {  	v3 =	vperm.xlane v3, v2  }
0x4db: {  	[hbm4b:s9+s3] =	stream.indirect_vreg.scatter [tilespmem:s18], [sflag:$0x1], $0x80, v4, vm0, $0xb8;
	[tilespmem:$0x11000] =	vst v63  }
0x4dc: {  	v3 =	vadd.s32 v1, v3  }
0x4dd: {  	[hbm4b:s10+s3] =	stream.indirect_vreg.scatter [tilespmem:s19], [sflag:$0x1], $0x80, v4, vm0, $0xb8;
	[tilespmem:$0x11000] =	vst v63  }
0x4de: {  	_ = 	snop  }
0x4df: {  	[hbm4b:s11+s3] =	stream.indirect_vreg.scatter [tilespmem:s20], [sflag:$0x1], $0x80, v4, vm0, $0xb8;
	[tilespmem:$0x11000] =	vst v63  }
0x4e0: {  	_ = 	snop  }
0x4e1: {  	[hbm4b:s2+s3] =	stream.indirect_vreg.scatter [tilespmem:s21], [sflag:$0x1], $0x80, v3, vm0, $0xb8;
	[tilespmem:$0x11000] =	vst v63  }
0x4e2: {  	_ = 	snop  }
0x4e3: {  	[hbm4b:s5+s3] =	stream.indirect_vreg.scatter [tilespmem:s22], [sflag:$0x1], $0x80, v3, vm0, $0xb8;
	[tilespmem:$0x11000] =	vst v63  }
0x4e4: {  	_ = 	snop  }
0x4e5: {  	[hbm4b:s6+s3] =	stream.indirect_vreg.scatter [tilespmem:s23], [sflag:$0x1], $0x80, v3, vm0, $0xb8;
	[tilespmem:$0x11000] =	vst v63  }
0x4e6: {  	_ = 	snop  }
0x4e7: {  	[hbm4b:s7+s3] =	stream.indirect_vreg.scatter [tilespmem:s24], [sflag:$0x1], $0x80, v3, vm0, $0xb8;
	[tilespmem:$0x11000] =	vst v63  }
0x4e8: {  	_ = 	snop  }
0x4e9: {  	[hbm4b:s8+s3] =	stream.indirect_vreg.scatter [tilespmem:s25], [sflag:$0x1], $0x80, v3, vm0, $0xb8;
	[tilespmem:$0x11000] =	vst v63  }
0x4ea: {  	_ = 	snop  }
0x4eb: {  	[hbm4b:s9+s3] =	stream.indirect_vreg.scatter [tilespmem:s30], [sflag:$0x1], $0x80, v3, vm0, $0xb8;
	[tilespmem:$0x11000] =	vst v63  }
0x4ec: {  	_ = 	snop  }
0x4ed: {  	[hbm4b:s10+s3] =	stream.indirect_vreg.scatter [tilespmem:s26], [sflag:$0x1], $0x80, v3, vm0, $0xb8;
	[tilespmem:$0x11000] =	vst v63  }
0x4ee: {  	_ = 	snop  }
0x4ef: {  	[hbm4b:s11+s3] =	stream.indirect_vreg.scatter [tilespmem:s28], [sflag:$0x1], $0x80, v3, vm0, $0xb8;
	[tilespmem:$0x11000] =	vst v63  }
0x4f0: {  	_ =	swait.ge [sflag:s1], $0x8000  }
0x4f1: {  	[sflag:s1] =	ssyncset.done $0x0  }
0x4f2: {  	[sflag:s1] =	ssyncadd.s32 $0xFFFF8000  }
0x4f3: {  	v3 =	vld [tilespmem:$0xE80];
	_ =	sdelay $0x4  }
0x4f4: {  	v61 =	vshll.u32 v3, $0x4  }
0x4f5: {  	v3 =	vand.u32 $0x7, v3;
	v4 =	vand.u32 $0xFFFFFF80, v61  }
0x4f6: {  	v3 =	vor.u32 v3, v4  }
0x4f7: {  	v4 =	vperm.xlane v3, v0;
	_ =	sdelay $0x1  }
0x4f8: {  	v4 =	vadd.s32 v1, v4;
	_ =	sdelay $0x4  }
0x4f9: {  	[hbm4b:s2+s3] =	stream.indirect_vreg.scatter [tilespmem:s14], [sflag:$0x1], $0x80, v4, vm0, $0xb8;
	[tilespmem:$0x11000] =	vst v63  }
0x4fa: {  	_ = 	snop  }
0x4fb: {  	[hbm4b:s5+s3] =	stream.indirect_vreg.scatter [tilespmem:s4], [sflag:$0x1], $0x80, v4, vm0, $0xb8;
	[tilespmem:$0x11000] =	vst v63  }
0x4fc: {  	_ = 	snop  }
0x4fd: {  	[hbm4b:s6+s3] =	stream.indirect_vreg.scatter [tilespmem:s12], [sflag:$0x1], $0x80, v4, vm0, $0xb8;
	[tilespmem:$0x11000] =	vst v63  }
0x4fe: {  	_ = 	snop  }
0x4ff: {  	[hbm4b:s7+s3] =	stream.indirect_vreg.scatter [tilespmem:s16], [sflag:$0x1], $0x80, v4, vm0, $0xb8;
	[tilespmem:$0x11000] =	vst v63  }
0x500: {  	_ = 	snop  }
0x501: {  	[hbm4b:s8+s3] =	stream.indirect_vreg.scatter [tilespmem:s17], [sflag:$0x1], $0x80, v4, vm0, $0xb8;
	[tilespmem:$0x11000] =	vst v63  }
0x502: {  	v3 =	vperm.xlane v3, v2  }
0x503: {  	[hbm4b:s9+s3] =	stream.indirect_vreg.scatter [tilespmem:s18], [sflag:$0x1], $0x80, v4, vm0, $0xb8;
	[tilespmem:$0x11000] =	vst v63  }
0x504: {  	v3 =	vadd.s32 v1, v3  }
0x505: {  	[hbm4b:s10+s3] =	stream.indirect_vreg.scatter [tilespmem:s19], [sflag:$0x1], $0x80, v4, vm0, $0xb8;
	[tilespmem:$0x11000] =	vst v63  }
0x506: {  	_ = 	snop  }
0x507: {  	[hbm4b:s11+s3] =	stream.indirect_vreg.scatter [tilespmem:s20], [sflag:$0x1], $0x80, v4, vm0, $0xb8;
	[tilespmem:$0x11000] =	vst v63  }
0x508: {  	_ = 	snop  }
0x509: {  	[hbm4b:s2+s3] =	stream.indirect_vreg.scatter [tilespmem:s21], [sflag:$0x1], $0x80, v3, vm0, $0xb8;
	[tilespmem:$0x11000] =	vst v63  }
0x50a: {  	_ = 	snop  }
0x50b: {  	[hbm4b:s5+s3] =	stream.indirect_vreg.scatter [tilespmem:s22], [sflag:$0x1], $0x80, v3, vm0, $0xb8;
	[tilespmem:$0x11000] =	vst v63  }
0x50c: {  	_ = 	snop  }
0x50d: {  	[hbm4b:s6+s3] =	stream.indirect_vreg.scatter [tilespmem:s23], [sflag:$0x1], $0x80, v3, vm0, $0xb8;
	[tilespmem:$0x11000] =	vst v63  }
0x50e: {  	_ = 	snop  }
0x50f: {  	[hbm4b:s7+s3] =	stream.indirect_vreg.scatter [tilespmem:s24], [sflag:$0x1], $0x80, v3, vm0, $0xb8;
	[tilespmem:$0x11000] =	vst v63  }
0x510: {  	_ = 	snop  }
0x511: {  	[hbm4b:s8+s3] =	stream.indirect_vreg.scatter [tilespmem:s25], [sflag:$0x1], $0x80, v3, vm0, $0xb8;
	[tilespmem:$0x11000] =	vst v63  }
0x512: {  	_ = 	snop  }
0x513: {  	[hbm4b:s9+s3] =	stream.indirect_vreg.scatter [tilespmem:s30], [sflag:$0x1], $0x80, v3, vm0, $0xb8;
	[tilespmem:$0x11000] =	vst v63  }
0x514: {  	_ = 	snop  }
0x515: {  	[hbm4b:s10+s3] =	stream.indirect_vreg.scatter [tilespmem:s26], [sflag:$0x1], $0x80, v3, vm0, $0xb8;
	[tilespmem:$0x11000] =	vst v63  }
0x516: {  	_ = 	snop  }
0x517: {  	[hbm4b:s11+s3] =	stream.indirect_vreg.scatter [tilespmem:s28], [sflag:$0x1], $0x80, v3, vm0, $0xb8;
	[tilespmem:$0x11000] =	vst v63  }
0x518: {  	_ =	swait.ge [sflag:s1], $0x8000  }
0x519: {  	[sflag:s1] =	ssyncset.done $0x0  }
0x51a: {  	[sflag:s1] =	ssyncadd.s32 $0xFFFF8000  }
0x51b: {  	v3 =	vld [tilespmem:$0xF00];
	_ =	sdelay $0x4  }
0x51c: {  	v62 =	vshll.u32 v3, $0x4  }
0x51d: {  	v3 =	vand.u32 $0x7, v3;
	v4 =	vand.u32 $0xFFFFFF80, v62  }
0x51e: {  	v3 =	vor.u32 v3, v4  }
0x51f: {  	v4 =	vperm.xlane v3, v0;
	_ =	sdelay $0x1  }
0x520: {  	v4 =	vadd.s32 v1, v4;
	_ =	sdelay $0x4  }
0x521: {  	[hbm4b:s2+s3] =	stream.indirect_vreg.scatter [tilespmem:s14], [sflag:$0x1], $0x80, v4, vm0, $0xb8;
	[tilespmem:$0x11000] =	vst v63  }
0x522: {  	_ = 	snop  }
0x523: {  	[hbm4b:s5+s3] =	stream.indirect_vreg.scatter [tilespmem:s4], [sflag:$0x1], $0x80, v4, vm0, $0xb8;
	[tilespmem:$0x11000] =	vst v63  }
0x524: {  	_ = 	snop  }
0x525: {  	[hbm4b:s6+s3] =	stream.indirect_vreg.scatter [tilespmem:s12], [sflag:$0x1], $0x80, v4, vm0, $0xb8;
	[tilespmem:$0x11000] =	vst v63  }
0x526: {  	_ = 	snop  }
0x527: {  	[hbm4b:s7+s3] =	stream.indirect_vreg.scatter [tilespmem:s16], [sflag:$0x1], $0x80, v4, vm0, $0xb8;
	[tilespmem:$0x11000] =	vst v63  }
0x528: {  	_ = 	snop  }
0x529: {  	[hbm4b:s8+s3] =	stream.indirect_vreg.scatter [tilespmem:s17], [sflag:$0x1], $0x80, v4, vm0, $0xb8;
	[tilespmem:$0x11000] =	vst v63  }
0x52a: {  	v3 =	vperm.xlane v3, v2  }
0x52b: {  	[hbm4b:s9+s3] =	stream.indirect_vreg.scatter [tilespmem:s18], [sflag:$0x1], $0x80, v4, vm0, $0xb8;
	[tilespmem:$0x11000] =	vst v63  }
0x52c: {  	v3 =	vadd.s32 v1, v3  }
0x52d: {  	[hbm4b:s10+s3] =	stream.indirect_vreg.scatter [tilespmem:s19], [sflag:$0x1], $0x80, v4, vm0, $0xb8;
	[tilespmem:$0x11000] =	vst v63  }
0x52e: {  	_ = 	snop  }
0x52f: {  	[hbm4b:s11+s3] =	stream.indirect_vreg.scatter [tilespmem:s20], [sflag:$0x1], $0x80, v4, vm0, $0xb8;
	[tilespmem:$0x11000] =	vst v63  }
0x530: {  	_ = 	snop  }
0x531: {  	[hbm4b:s2+s3] =	stream.indirect_vreg.scatter [tilespmem:s21], [sflag:$0x1], $0x80, v3, vm0, $0xb8;
	[tilespmem:$0x11000] =	vst v63  }
0x532: {  	_ = 	snop  }
0x533: {  	[hbm4b:s5+s3] =	stream.indirect_vreg.scatter [tilespmem:s22], [sflag:$0x1], $0x80, v3, vm0, $0xb8;
	[tilespmem:$0x11000] =	vst v63  }
0x534: {  	_ = 	snop  }
0x535: {  	[hbm4b:s6+s3] =	stream.indirect_vreg.scatter [tilespmem:s23], [sflag:$0x1], $0x80, v3, vm0, $0xb8;
	[tilespmem:$0x11000] =	vst v63  }
0x536: {  	_ = 	snop  }
0x537: {  	[hbm4b:s7+s3] =	stream.indirect_vreg.scatter [tilespmem:s24], [sflag:$0x1], $0x80, v3, vm0, $0xb8;
	[tilespmem:$0x11000] =	vst v63  }
0x538: {  	_ = 	snop  }
0x539: {  	[hbm4b:s8+s3] =	stream.indirect_vreg.scatter [tilespmem:s25], [sflag:$0x1], $0x80, v3, vm0, $0xb8;
	[tilespmem:$0x11000] =	vst v63  }
0x53a: {  	_ = 	snop  }
0x53b: {  	[hbm4b:s9+s3] =	stream.indirect_vreg.scatter [tilespmem:s30], [sflag:$0x1], $0x80, v3, vm0, $0xb8;
	[tilespmem:$0x11000] =	vst v63  }
0x53c: {  	_ = 	snop  }
0x53d: {  	[hbm4b:s10+s3] =	stream.indirect_vreg.scatter [tilespmem:s26], [sflag:$0x1], $0x80, v3, vm0, $0xb8;
	[tilespmem:$0x11000] =	vst v63  }
0x53e: {  	_ = 	snop  }
0x53f: {  	[hbm4b:s11+s3] =	stream.indirect_vreg.scatter [tilespmem:s28], [sflag:$0x1], $0x80, v3, vm0, $0xb8;
	[tilespmem:$0x11000] =	vst v63  }
0x540: {  	_ =	swait.ge [sflag:s1], $0x8000  }
0x541: {  	[sflag:s1] =	ssyncset.done $0x0  }
0x542: {  	[sflag:s1] =	ssyncadd.s32 $0xFFFF8000  }
0x543: {  	v3 =	vld [tilespmem:$0xF80];
	_ =	sdelay $0x4  }
0x544: {  	v63 =	vshll.u32 v3, $0x4  }
0x545: {  	v3 =	vand.u32 $0x7, v3;
	v4 =	vand.u32 $0xFFFFFF80, v63  }
0x546: {  	v3 =	vor.u32 v3, v4  }
0x547: {  	v4 =	vperm.xlane v3, v0;
	_ =	sdelay $0x1  }
0x548: {  	v4 =	vadd.s32 v1, v4;
	_ =	sdelay $0x4  }
0x549: {  	[hbm4b:s2+s3] =	stream.indirect_vreg.scatter [tilespmem:s14], [sflag:$0x1], $0x80, v4, vm0, $0xb8;
	[tilespmem:$0x11000] =	vst v63  }
0x54a: {  	_ = 	snop  }
0x54b: {  	[hbm4b:s5+s3] =	stream.indirect_vreg.scatter [tilespmem:s4], [sflag:$0x1], $0x80, v4, vm0, $0xb8;
	[tilespmem:$0x11000] =	vst v63  }
0x54c: {  	_ = 	snop  }
0x54d: {  	[hbm4b:s6+s3] =	stream.indirect_vreg.scatter [tilespmem:s12], [sflag:$0x1], $0x80, v4, vm0, $0xb8;
	[tilespmem:$0x11000] =	vst v63  }
0x54e: {  	_ = 	snop  }
0x54f: {  	[hbm4b:s7+s3] =	stream.indirect_vreg.scatter [tilespmem:s16], [sflag:$0x1], $0x80, v4, vm0, $0xb8;
	[tilespmem:$0x11000] =	vst v63  }
0x550: {  	_ = 	snop  }
0x551: {  	[hbm4b:s8+s3] =	stream.indirect_vreg.scatter [tilespmem:s17], [sflag:$0x1], $0x80, v4, vm0, $0xb8;
	[tilespmem:$0x11000] =	vst v63  }
0x552: {  	v3 =	vperm.xlane v3, v2  }
0x553: {  	[hbm4b:s9+s3] =	stream.indirect_vreg.scatter [tilespmem:s18], [sflag:$0x1], $0x80, v4, vm0, $0xb8;
	[tilespmem:$0x11000] =	vst v63  }
0x554: {  	v3 =	vadd.s32 v1, v3  }
0x555: {  	[hbm4b:s10+s3] =	stream.indirect_vreg.scatter [tilespmem:s19], [sflag:$0x1], $0x80, v4, vm0, $0xb8;
	[tilespmem:$0x11000] =	vst v63  }
0x556: {  	_ = 	snop  }
0x557: {  	[hbm4b:s11+s3] =	stream.indirect_vreg.scatter [tilespmem:s20], [sflag:$0x1], $0x80, v4, vm0, $0xb8;
	[tilespmem:$0x11000] =	vst v63  }
0x558: {  	_ = 	snop  }
0x559: {  	[hbm4b:s2+s3] =	stream.indirect_vreg.scatter [tilespmem:s21], [sflag:$0x1], $0x80, v3, vm0, $0xb8;
	[tilespmem:$0x11000] =	vst v63  }
0x55a: {  	_ = 	snop  }
0x55b: {  	[hbm4b:s5+s3] =	stream.indirect_vreg.scatter [tilespmem:s22], [sflag:$0x1], $0x80, v3, vm0, $0xb8;
	[tilespmem:$0x11000] =	vst v63  }
0x55c: {  	_ = 	snop  }
0x55d: {  	[hbm4b:s6+s3] =	stream.indirect_vreg.scatter [tilespmem:s23], [sflag:$0x1], $0x80, v3, vm0, $0xb8;
	[tilespmem:$0x11000] =	vst v63  }
0x55e: {  	_ = 	snop  }
0x55f: {  	[hbm4b:s7+s3] =	stream.indirect_vreg.scatter [tilespmem:s24], [sflag:$0x1], $0x80, v3, vm0, $0xb8;
	[tilespmem:$0x11000] =	vst v63  }
0x560: {  	_ = 	snop  }
0x561: {  	[hbm4b:s8+s3] =	stream.indirect_vreg.scatter [tilespmem:s25], [sflag:$0x1], $0x80, v3, vm0, $0xb8;
	[tilespmem:$0x11000] =	vst v63  }
0x562: {  	_ = 	snop  }
0x563: {  	[hbm4b:s9+s3] =	stream.indirect_vreg.scatter [tilespmem:s30], [sflag:$0x1], $0x80, v3, vm0, $0xb8;
	[tilespmem:$0x11000] =	vst v63  }
0x564: {  	p0 =	sne.s32 s29, $0x1  }
0x565: {  	[hbm4b:s10+s3] =	stream.indirect_vreg.scatter [tilespmem:s26], [sflag:$0x1], $0x80, v3, vm0, $0xb8;
	[tilespmem:$0x11000] =	vst v63  }
.Ltmp0:
0x566: {  	_ = 	snop;
	(pc) =	sbr.rel @p0 .LBB2_1-.Ltmp0, $4  }
0x567: {  	[hbm4b:s11+s3] =	stream.indirect_vreg.scatter [tilespmem:s28], [sflag:$0x1], $0x80, v3, vm0, $0xb8;
	[tilespmem:$0x11000] =	vst v63  }
0x568: {  	_ =	swait.ge [sflag:s1], $0x8000  }
0x569: {  	[sflag:s1] =	ssyncset.done $0x0  }
0x56a: {  	s29 =	sadd.s32 $0xFFFFFFFF, s29;
	[sflag:s1] =	ssyncadd.s32 $0xFFFF8000  }
0x56b: {  	_ =	sfence.sel $0x180000  }
0x56c: {  	[bflag:$0x0] =	sbarrier.arrive $0xFFFF  }
0x56d: {  	_ =	strace $0x9000004D  }
0x56e: {  	s0 =	stileid.u32;
	[bflag:$0x2] =	sbarrier.arrive $0xFFFF  }
0x56f: {  	p0 =	sne.s32 s0, $0x0;
	s0 =	rddreg [dreg:$0x3]  }
0x570: {  	s0 =	sadd.s32 @!p0 $0x100000, s0  }
0x571: {  	[sflag:s0] =	ssyncadd.tile.s32 @!p0 $0x1;
	_ =	shalt  }
.Lfunc_end2:
_tile_overlayer_lowered:
.L_overlay_start_2:
0x572: {  	(tag) =	ssettag $0x2  }
0x573: {  	s0 =	rddreg [dreg:$0x0];
	s2 =	stileid.u32  }
0x574: {  	s1 =	rddreg [dreg:$0x1];
	p0 =	sne.s32 s2, $0x0  }
0x575: {  	s3 =	rddreg [dreg:$0x2];
	[bflag:$0x3] =	sbarrier.arrive $0xFFFF;
	s2 =	simm.s32 @!p0 $0x1C02  }
0x576: {  	[timem:s3], [sflag:s2] =	dma.local @!p0 [hbm:s0], s1  }
0x577: {  	s0 =	simm.s32 @!p0 $0x2  }
0x578: {  	_ =	swait.ge @!p0 [sflag:s0], s1  }
0x579: {  	s1 =	ssub.s32 @!p0 $0x0, s1;
	[sflag:s0] =	ssyncset.done @!p0 $0x0  }
0x57a: {  	[sflag:s0] =	ssyncadd.s32 @!p0 s1  }
0x57b: {  	[bflag:$0x3] =	sbarrier.arrive $0xFFFF  }
0x57c: {  	_ =	shalt  }

// kernel: scatter_offload_async_start
scs
__scs_entry_jumppad:
0x0: {  	(pc) =	sbr.rel $0x88, $3  }
0x1: {  	(tag) =	ssettag $0x0;
	lr =	simm.s32 $0x1  }
0x2: {  	[smem:$0x3FA0] =	sst lr;
	_ =	strace $0xD0000000  }
0x3: {  	_ = 	snop  }
0x4: {  	_ = 	snop  }
0x5: {  	_ = 	snop  }
0x6: {  	_ = 	snop  }
0x7: {  	_ = 	snop  }
__scs_overlays_trampoline_lowered:
0x8: {  	[smem:$0x3FAF] =	sst s0  }
0x9: {  	[smem:$0x3FB0] =	sst s1  }
0xa: {  	[smem:$0x3FB1] =	sst s2  }
0xb: {  	[smem:$0x3FB2] =	sst s3  }
0xc: {  	[smem:$0x3FB3] =	sst s4  }
0xd: {  	[smem:$0x3FB4] =	sst s5  }
0xe: {  	[smem:$0x3FB5] =	sst s6  }
0xf: {  	[smem:$0x3FB6] =	sst s7  }
0x10: {  	[smem:$0x3FB7] =	sst s8  }
0x11: {  	[smem:$0x3FB8] =	sst s9;
	s0 =	simm.s32 @!p0 $0x0  }
0x12: {  	s1 =	sld [smem:$0x3F9E];
	s0 =	simm.s32 @p0 $0x1  }
0x13: {  	[smem:$0x3FB9] =	sst s0;
	s0 =	simm.s32 @!p1 $0x0  }
0x14: {  	s2 =	sld [smem:$0x3F9D];
	s0 =	simm.s32 @p1 $0x1  }
0x15: {  	[smem:$0x3FBA] =	sst s0;
	s0 =	simm.s32 @!p2 $0x0  }
0x16: {  	s3 =	sld [smem:$0x3FDB];
	s0 =	simm.s32 @p2 $0x1  }
0x17: {  	s4 =	simm.s32 $0x1BF5;
	[smem:$0x3FBC] =	sst s0  }
0x18: {  	s0 =	sld [smem:$0x3F9F];
	_ =	swait.ge [sflag:s4], $0x0  }
0x19: {  	s7 =	sld [smem:$0x3FA0]  }
0x1a: {  	s8 =	sadd.s32 $0xFFFFE003, lr  }
0x1b: {  	s9 =	sadd.s32 $0xFFFFFEF7, lr;
	s5 =	simm.s32 $0xFFFFFFFF;
	p2 =	slt.u32 s8, $0xFFFFF086  }
0x1c: {  	p1 =	slt.u32 s9, $0xF7A;
	s5 =	simm.s32 @!p2 $0x0  }
0x1d: {  	s5 =	simm.s32 @p1 $0x1;
	p0 =	seq.s32 s7, s2  }
0x1e: {  	s7 =	smul.u32 @!p0 $0xF7A, s2;
	p2 =	seq.s32 @!p0 s5, $0x0  }
0x1f: {  	s9 =	smul.u32 $0xF7A, s1;
	s8 =	simm.s32 @!p0 $0x1BF5;
	p2 =	por !p2, p0  }
0x20: {  	[sflag:s8] =	ssyncset.s32 @!p0 $0xFFFFF086;
	s6 =	sadd.s32 @!p0 s3, s7;
	s7 =	simm.s32 @!p0 $0x108  }
0x21: {  	s3 =	sadd.s32 s3, s9;
	s6 =	sadd.s32 @!p0 $0x88, s6;
	s7 =	simm.s32 @p2 $0x1082  }
0x22: {  	[simem:s7], [sflag:s8] =	dma.local @!p0 [hbm:s6], $0xF7A  }
0x23: {  	s9 =	sor.u32 $0xD0000000, s2;
	s6 =	simm.s32 $0x108;
	_ =	swait.ge @!p0 [sflag:s8], $0x0  }
0x24: {  	s3 =	sadd.s32 $0x88, s3;
	s6 =	simm.s32 @!p1 $0x1082;
	[sflag:s4] =	ssyncset.s32 $0xFFFFF086  }
0x25: {  	[simem:s6], [sflag:s4] =	dma.local [hbm:s3], $0xF7A  }
0x26: {  	[smem:$0x3FA0] =	sst s1;
	(tag) =	ssettag s2;
	_ =	strace s9  }
0x27: {  	s1 =	sld [smem:$0x3FB0]  }
0x28: {  	s2 =	sld [smem:$0x3FB1]  }
0x29: {  	s4 =	sld [smem:$0x3FB3]  }
0x2a: {  	p0 =	seq.s32 s5, $0x0;
	s5 =	sld [smem:$0x3FB4]  }
0x2b: {  	s6 =	sld [smem:$0x3FB5]  }
0x2c: {  	s7 =	sld [smem:$0x3FB6]  }
0x2d: {  	s3 =	simm.s32 $0x108;
	s8 =	sld [smem:$0x3FB7]  }
0x2e: {  	s3 =	simm.s32 @!p0 $0x1082;
	s9 =	sld [smem:$0x3FB8]  }
0x2f: {  	lr =	sadd.s32 s0, s3;
	s0 =	sld [smem:$0x3FAF]  }
0x30: {  	s3 =	sld [smem:$0x3FB2]  }
0x31: {  	[smem:$0x3FBB] =	sst s10  }
0x32: {  	s10 =	sld [smem:$0x3FB9];
	_ =	sdelay $0x3  }
0x33: {  	p0 =	seq.s32 s10, $0x1;
	s10 =	sld [smem:$0x3FBB];
	_ =	sdelay $0x3  }
0x34: {  	[smem:$0x3FBB] =	sst s10  }
0x35: {  	s10 =	sld [smem:$0x3FBA];
	_ =	sdelay $0x3  }
0x36: {  	p1 =	seq.s32 s10, $0x1;
	s10 =	sld [smem:$0x3FBB];
	_ =	sdelay $0x3  }
0x37: {  	[smem:$0x3FBB] =	sst s10  }
0x38: {  	s10 =	sld [smem:$0x3FBC]  }
0x39: {  	_ = 	snop;
	(pc) =	sbr.ind lr, $3  }
0x3a: {  	_ = 	snop  }
0x3b: {  	_ = 	snop  }
0x3c: {  	p2 =	seq.s32 s10, $0x1;
	s10 =	sld [smem:$0x3FBB]  }
0x3d: {  	_ =	shalt  }
0x3e: {  	_ =	shalt  }
0x3f: {  	_ =	shalt  }
0x40: {  	_ =	shalt  }
0x41: {  	_ =	shalt  }
0x42: {  	_ =	shalt  }
0x43: {  	_ =	shalt  }
0x44: {  	_ =	shalt  }
0x45: {  	_ =	shalt  }
0x46: {  	_ =	shalt  }
0x47: {  	_ =	shalt  }
0x48: {  	_ =	shalt  }
0x49: {  	_ =	shalt  }
0x4a: {  	_ =	shalt  }
0x4b: {  	_ =	shalt  }
0x4c: {  	_ =	shalt  }
0x4d: {  	_ =	shalt  }
0x4e: {  	_ =	shalt  }
0x4f: {  	_ =	shalt  }
0x50: {  	_ =	shalt  }
0x51: {  	_ =	shalt  }
0x52: {  	_ =	shalt  }
0x53: {  	_ =	shalt  }
0x54: {  	_ =	shalt  }
0x55: {  	_ =	shalt  }
0x56: {  	_ =	shalt  }
0x57: {  	_ =	shalt  }
0x58: {  	_ =	shalt  }
0x59: {  	_ =	shalt  }
0x5a: {  	_ =	shalt  }
0x5b: {  	_ =	shalt  }
0x5c: {  	_ =	shalt  }
0x5d: {  	_ =	shalt  }
0x5e: {  	_ =	shalt  }
0x5f: {  	_ =	shalt  }
0x60: {  	_ =	shalt  }
0x61: {  	_ =	shalt  }
0x62: {  	_ =	shalt  }
0x63: {  	_ =	shalt  }
0x64: {  	_ =	shalt  }
0x65: {  	_ =	shalt  }
0x66: {  	_ =	shalt  }
0x67: {  	_ =	shalt  }
0x68: {  	_ =	shalt  }
0x69: {  	_ =	shalt  }
0x6a: {  	_ =	shalt  }
0x6b: {  	_ =	shalt  }
0x6c: {  	_ =	shalt  }
0x6d: {  	_ =	shalt  }
0x6e: {  	_ =	shalt  }
0x6f: {  	_ =	shalt  }
0x70: {  	_ =	shalt  }
0x71: {  	_ =	shalt  }
0x72: {  	_ =	shalt  }
0x73: {  	_ =	shalt  }
0x74: {  	_ =	shalt  }
0x75: {  	_ =	shalt  }
0x76: {  	_ =	shalt  }
0x77: {  	_ =	shalt  }
0x78: {  	_ =	shalt  }
0x79: {  	_ =	shalt  }
0x7a: {  	_ =	shalt  }
0x7b: {  	_ =	shalt  }
0x7c: {  	_ =	shalt  }
0x7d: {  	_ =	shalt  }
0x7e: {  	_ =	shalt  }
0x7f: {  	_ =	shalt  }
0x80: {  	_ =	shalt  }
0x81: {  	_ =	shalt  }
0x82: {  	_ =	shalt  }
0x83: {  	_ =	shalt  }
0x84: {  	_ =	shalt  }
0x85: {  	_ =	shalt  }
0x86: {  	_ =	shalt  }
0x87: {  	_ =	shalt  }
.Lfunc_end0:
.L_simem_size_0:
called_computation_lowered:
.L_overlay_start_0:
0x88: {  	s0 =	sld [smem:$0x3FD9]  }
0x89: {  	s1 =	sld [smem:$0x3FFE];
	_ =	sdelay $0x3  }
0x8a: {  	s0 =	sadd.s32 s1, s0  }
0x8b: {  	[smem:$0x3FC7] =	sst s0  }
0x8c: {  	_ = 	snop  }
0x8d: {  	s0 =	sld [smem:$0x3FD0];
	(tm) =	ssettm $0x1  }
0x8e: {  	s16 =	sld [smem:$0x3FFB];
	_ =	sdelay $0x3  }
0x8f: {  	_ =	strace s16  }
0x90: {  	s1 =	sld [smem:$0x3FFC];
	_ =	sdelay $0x3  }
0x91: {  	_ =	strace s1  }
0x92: {  	s1 =	sld [smem:$0x3FFD];
	_ =	sdelay $0x3  }
0x93: {  	_ =	strace s1  }
0x94: {  	_ =	strace $0x8FFFFFFF  }
0x95: {  	s17 =	sld [smem:$0x3FDB];
	_ =	sdelay $0x1  }
0x96: {  	s2 =	simm.s32 $_scs_section_size  }
0x97: {  	s3 =	simm.s32 $_size__tile_overlayer_lowered;
	s4 =	simm.s32 $_tile_overlayer_lowered  }
0x98: {  	s20 =	simm.s32 $0x1BFF;
	s19 =	sshll.u32 s4, $0x1;
	s1 =	sadd.s32 s2, s17  }
0x99: {  	s5 =	simm.s32 $0x0;
	s18 =	sshll.u32 s3, $0x1;
	s3 =	sadd.s32 s19, s1  }
0x9a: {  	[timem:s5], [sflag:s20] =	dma.local [hbm:s3], s18  }
0x9b: {  	_ =	swait.ge [sflag:s20], s18  }
0x9c: {  	s2 =	ssub.s32 $0x0, s18;
	[sflag:s20] =	ssyncset.done $0x0  }
0x9d: {  	[sflag:s20] =	ssyncadd.s32 s2;
	_ =	sdelay $0x1  }
0x9e: {  	s21 =	simm.s32 $0x1B8B  }
0x9f: {  	_ =	swait.ge [sflag:s21], $0x1  }
0xa0: {  	[sflag:s21] =	ssyncset.done $0x0  }
0xa1: {  	s23 =	simm.s32 $0x1B8E;
	s22 =	sld [smem:$0x3FFE];
	[sflag:s21] =	ssyncadd.s32 $0xFFFFFFFF  }
0xa2: {  	s24 =	simm.s32 $execute0_lowered;
	[smem:$0x3FD2] =	sst s23  }
0xa3: {  	s3 =	sshll.u32 s24, $0x1;
	_ =	strace $0x80000049;
	[dreg:$0x1] =	wrdreg $0xFFFFFFFF  }
0xa4: {  	s25 =	simm.s32 $_size_execute0_lowered;
	s1 =	sadd.s32 s1, s3;
	[dreg:$0x0] =	wrdreg $0x0  }
0xa5: {  	s3 =	sshll.u32 s25, $0x1;
	[dreg:$0x2] =	wrdreg s1  }
0xa6: {  	[dreg:$0x3] =	wrdreg s3  }
0xa7: {  	[dreg:$0x4] =	wrdreg $0xC0  }
0xa8: {  	_ =	task [dreg:s5], $0x5FFFF  }
0xa9: {  	[dreg:$0x1] =	wrdreg $0xFFFFFFFF  }
0xaa: {  	[dreg:$0x0] =	wrdreg $0x60  }
0xab: {  	[dreg:$0x2] =	wrdreg s22  }
0xac: {  	[dreg:$0x3] =	wrdreg s0  }
0xad: {  	[dreg:$0x4] =	wrdreg $0x9  }
0xae: {  	_ =	task.clear_ibuf [dreg:s5], $0x5FFFF;
	_ =	strace $0x90000049  }
0xaf: {  	s26 =	simm.s32 $0x9;
	_ =	strace $0x8000004B  }
0xb0: {  	_ =	swait.ge [sflag:s26], $0x1  }
0xb1: {  	[sflag:s26] =	ssyncadd.s32 $0xFFFFFFFF  }
0xb2: {  	_ =	strace $0x9000004B  }
0xb3: {  	_ =	sfence  }
0xb4: {  	s28 =	sld [smem:$0x0];
	_ =	sdelay $0x1  }
0xb5: {  	s29 =	srdreg.scid  }
0xb6: {  	s30 =	sshll.u32 s29, $0xD;
	s31 =	sshrl.u32 s29, $0x2  }
0xb7: {  	s2 =	sand.u32 $0x4000, s30;
	s1 =	sand.u32 $0x1, s29;
	s0 =	sadd.s32 s31, s28  }
0xb8: {  	s1 =	sor.u32 s2, s1;
	s0 =	sshll.u32 s0, $0x11  }
0xb9: {  	s0 =	sor.u32 s0, s1  }
0xba: {  	s0 =	sadd.s32 $0x8F2B, s0  }
0xbb: {  	[sflag:s0] =	ssyncadd.remote.s32 $0x1  }
0xbc: {  	_ =	sfence.sel $0xFFFF  }
0xbd: {  	[dreg:$0x0] =	wrdreg $0xFFFFFFFF;
	(pc) =	sbr.abs _section_cstart, $3  }
0xbe: {  	[dreg:$0x1] =	wrdreg $0xFFFFFFFF  }
0xbf: {  	_ =	task.clear_ibuf [dreg:s5], $0x2FFFF;
	_ =	strace $0x9FFFFFFF  }
0xc0: {  	(tm) =	ssettm $0x7FFFFFFF  }
0xc1: {  	_ =	shalt  }
tec
execute0_lowered:
.L_overlay_start_1:
0x0: {  	(tag) =	ssettag $0x1  }
0x1: {  	s2 =	rddreg [dreg:$0x0]  }
0x2: {  	s3 =	rddreg [dreg:$0x1]  }
0x3: {  	s0 =	rddreg [dreg:$0x2];
	_ =	strace $0x8000004A;
	s4 =	stileid.u32  }
0x4: {  	s5 =	simm.s32 $0x3E;
	s1 =	sadd.s32 $0x2200, s2;
	p0 =	sne.s32 s4, $0x0  }
0x5: {  	[sflag:s5] =	ssyncpa.u1 $0x0;
	s6 =	simm.s32 @!p0 $0x1C3E;
	s7 =	simm.s32 @!p0 $0x0  }
0x6: {  	[spmem:s7], [sflag:s6] =	dma.local @!p0 [hbm:s1], $0x400  }
0x7: {  	s6 =	simm.s32 @!p0 $0x3E  }
0x8: {  	_ =	swait.ge @!p0 [sflag:s6], $0x400  }
0x9: {  	[sflag:s6] =	ssyncset.done @!p0 $0x0  }
0xa: {  	[sflag:s6] =	ssyncadd.s32 @!p0 $0xFFFFFC00  }
0xb: {  	s28 =	simm.s32 $0x1;
	s29 =	simm.s32 $0x2;
	[bflag:$0x0] =	sbarrier.arrive $0xFFFF  }
0xc: {  	s31 =	simm.s32 $0x600;
	s30 =	sadd.s32 $0x2600, s2;
	[sflag:s5] =	ssyncpa.u1 $0x1  }
0xd: {  	s4 =	sshll.u32 s4, $0x7;
	s2 =	simm.s32 $0x0;
	[sflag:s28] =	ssyncpa.u1 $0x0  }
0xe: {  	s3 =	sadd.s32 s3, s4;
	(ifvalue) =	ssetifvalue $0x2000;
	[sflag:s29] =	ssyncpa.u1 $0x0  }
0xf: {  	[tilespmem:s31], [sflag:$0x2] =	stream.linear.gather [hbm4b:s3+s2], $0x400, $0x38;
	[tilespmem:$0x1200] =	vst v63  }
0x10: {  	s4 =	sadd.s32 s30, s4;
	s3 =	simm.s32 $0xE00  }
0x11: {  	[tilespmem:s3], [sflag:$0x2] =	stream.linear.gather [hbm4b:s4+s2], $0x400, $0x38;
	[tilespmem:$0x1200] =	vst v63  }
0x12: {  	_ =	swait.ge [sflag:s29], $0x800  }
0x13: {  	[sflag:s29] =	ssyncset.done $0x0  }
0x14: {  	[sflag:s29] =	ssyncadd.s32 $0xFFFFF800  }
0x15: {  	v0 =	vld.msk [tilespmem:s31+$0x0 ss:$0x1], $0xffff;
	_ =	sdelay $0x4  }
0x16: {  	v0 =	vmin.u32 v0, $0x2000;
	_ =	sdelay $0x3  }
0x17: {  	vm0 =	vmmov $0xffff;
	s5 =	simm.s32 $0x610;
	s4 =	simm.s32 $0x0  }
0x18: {  	[spmem:s2] =	stream.indirect_vreg.scatter.add.s32 [tilespmem:s3], [sflag:$0x1], $0x1, v0, vm0, $0x4038;
	[tilespmem:$0x1200] =	vst v63  }
.LBB2_1:
0x19: {  	v0 =	vld.msk [tilespmem:s5+$0x0 ss:$0x1], $0xffff;
	s4 =	sadd.s32 $0x10, s4  }
0x1a: {  	p1 =	slt.u32 s4, $0x3F0;
	_ =	sdelay $0x4  }
0x1b: {  	v0 =	vmin.u32 v0, $0x2000  }
.Ltmp0:
0x1c: {  	(pc) =	sbr.rel @p1 .LBB2_1-.Ltmp0, $3  }
0x1d: {  	_ =	sdelay $0x1  }
0x1e: {  	s5 =	sadd.s32 $0x10, s5;
	s3 =	sadd.s32 $0x10, s3  }
0x1f: {  	[spmem:s2] =	stream.indirect_vreg.scatter.add.s32 [tilespmem:s3], [sflag:$0x1], $0x1, v0, vm0, $0x4038;
	[tilespmem:$0x1200] =	vst v63  }
0x20: {  	s2 =	simm.s32 $0x1  }
0x21: {  	_ =	swait.ge [sflag:s2], $0x400  }
0x22: {  	[sflag:s2] =	ssyncset.done $0x0  }
0x23: {  	[sflag:s2] =	ssyncadd.s32 $0xFFFFFC00  }
0x24: {  	_ =	sfence.sel $0x180000  }
0x25: {  	s3 =	simm.s32 $0x2;
	[bflag:$0x0] =	sbarrier.arrive $0xFFFF  }
0x26: {  	[sflag:s3] =	ssyncpa.u1 $0x1  }
0x27: {  	[sflag:s2] =	ssyncpa.u1 $0x1  }
0x28: {  	_ =	sfence.stream.spmem  }
0x29: {  	s31 =	simm.s32 $0x3D;
	[bflag:$0x0] =	sbarrier.arrive $0xFFFF  }
0x2a: {  	s2 =	simm.s32 @p0 $0x3D;
	[sflag:s31] =	ssyncpa.u1 $0x0  }
0x2b: {  	[sflag:s2] =	ssyncpa.u1 @p0 $0x1  }
0x2c: {  	[bflag:$0x0] =	sbarrier.arrive @p0 $0xFFFF  }
0x2d: {  	_ =	strace @p0 $0x9000004A  }
0x2e: {  	s3 =	simm.s32 @!p0 $0x1C3D;
	s2 =	simm.s32 @!p0 $0x0;
	[bflag:$0x2] =	sbarrier.arrive @p0 $0xFFFF  }
0x2f: {  	[hbm:s1], [sflag:s3] =	dma.local @!p0 [spmem:s2], $0x400  }
0x30: {  	s1 =	simm.s32 @!p0 $0x3D  }
0x31: {  	_ =	swait.ge @!p0 [sflag:s1], $0x400  }
0x32: {  	[sflag:s1] =	ssyncset.done @!p0 $0x0  }
0x33: {  	[sflag:s1] =	ssyncadd.s32 @!p0 $0xFFFFFC00  }
0x34: {  	[sflag:s1] =	ssyncpa.u1 @!p0 $0x1  }
0x35: {  	[bflag:$0x0] =	sbarrier.arrive @!p0 $0xFFFF  }
0x36: {  	_ =	strace @!p0 $0x9000004A  }
0x37: {  	s0 =	sadd.s32 @!p0 $0x100000, s0;
	[bflag:$0x2] =	sbarrier.arrive @!p0 $0xFFFF  }
0x38: {  	[sflag:s0] =	ssyncadd.tile.s32 @!p0 $0x1;
	_ =	shalt  }
.Lfunc_end2:
_tile_overlayer_lowered:
.L_overlay_start_2:
0x39: {  	(tag) =	ssettag $0x2  }
0x3a: {  	s0 =	rddreg [dreg:$0x0];
	s2 =	stileid.u32  }
0x3b: {  	s1 =	rddreg [dreg:$0x1];
	p0 =	sne.s32 s2, $0x0  }
0x3c: {  	s3 =	rddreg [dreg:$0x2];
	[bflag:$0x3] =	sbarrier.arrive $0xFFFF;
	s2 =	simm.s32 @!p0 $0x1C01  }
0x3d: {  	[timem:s3], [sflag:s2] =	dma.local @!p0 [hbm:s0], s1  }
0x3e: {  	s0 =	simm.s32 @!p0 $0x1  }
0x3f: {  	_ =	swait.ge @!p0 [sflag:s0], s1  }
0x40: {  	s1 =	ssub.s32 @!p0 $0x0, s1;
	[sflag:s0] =	ssyncset.done @!p0 $0x0  }
0x41: {  	[sflag:s0] =	ssyncadd.s32 @!p0 s1  }
0x42: {  	[bflag:$0x3] =	sbarrier.arrive $0xFFFF  }
0x43: {  	_ =	shalt  }

</sc_bundles>
